<compile_context>
chip_gen: v7x
topology: tpu7x:2x2x1
jax: 0.10.2.dev20260603
libtpu: 0.0.44.dev20260713+nightly
codegen_flags: <defaults>
</compile_context>

<pallas_src>
import functools

import jax
import jax.numpy as jnp
from jax import lax
from jax.experimental import pallas as pl
from jax.experimental.pallas import tpu as pltpu
from jax.experimental.pallas import tpu_sc as plsc

_L = 16
_NBUF = 4
_AHEAD = 3


@functools.lru_cache(maxsize=None)
def _make_scan(n_rows, n_cols, nc=2, ns=16, chunk_rows=4):
    nw = nc * ns
    rows_per_w = n_rows // nw
    n_chunks = rows_per_w // chunk_rows
    assert n_chunks % _NBUF == 0 and n_chunks >= 2 * _NBUF
    vregs_per_row = n_cols // _L
    mesh = plsc.VectorSubcoreMesh(core_axis_name="c", subcore_axis_name="s")

    @functools.partial(
        pl.kernel,
        out_type=jax.ShapeDtypeStruct((n_rows, n_cols), jnp.float32),
        mesh=mesh,
        scratch_types=(
            [pltpu.VMEM((chunk_rows, n_cols), jnp.float32)] * _NBUF
            + [pltpu.SemaphoreType.DMA] * (2 * _NBUF)
        ),
        compiler_params=pltpu.CompilerParams(needs_layout_passes=False),
    )
    def scan_k(x_hbm, out_hbm, *scratch):
        bufs = scratch[:_NBUF]
        lsems = scratch[_NBUF:2 * _NBUF]
        ssems = scratch[2 * _NBUF:]
        wid = lax.axis_index("s") * nc + lax.axis_index("c")
        row_base = wid * rows_per_w
        max_r0 = row_base + (n_chunks - 1) * chunk_rows
        idx15 = jnp.full((_L,), _L - 1, jnp.int32)

        def compute(buf):
            def row_body(r, _):
                def vec_body(j, carry):
                    o = j * _L
                    s = plsc.cumsum(buf[r, pl.ds(o, _L)])
                    buf[r, pl.ds(o, _L)] = s + carry
                    return carry + s.at[idx15].get(mode="promise_in_bounds")

                lax.fori_loop(0, vregs_per_row, vec_body,
                              jnp.zeros((_L,), jnp.float32), unroll=16)
                return 0

            lax.fori_loop(0, chunk_rows, row_body, 0)

        def wait_load(b):
            pltpu.make_async_copy(
                x_hbm.at[pl.ds(row_base, chunk_rows)], bufs[b],
                lsems[b]).wait()

        def wait_store(b):
            pltpu.make_async_copy(
                bufs[b], out_hbm.at[pl.ds(row_base, chunk_rows)],
                ssems[b]).wait()

        for b in range(_AHEAD):
            pltpu.async_copy(
                x_hbm.at[pl.ds(row_base + b * chunk_rows, chunk_rows)],
                bufs[b], lsems[b])

        def group_body(k, _):
            for b in range(_NBUF):
                r0 = row_base + (k * _NBUF + b) * chunk_rows
                wait_load(b)
                compute(bufs[b])
                pltpu.async_copy(bufs[b],
                                 out_hbm.at[pl.ds(r0, chunk_rows)], ssems[b])
                b2 = (b + _AHEAD) % _NBUF
                if b + _AHEAD >= _NBUF:
                    wait_store(b2)
                else:
                    @pl.when(k > 0)
                    def _():
                        wait_store(b2)
                nxt = jnp.minimum(r0 + _AHEAD * chunk_rows, max_r0)
                pltpu.async_copy(x_hbm.at[pl.ds(nxt, chunk_rows)],
                                 bufs[b2], lsems[b2])
            return 0

        lax.fori_loop(0, n_chunks // _NBUF, group_body, 0)

        for i in range(_AHEAD):
            wait_load((n_chunks + i) % _NBUF)
        for i in range(_NBUF - _AHEAD):
            wait_store((n_chunks - (_NBUF - _AHEAD) + i) % _NBUF)

    return scan_k


def kernel(x):
    n_rows, n_cols = x.shape
    scan_k = _make_scan(n_rows, n_cols)
    return scan_k(x)

# --- scband reference (transcript-rebuilt; emitter-appended) ---
"""Pipeline reference for scband-model-new-23656679866976 (READ-ONLY COPY).

The authoritative reference and input builder live on the scoring server;
editing this copy changes nothing except your own understanding.
"""

import jax, jax.numpy as jnp
import numpy as np

def setup_inputs(seed: int = 0) -> dict:
    key = jax.random.key(seed)
    x = jax.random.normal(key, (4096, 4096), dtype=jnp.float32)
    return {"x": x}

def reference(x):
    # Faithful translation of the CUDA tiled Blelloch scan: an inclusive
    # prefix sum along dim=1 of a 2D tensor.
    return jnp.cumsum(x, axis=1)

if __name__ == "__main__":
    import jax
    _d = setup_inputs()
    print(jax.jit(kernel)(*tuple(_d.values())))

</pallas_src>

<mosaic_0001>
#map = affine_map<(d0, d1) -> (0, 0)>
module attributes {stable_mosaic.version = 14 : i64} {
  func.func @scan_k(%arg0: i32, %arg1: i32, %arg2: memref<4096x4096xf32, #tpu.memory_space<hbm>>, %arg3: memref<4096x4096xf32, #tpu.memory_space<hbm>>, %arg4: memref<4x4096xf32, #tpu.memory_space<vmem>>, %arg5: memref<4x4096xf32, #tpu.memory_space<vmem>>, %arg6: memref<4x4096xf32, #tpu.memory_space<vmem>>, %arg7: memref<4x4096xf32, #tpu.memory_space<vmem>>, %arg8: memref<!tpu.dma_semaphore, #tpu.memory_space<semaphore_mem>>, %arg9: memref<!tpu.dma_semaphore, #tpu.memory_space<semaphore_mem>>, %arg10: memref<!tpu.dma_semaphore, #tpu.memory_space<semaphore_mem>>, %arg11: memref<!tpu.dma_semaphore, #tpu.memory_space<semaphore_mem>>, %arg12: memref<!tpu.dma_semaphore, #tpu.memory_space<semaphore_mem>>, %arg13: memref<!tpu.dma_semaphore, #tpu.memory_space<semaphore_mem>>, %arg14: memref<!tpu.dma_semaphore, #tpu.memory_space<semaphore_mem>>, %arg15: memref<!tpu.dma_semaphore, #tpu.memory_space<semaphore_mem>>) attributes {dimension_semantics = [#tpu.dimension_semantics<core_parallel>, #tpu.dimension_semantics<subcore_parallel>], iteration_bounds = array<i64: 2, 16>, scalar_prefetch = 0 : i64, scratch_operands = 12 : i64, tpu.core_type = #tpu.core_type<sc_vector_subcore>, window_params = [{transform_indices = #map}, {transform_indices = #map}]} {
    %mul3A = arith.constant 2 : i32
    %mul3A_0 = arith.muli %arg1, %mul3A : i32
    %add3A = arith.addi %mul3A_0, %arg0 : i32
    %mul3A_1 = arith.constant 128 : i32
    %mul3A_2 = arith.muli %add3A, %mul3A_1 : i32
    %add3A_3 = arith.constant 124 : i32
    %add3A_4 = arith.addi %mul3A_2, %add3A_3 : i32
    %broadcast_in_dim3A = arith.constant 15 : i32
    %broadcast_in_dim3A_5 = vector.broadcast %broadcast_in_dim3A : i32 to vector<16xi32>
    %add3A_6 = arith.constant 0 : i32
    %add3A_7 = arith.addi %mul3A_2, %add3A_6 : i32
    %dma_start3A = arith.constant 0 : i32
    %dma_start3A_8 = tpu.memref_slice %arg2[%add3A_7, %dma_start3A] : memref<4096x4096xf32, #tpu.memory_space<hbm>> -> memref<4x4096xf32, #tpu.memory_space<hbm>>
    %dma_start3A_9 = arith.constant 0 : i32
    %dma_start3A_10 = tpu.memref_slice %arg2[%add3A_7, %dma_start3A_9] : memref<4096x4096xf32, #tpu.memory_space<hbm>> -> memref<4x4096xf32, #tpu.memory_space<hbm>>
    tpu.enqueue_dma source(%dma_start3A_10 : memref<4x4096xf32, #tpu.memory_space<hbm>>) target(%arg4 : memref<4x4096xf32, #tpu.memory_space<vmem>>) target_semaphore(%arg8 : memref<!tpu.dma_semaphore, #tpu.memory_space<semaphore_mem>>)
    %add3A_11 = arith.constant 4 : i32
    %add3A_12 = arith.addi %mul3A_2, %add3A_11 : i32
    %dma_start3A_13 = arith.constant 0 : i32
    %dma_start3A_14 = tpu.memref_slice %arg2[%add3A_12, %dma_start3A_13] : memref<4096x4096xf32, #tpu.memory_space<hbm>> -> memref<4x4096xf32, #tpu.memory_space<hbm>>
    %dma_start3A_15 = arith.constant 0 : i32
    %dma_start3A_16 = tpu.memref_slice %arg2[%add3A_12, %dma_start3A_15] : memref<4096x4096xf32, #tpu.memory_space<hbm>> -> memref<4x4096xf32, #tpu.memory_space<hbm>>
    tpu.enqueue_dma source(%dma_start3A_16 : memref<4x4096xf32, #tpu.memory_space<hbm>>) target(%arg5 : memref<4x4096xf32, #tpu.memory_space<vmem>>) target_semaphore(%arg9 : memref<!tpu.dma_semaphore, #tpu.memory_space<semaphore_mem>>)
    %add3A_17 = arith.constant 8 : i32
    %add3A_18 = arith.addi %mul3A_2, %add3A_17 : i32
    %dma_start3A_19 = arith.constant 0 : i32
    %dma_start3A_20 = tpu.memref_slice %arg2[%add3A_18, %dma_start3A_19] : memref<4096x4096xf32, #tpu.memory_space<hbm>> -> memref<4x4096xf32, #tpu.memory_space<hbm>>
    %dma_start3A_21 = arith.constant 0 : i32
    %dma_start3A_22 = tpu.memref_slice %arg2[%add3A_18, %dma_start3A_21] : memref<4096x4096xf32, #tpu.memory_space<hbm>> -> memref<4x4096xf32, #tpu.memory_space<hbm>>
    tpu.enqueue_dma source(%dma_start3A_22 : memref<4x4096xf32, #tpu.memory_space<hbm>>) target(%arg6 : memref<4x4096xf32, #tpu.memory_space<vmem>>) target_semaphore(%arg10 : memref<!tpu.dma_semaphore, #tpu.memory_space<semaphore_mem>>)
    %scan3A = arith.constant 0 : i32
    %scan3A_23 = arith.constant 0 : i32
    %scan3A_24 = arith.constant 8 : i32
    %scan3A_25 = arith.addi %scan3A_23, %scan3A_24 : i32
    %scan3A_26 = arith.constant 1 : i32
    %scan3A_27 = scf.for %scan3A_44 = %scan3A_23 to %scan3A_25 step %scan3A_26 iter_args(%scan3A_45 = %scan3A) -> (i32)  : i32 {
      %mul3A_46 = arith.constant 4 : i32
      %mul3A_47 = arith.muli %scan3A_44, %mul3A_46 : i32
      %add3A_48 = arith.constant 0 : i32
      %add3A_49 = arith.addi %mul3A_47, %add3A_48 : i32
      %mul3A_50 = arith.constant 4 : i32
      %mul3A_51 = arith.muli %add3A_49, %mul3A_50 : i32
      %add3A_52 = arith.addi %mul3A_2, %mul3A_51 : i32
      %dma_wait3A_53 = arith.constant 0 : i32
      %dma_wait3A_54 = tpu.memref_slice %arg2[%mul3A_2, %dma_wait3A_53] : memref<4096x4096xf32, #tpu.memory_space<hbm>> -> memref<4x4096xf32, #tpu.memory_space<hbm>>
      %dma_wait3A_55 = arith.constant 0 : i32
      %dma_wait3A_56 = tpu.memref_slice %arg2[%mul3A_2, %dma_wait3A_55] : memref<4096x4096xf32, #tpu.memory_space<hbm>> -> memref<4x4096xf32, #tpu.memory_space<hbm>>
      tpu.wait_dma2 semaphore(%arg8 : memref<!tpu.dma_semaphore, #tpu.memory_space<semaphore_mem>>) src(%dma_wait3A_56 : memref<4x4096xf32, #tpu.memory_space<hbm>>) dst(%arg4 : memref<4x4096xf32, #tpu.memory_space<vmem>>)
      %scan3A_57 = arith.constant 0 : i32
      %scan3A_58 = arith.constant 0 : i32
      %scan3A_59 = arith.constant 4 : i32
      %scan3A_60 = arith.addi %scan3A_58, %scan3A_59 : i32
      %scan3A_61 = arith.constant 1 : i32
      %scan3A_62 = scf.for %scan3A_176 = %scan3A_58 to %scan3A_60 step %scan3A_61 iter_args(%scan3A_177 = %scan3A_57) -> (i32)  : i32 {
        %broadcast_in_dim3A_178 = arith.constant 0.000000e+00 : f32
        %broadcast_in_dim3A_179 = vector.broadcast %broadcast_in_dim3A_178 : f32 to vector<16xf32>
        %scan3A_180 = arith.constant 0 : i32
        %scan3A_181 = arith.constant 256 : i32
        %scan3A_182 = arith.addi %scan3A_180, %scan3A_181 : i32
        %scan3A_183 = arith.constant 16 : i32
        %scan3A_184 = scf.for %scan3A_187 = %scan3A_180 to %scan3A_182 step %scan3A_183 iter_args(%scan3A_188 = %broadcast_in_dim3A_179) -> (vector<16xf32>)  : i32 {
          %mul3A_189 = arith.constant 16 : i32
          %mul3A_190 = arith.muli %scan3A_187, %mul3A_189 : i32
          %get3A = arith.index_cast %scan3A_176 : i32 to index
          %get3A_191 = arith.index_cast %mul3A_190 : i32 to index
          %get3A_192 = tpu.vector_load %arg4[%get3A, %get3A_191] {strides = array<i32>} : memref<4x4096xf32, #tpu.memory_space<vmem>>, vector<16xf32>,
          %broadcast_in_dim3A_193 = arith.constant true
          %broadcast_in_dim3A_194 = vector.broadcast %broadcast_in_dim3A_193 : i1 to vector<16xi1>
          %masked_cumsum3A = tpu.scan <sum>, %get3A_192 masked %broadcast_in_dim3A_194 : vector<16xf32>, vector<16xi1> -> vector<16xf32>
          %add3A_195 = arith.addf %masked_cumsum3A, %scan3A_188 : vector<16xf32>
          %swap3A = arith.index_cast %scan3A_176 : i32 to index
          %swap3A_196 = arith.index_cast %mul3A_190 : i32 to index
          %swap3A_197 = tpu.vector_load %arg4[%swap3A, %swap3A_196] {strides = array<i32>} : memref<4x4096xf32, #tpu.memory_space<vmem>>, vector<16xf32>,
          tpu.vector_store %arg4[%swap3A, %swap3A_196], %add3A_195 {strides = array<i32>} : memref<4x4096xf32, #tpu.memory_space<vmem>>, vector<16xf32>,
          %lt3A = arith.constant 0 : i32
          %lt3A_198 = vector.broadcast %lt3A : i32 to vector<16xi32>
          %lt3A_199 = arith.cmpi slt, %broadcast_in_dim3A_5, %lt3A_198 : vector<16xi32>
          %add3A_200 = arith.constant 16 : i32
          %add3A_201 = vector.broadcast %add3A_200 : i32 to vector<16xi32>
          %add3A_202 = arith.addi %broadcast_in_dim3A_5, %add3A_201 : vector<16xi32>
          %select_n3A = arith.select %lt3A_199, %add3A_202, %broadcast_in_dim3A_5 : vector<16xi1>, vector<16xi32>
          %broadcast_in_dim3A_203 = vector.shape_cast %select_n3A : vector<16xi32> to vector<16x1xi32>
          %gather3A = vector.shape_cast %broadcast_in_dim3A_203 : vector<16x1xi32> to vector<16xi32>
          %gather3A_204 = tpu.dynamic_gather %masked_cumsum3A[%gather3A] in [0] : vector<16xf32>, vector<16xi32> -> vector<16xf32>
          %add3A_205 = arith.addf %scan3A_188, %gather3A_204 : vector<16xf32>
          %scan3A_206 = arith.constant 1 : i32
          %scan3A_207 = arith.addi %scan3A_187, %scan3A_206 : i32
          %mul3A_208 = arith.constant 16 : i32
          %mul3A_209 = arith.muli %scan3A_207, %mul3A_208 : i32
          %get3A_210 = arith.index_cast %scan3A_176 : i32 to index
          %get3A_211 = arith.index_cast %mul3A_209 : i32 to index
          %get3A_212 = tpu.vector_load %arg4[%get3A_210, %get3A_211] {strides = array<i32>} : memref<4x4096xf32, #tpu.memory_space<vmem>>, vector<16xf32>,
          %broadcast_in_dim3A_213 = arith.constant true
          %broadcast_in_dim3A_214 = vector.broadcast %broadcast_in_dim3A_213 : i1 to vector<16xi1>
          %masked_cumsum3A_215 = tpu.scan <sum>, %get3A_212 masked %broadcast_in_dim3A_214 : vector<16xf32>, vector<16xi1> -> vector<16xf32>
          %add3A_216 = arith.addf %masked_cumsum3A_215, %add3A_205 : vector<16xf32>
          %swap3A_217 = arith.index_cast %scan3A_176 : i32 to index
          %swap3A_218 = arith.index_cast %mul3A_209 : i32 to index
          %swap3A_219 = tpu.vector_load %arg4[%swap3A_217, %swap3A_218] {strides = array<i32>} : memref<4x4096xf32, #tpu.memory_space<vmem>>, vector<16xf32>,
          tpu.vector_store %arg4[%swap3A_217, %swap3A_218], %add3A_216 {strides = array<i32>} : memref<4x4096xf32, #tpu.memory_space<vmem>>, vector<16xf32>,
          %lt3A_220 = arith.constant 0 : i32
          %lt3A_221 = vector.broadcast %lt3A_220 : i32 to vector<16xi32>
          %lt3A_222 = arith.cmpi slt, %broadcast_in_dim3A_5, %lt3A_221 : vector<16xi32>
          %add3A_223 = arith.constant 16 : i32
          %add3A_224 = vector.broadcast %add3A_223 : i32 to vector<16xi32>
          %add3A_225 = arith.addi %broadcast_in_dim3A_5, %add3A_224 : vector<16xi32>
          %select_n3A_226 = arith.select %lt3A_222, %add3A_225, %broadcast_in_dim3A_5 : vector<16xi1>, vector<16xi32>
          %broadcast_in_dim3A_227 = vector.shape_cast %select_n3A_226 : vector<16xi32> to vector<16x1xi32>
          %gather3A_228 = vector.shape_cast %broadcast_in_dim3A_227 : vector<16x1xi32> to vector<16xi32>
          %gather3A_229 = tpu.dynamic_gather %masked_cumsum3A_215[%gather3A_228] in [0] : vector<16xf32>, vector<16xi32> -> vector<16xf32>
          %add3A_230 = arith.addf %add3A_205, %gather3A_229 : vector<16xf32>
          %scan3A_231 = arith.constant 2 : i32
          %scan3A_232 = arith.addi %scan3A_187, %scan3A_231 : i32
          %mul3A_233 = arith.constant 16 : i32
          %mul3A_234 = arith.muli %scan3A_232, %mul3A_233 : i32
          %get3A_235 = arith.index_cast %scan3A_176 : i32 to index
          %get3A_236 = arith.index_cast %mul3A_234 : i32 to index
          %get3A_237 = tpu.vector_load %arg4[%get3A_235, %get3A_236] {strides = array<i32>} : memref<4x4096xf32, #tpu.memory_space<vmem>>, vector<16xf32>,
          %broadcast_in_dim3A_238 = arith.constant true
          %broadcast_in_dim3A_239 = vector.broadcast %broadcast_in_dim3A_238 : i1 to vector<16xi1>
          %masked_cumsum3A_240 = tpu.scan <sum>, %get3A_237 masked %broadcast_in_dim3A_239 : vector<16xf32>, vector<16xi1> -> vector<16xf32>
          %add3A_241 = arith.addf %masked_cumsum3A_240, %add3A_230 : vector<16xf32>
          %swap3A_242 = arith.index_cast %scan3A_176 : i32 to index
          %swap3A_243 = arith.index_cast %mul3A_234 : i32 to index
          %swap3A_244 = tpu.vector_load %arg4[%swap3A_242, %swap3A_243] {strides = array<i32>} : memref<4x4096xf32, #tpu.memory_space<vmem>>, vector<16xf32>,
          tpu.vector_store %arg4[%swap3A_242, %swap3A_243], %add3A_241 {strides = array<i32>} : memref<4x4096xf32, #tpu.memory_space<vmem>>, vector<16xf32>,
          %lt3A_245 = arith.constant 0 : i32
          %lt3A_246 = vector.broadcast %lt3A_245 : i32 to vector<16xi32>
          %lt3A_247 = arith.cmpi slt, %broadcast_in_dim3A_5, %lt3A_246 : vector<16xi32>
          %add3A_248 = arith.constant 16 : i32
          %add3A_249 = vector.broadcast %add3A_248 : i32 to vector<16xi32>
          %add3A_250 = arith.addi %broadcast_in_dim3A_5, %add3A_249 : vector<16xi32>
          %select_n3A_251 = arith.select %lt3A_247, %add3A_250, %broadcast_in_dim3A_5 : vector<16xi1>, vector<16xi32>
          %broadcast_in_dim3A_252 = vector.shape_cast %select_n3A_251 : vector<16xi32> to vector<16x1xi32>
          %gather3A_253 = vector.shape_cast %broadcast_in_dim3A_252 : vector<16x1xi32> to vector<16xi32>
          %gather3A_254 = tpu.dynamic_gather %masked_cumsum3A_240[%gather3A_253] in [0] : vector<16xf32>, vector<16xi32> -> vector<16xf32>
          %add3A_255 = arith.addf %add3A_230, %gather3A_254 : vector<16xf32>
          %scan3A_256 = arith.constant 3 : i32
          %scan3A_257 = arith.addi %scan3A_187, %scan3A_256 : i32
          %mul3A_258 = arith.constant 16 : i32
          %mul3A_259 = arith.muli %scan3A_257, %mul3A_258 : i32
          %get3A_260 = arith.index_cast %scan3A_176 : i32 to index
          %get3A_261 = arith.index_cast %mul3A_259 : i32 to index
          %get3A_262 = tpu.vector_load %arg4[%get3A_260, %get3A_261] {strides = array<i32>} : memref<4x4096xf32, #tpu.memory_space<vmem>>, vector<16xf32>,
          %broadcast_in_dim3A_263 = arith.constant true
          %broadcast_in_dim3A_264 = vector.broadcast %broadcast_in_dim3A_263 : i1 to vector<16xi1>
          %masked_cumsum3A_265 = tpu.scan <sum>, %get3A_262 masked %broadcast_in_dim3A_264 : vector<16xf32>, vector<16xi1> -> vector<16xf32>
          %add3A_266 = arith.addf %masked_cumsum3A_265, %add3A_255 : vector<16xf32>
          %swap3A_267 = arith.index_cast %scan3A_176 : i32 to index
          %swap3A_268 = arith.index_cast %mul3A_259 : i32 to index
          %swap3A_269 = tpu.vector_load %arg4[%swap3A_267, %swap3A_268] {strides = array<i32>} : memref<4x4096xf32, #tpu.memory_space<vmem>>, vector<16xf32>,
          tpu.vector_store %arg4[%swap3A_267, %swap3A_268], %add3A_266 {strides = array<i32>} : memref<4x4096xf32, #tpu.memory_space<vmem>>, vector<16xf32>,
          %lt3A_270 = arith.constant 0 : i32
          %lt3A_271 = vector.broadcast %lt3A_270 : i32 to vector<16xi32>
          %lt3A_272 = arith.cmpi slt, %broadcast_in_dim3A_5, %lt3A_271 : vector<16xi32>
          %add3A_273 = arith.constant 16 : i32
          %add3A_274 = vector.broadcast %add3A_273 : i32 to vector<16xi32>
          %add3A_275 = arith.addi %broadcast_in_dim3A_5, %add3A_274 : vector<16xi32>
          %select_n3A_276 = arith.select %lt3A_272, %add3A_275, %broadcast_in_dim3A_5 : vector<16xi1>, vector<16xi32>
          %broadcast_in_dim3A_277 = vector.shape_cast %select_n3A_276 : vector<16xi32> to vector<16x1xi32>
          %gather3A_278 = vector.shape_cast %broadcast_in_dim3A_277 : vector<16x1xi32> to vector<16xi32>
          %gather3A_279 = tpu.dynamic_gather %masked_cumsum3A_265[%gather3A_278] in [0] : vector<16xf32>, vector<16xi32> -> vector<16xf32>
          %add3A_280 = arith.addf %add3A_255, %gather3A_279 : vector<16xf32>
          %scan3A_281 = arith.constant 4 : i32
          %scan3A_282 = arith.addi %scan3A_187, %scan3A_281 : i32
          %mul3A_283 = arith.constant 16 : i32
          %mul3A_284 = arith.muli %scan3A_282, %mul3A_283 : i32
          %get3A_285 = arith.index_cast %scan3A_176 : i32 to index
          %get3A_286 = arith.index_cast %mul3A_284 : i32 to index
          %get3A_287 = tpu.vector_load %arg4[%get3A_285, %get3A_286] {strides = array<i32>} : memref<4x4096xf32, #tpu.memory_space<vmem>>, vector<16xf32>,
          %broadcast_in_dim3A_288 = arith.constant true
          %broadcast_in_dim3A_289 = vector.broadcast %broadcast_in_dim3A_288 : i1 to vector<16xi1>
          %masked_cumsum3A_290 = tpu.scan <sum>, %get3A_287 masked %broadcast_in_dim3A_289 : vector<16xf32>, vector<16xi1> -> vector<16xf32>
          %add3A_291 = arith.addf %masked_cumsum3A_290, %add3A_280 : vector<16xf32>
          %swap3A_292 = arith.index_cast %scan3A_176 : i32 to index
          %swap3A_293 = arith.index_cast %mul3A_284 : i32 to index
          %swap3A_294 = tpu.vector_load %arg4[%swap3A_292, %swap3A_293] {strides = array<i32>} : memref<4x4096xf32, #tpu.memory_space<vmem>>, vector<16xf32>,
          tpu.vector_store %arg4[%swap3A_292, %swap3A_293], %add3A_291 {strides = array<i32>} : memref<4x4096xf32, #tpu.memory_space<vmem>>, vector<16xf32>,
          %lt3A_295 = arith.constant 0 : i32
          %lt3A_296 = vector.broadcast %lt3A_295 : i32 to vector<16xi32>
          %lt3A_297 = arith.cmpi slt, %broadcast_in_dim3A_5, %lt3A_296 : vector<16xi32>
          %add3A_298 = arith.constant 16 : i32
          %add3A_299 = vector.broadcast %add3A_298 : i32 to vector<16xi32>
          %add3A_300 = arith.addi %broadcast_in_dim3A_5, %add3A_299 : vector<16xi32>
          %select_n3A_301 = arith.select %lt3A_297, %add3A_300, %broadcast_in_dim3A_5 : vector<16xi1>, vector<16xi32>
          %broadcast_in_dim3A_302 = vector.shape_cast %select_n3A_301 : vector<16xi32> to vector<16x1xi32>
          %gather3A_303 = vector.shape_cast %broadcast_in_dim3A_302 : vector<16x1xi32> to vector<16xi32>
          %gather3A_304 = tpu.dynamic_gather %masked_cumsum3A_290[%gather3A_303] in [0] : vector<16xf32>, vector<16xi32> -> vector<16xf32>
          %add3A_305 = arith.addf %add3A_280, %gather3A_304 : vector<16xf32>
          %scan3A_306 = arith.constant 5 : i32
          %scan3A_307 = arith.addi %scan3A_187, %scan3A_306 : i32
          %mul3A_308 = arith.constant 16 : i32
          %mul3A_309 = arith.muli %scan3A_307, %mul3A_308 : i32
          %get3A_310 = arith.index_cast %scan3A_176 : i32 to index
          %get3A_311 = arith.index_cast %mul3A_309 : i32 to index
          %get3A_312 = tpu.vector_load %arg4[%get3A_310, %get3A_311] {strides = array<i32>} : memref<4x4096xf32, #tpu.memory_space<vmem>>, vector<16xf32>,
          %broadcast_in_dim3A_313 = arith.constant true
          %broadcast_in_dim3A_314 = vector.broadcast %broadcast_in_dim3A_313 : i1 to vector<16xi1>
          %masked_cumsum3A_315 = tpu.scan <sum>, %get3A_312 masked %broadcast_in_dim3A_314 : vector<16xf32>, vector<16xi1> -> vector<16xf32>
          %add3A_316 = arith.addf %masked_cumsum3A_315, %add3A_305 : vector<16xf32>
          %swap3A_317 = arith.index_cast %scan3A_176 : i32 to index
          %swap3A_318 = arith.index_cast %mul3A_309 : i32 to index
          %swap3A_319 = tpu.vector_load %arg4[%swap3A_317, %swap3A_318] {strides = array<i32>} : memref<4x4096xf32, #tpu.memory_space<vmem>>, vector<16xf32>,
          tpu.vector_store %arg4[%swap3A_317, %swap3A_318], %add3A_316 {strides = array<i32>} : memref<4x4096xf32, #tpu.memory_space<vmem>>, vector<16xf32>,
          %lt3A_320 = arith.constant 0 : i32
          %lt3A_321 = vector.broadcast %lt3A_320 : i32 to vector<16xi32>
          %lt3A_322 = arith.cmpi slt, %broadcast_in_dim3A_5, %lt3A_321 : vector<16xi32>
          %add3A_323 = arith.constant 16 : i32
          %add3A_324 = vector.broadcast %add3A_323 : i32 to vector<16xi32>
          %add3A_325 = arith.addi %broadcast_in_dim3A_5, %add3A_324 : vector<16xi32>
          %select_n3A_326 = arith.select %lt3A_322, %add3A_325, %broadcast_in_dim3A_5 : vector<16xi1>, vector<16xi32>
          %broadcast_in_dim3A_327 = vector.shape_cast %select_n3A_326 : vector<16xi32> to vector<16x1xi32>
          %gather3A_328 = vector.shape_cast %broadcast_in_dim3A_327 : vector<16x1xi32> to vector<16xi32>
          %gather3A_329 = tpu.dynamic_gather %masked_cumsum3A_315[%gather3A_328] in [0] : vector<16xf32>, vector<16xi32> -> vector<16xf32>
          %add3A_330 = arith.addf %add3A_305, %gather3A_329 : vector<16xf32>
          %scan3A_331 = arith.constant 6 : i32
          %scan3A_332 = arith.addi %scan3A_187, %scan3A_331 : i32
          %mul3A_333 = arith.constant 16 : i32
          %mul3A_334 = arith.muli %scan3A_332, %mul3A_333 : i32
          %get3A_335 = arith.index_cast %scan3A_176 : i32 to index
          %get3A_336 = arith.index_cast %mul3A_334 : i32 to index
          %get3A_337 = tpu.vector_load %arg4[%get3A_335, %get3A_336] {strides = array<i32>} : memref<4x4096xf32, #tpu.memory_space<vmem>>, vector<16xf32>,
          %broadcast_in_dim3A_338 = arith.constant true
          %broadcast_in_dim3A_339 = vector.broadcast %broadcast_in_dim3A_338 : i1 to vector<16xi1>
          %masked_cumsum3A_340 = tpu.scan <sum>, %get3A_337 masked %broadcast_in_dim3A_339 : vector<16xf32>, vector<16xi1> -> vector<16xf32>
          %add3A_341 = arith.addf %masked_cumsum3A_340, %add3A_330 : vector<16xf32>
          %swap3A_342 = arith.index_cast %scan3A_176 : i32 to index
          %swap3A_343 = arith.index_cast %mul3A_334 : i32 to index
          %swap3A_344 = tpu.vector_load %arg4[%swap3A_342, %swap3A_343] {strides = array<i32>} : memref<4x4096xf32, #tpu.memory_space<vmem>>, vector<16xf32>,
          tpu.vector_store %arg4[%swap3A_342, %swap3A_343], %add3A_341 {strides = array<i32>} : memref<4x4096xf32, #tpu.memory_space<vmem>>, vector<16xf32>,
          %lt3A_345 = arith.constant 0 : i32
          %lt3A_346 = vector.broadcast %lt3A_345 : i32 to vector<16xi32>
          %lt3A_347 = arith.cmpi slt, %broadcast_in_dim3A_5, %lt3A_346 : vector<16xi32>
          %add3A_348 = arith.constant 16 : i32
          %add3A_349 = vector.broadcast %add3A_348 : i32 to vector<16xi32>
          %add3A_350 = arith.addi %broadcast_in_dim3A_5, %add3A_349 : vector<16xi32>
          %select_n3A_351 = arith.select %lt3A_347, %add3A_350, %broadcast_in_dim3A_5 : vector<16xi1>, vector<16xi32>
          %broadcast_in_dim3A_352 = vector.shape_cast %select_n3A_351 : vector<16xi32> to vector<16x1xi32>
          %gather3A_353 = vector.shape_cast %broadcast_in_dim3A_352 : vector<16x1xi32> to vector<16xi32>
          %gather3A_354 = tpu.dynamic_gather %masked_cumsum3A_340[%gather3A_353] in [0] : vector<16xf32>, vector<16xi32> -> vector<16xf32>
          %add3A_355 = arith.addf %add3A_330, %gather3A_354 : vector<16xf32>
          %scan3A_356 = arith.constant 7 : i32
          %scan3A_357 = arith.addi %scan3A_187, %scan3A_356 : i32
          %mul3A_358 = arith.constant 16 : i32
          %mul3A_359 = arith.muli %scan3A_357, %mul3A_358 : i32
          %get3A_360 = arith.index_cast %scan3A_176 : i32 to index
          %get3A_361 = arith.index_cast %mul3A_359 : i32 to index
          %get3A_362 = tpu.vector_load %arg4[%get3A_360, %get3A_361] {strides = array<i32>} : memref<4x4096xf32, #tpu.memory_space<vmem>>, vector<16xf32>,
          %broadcast_in_dim3A_363 = arith.constant true
          %broadcast_in_dim3A_364 = vector.broadcast %broadcast_in_dim3A_363 : i1 to vector<16xi1>
          %masked_cumsum3A_365 = tpu.scan <sum>, %get3A_362 masked %broadcast_in_dim3A_364 : vector<16xf32>, vector<16xi1> -> vector<16xf32>
          %add3A_366 = arith.addf %masked_cumsum3A_365, %add3A_355 : vector<16xf32>
          %swap3A_367 = arith.index_cast %scan3A_176 : i32 to index
          %swap3A_368 = arith.index_cast %mul3A_359 : i32 to index
          %swap3A_369 = tpu.vector_load %arg4[%swap3A_367, %swap3A_368] {strides = array<i32>} : memref<4x4096xf32, #tpu.memory_space<vmem>>, vector<16xf32>,
          tpu.vector_store %arg4[%swap3A_367, %swap3A_368], %add3A_366 {strides = array<i32>} : memref<4x4096xf32, #tpu.memory_space<vmem>>, vector<16xf32>,
          %lt3A_370 = arith.constant 0 : i32
          %lt3A_371 = vector.broadcast %lt3A_370 : i32 to vector<16xi32>
          %lt3A_372 = arith.cmpi slt, %broadcast_in_dim3A_5, %lt3A_371 : vector<16xi32>
          %add3A_373 = arith.constant 16 : i32
          %add3A_374 = vector.broadcast %add3A_373 : i32 to vector<16xi32>
          %add3A_375 = arith.addi %broadcast_in_dim3A_5, %add3A_374 : vector<16xi32>
          %select_n3A_376 = arith.select %lt3A_372, %add3A_375, %broadcast_in_dim3A_5 : vector<16xi1>, vector<16xi32>
          %broadcast_in_dim3A_377 = vector.shape_cast %select_n3A_376 : vector<16xi32> to vector<16x1xi32>
          %gather3A_378 = vector.shape_cast %broadcast_in_dim3A_377 : vector<16x1xi32> to vector<16xi32>
          %gather3A_379 = tpu.dynamic_gather %masked_cumsum3A_365[%gather3A_378] in [0] : vector<16xf32>, vector<16xi32> -> vector<16xf32>
          %add3A_380 = arith.addf %add3A_355, %gather3A_379 : vector<16xf32>
          %scan3A_381 = arith.constant 8 : i32
          %scan3A_382 = arith.addi %scan3A_187, %scan3A_381 : i32
          %mul3A_383 = arith.constant 16 : i32
          %mul3A_384 = arith.muli %scan3A_382, %mul3A_383 : i32
          %get3A_385 = arith.index_cast %scan3A_176 : i32 to index
          %get3A_386 = arith.index_cast %mul3A_384 : i32 to index
          %get3A_387 = tpu.vector_load %arg4[%get3A_385, %get3A_386] {strides = array<i32>} : memref<4x4096xf32, #tpu.memory_space<vmem>>, vector<16xf32>,
          %broadcast_in_dim3A_388 = arith.constant true
          %broadcast_in_dim3A_389 = vector.broadcast %broadcast_in_dim3A_388 : i1 to vector<16xi1>
          %masked_cumsum3A_390 = tpu.scan <sum>, %get3A_387 masked %broadcast_in_dim3A_389 : vector<16xf32>, vector<16xi1> -> vector<16xf32>
          %add3A_391 = arith.addf %masked_cumsum3A_390, %add3A_380 : vector<16xf32>
          %swap3A_392 = arith.index_cast %scan3A_176 : i32 to index
          %swap3A_393 = arith.index_cast %mul3A_384 : i32 to index
          %swap3A_394 = tpu.vector_load %arg4[%swap3A_392, %swap3A_393] {strides = array<i32>} : memref<4x4096xf32, #tpu.memory_space<vmem>>, vector<16xf32>,
          tpu.vector_store %arg4[%swap3A_392, %swap3A_393], %add3A_391 {strides = array<i32>} : memref<4x4096xf32, #tpu.memory_space<vmem>>, vector<16xf32>,
          %lt3A_395 = arith.constant 0 : i32
          %lt3A_396 = vector.broadcast %lt3A_395 : i32 to vector<16xi32>
          %lt3A_397 = arith.cmpi slt, %broadcast_in_dim3A_5, %lt3A_396 : vector<16xi32>
          %add3A_398 = arith.constant 16 : i32
          %add3A_399 = vector.broadcast %add3A_398 : i32 to vector<16xi32>
          %add3A_400 = arith.addi %broadcast_in_dim3A_5, %add3A_399 : vector<16xi32>
          %select_n3A_401 = arith.select %lt3A_397, %add3A_400, %broadcast_in_dim3A_5 : vector<16xi1>, vector<16xi32>
          %broadcast_in_dim3A_402 = vector.shape_cast %select_n3A_401 : vector<16xi32> to vector<16x1xi32>
          %gather3A_403 = vector.shape_cast %broadcast_in_dim3A_402 : vector<16x1xi32> to vector<16xi32>
          %gather3A_404 = tpu.dynamic_gather %masked_cumsum3A_390[%gather3A_403] in [0] : vector<16xf32>, vector<16xi32> -> vector<16xf32>
          %add3A_405 = arith.addf %add3A_380, %gather3A_404 : vector<16xf32>
          %scan3A_406 = arith.constant 9 : i32
          %scan3A_407 = arith.addi %scan3A_187, %scan3A_406 : i32
          %mul3A_408 = arith.constant 16 : i32
          %mul3A_409 = arith.muli %scan3A_407, %mul3A_408 : i32
          %get3A_410 = arith.index_cast %scan3A_176 : i32 to index
          %get3A_411 = arith.index_cast %mul3A_409 : i32 to index
          %get3A_412 = tpu.vector_load %arg4[%get3A_410, %get3A_411] {strides = array<i32>} : memref<4x4096xf32, #tpu.memory_space<vmem>>, vector<16xf32>,
          %broadcast_in_dim3A_413 = arith.constant true
          %broadcast_in_dim3A_414 = vector.broadcast %broadcast_in_dim3A_413 : i1 to vector<16xi1>
          %masked_cumsum3A_415 = tpu.scan <sum>, %get3A_412 masked %broadcast_in_dim3A_414 : vector<16xf32>, vector<16xi1> -> vector<16xf32>
          %add3A_416 = arith.addf %masked_cumsum3A_415, %add3A_405 : vector<16xf32>
          %swap3A_417 = arith.index_cast %scan3A_176 : i32 to index
          %swap3A_418 = arith.index_cast %mul3A_409 : i32 to index
          %swap3A_419 = tpu.vector_load %arg4[%swap3A_417, %swap3A_418] {strides = array<i32>} : memref<4x4096xf32, #tpu.memory_space<vmem>>, vector<16xf32>,
          tpu.vector_store %arg4[%swap3A_417, %swap3A_418], %add3A_416 {strides = array<i32>} : memref<4x4096xf32, #tpu.memory_space<vmem>>, vector<16xf32>,
          %lt3A_420 = arith.constant 0 : i32
          %lt3A_421 = vector.broadcast %lt3A_420 : i32 to vector<16xi32>
          %lt3A_422 = arith.cmpi slt, %broadcast_in_dim3A_5, %lt3A_421 : vector<16xi32>
          %add3A_423 = arith.constant 16 : i32
          %add3A_424 = vector.broadcast %add3A_423 : i32 to vector<16xi32>
          %add3A_425 = arith.addi %broadcast_in_dim3A_5, %add3A_424 : vector<16xi32>
          %select_n3A_426 = arith.select %lt3A_422, %add3A_425, %broadcast_in_dim3A_5 : vector<16xi1>, vector<16xi32>
          %broadcast_in_dim3A_427 = vector.shape_cast %select_n3A_426 : vector<16xi32> to vector<16x1xi32>
          %gather3A_428 = vector.shape_cast %broadcast_in_dim3A_427 : vector<16x1xi32> to vector<16xi32>
          %gather3A_429 = tpu.dynamic_gather %masked_cumsum3A_415[%gather3A_428] in [0] : vector<16xf32>, vector<16xi32> -> vector<16xf32>
          %add3A_430 = arith.addf %add3A_405, %gather3A_429 : vector<16xf32>
          %scan3A_431 = arith.constant 10 : i32
          %scan3A_432 = arith.addi %scan3A_187, %scan3A_431 : i32
          %mul3A_433 = arith.constant 16 : i32
          %mul3A_434 = arith.muli %scan3A_432, %mul3A_433 : i32
          %get3A_435 = arith.index_cast %scan3A_176 : i32 to index
          %get3A_436 = arith.index_cast %mul3A_434 : i32 to index
          %get3A_437 = tpu.vector_load %arg4[%get3A_435, %get3A_436] {strides = array<i32>} : memref<4x4096xf32, #tpu.memory_space<vmem>>, vector<16xf32>,
          %broadcast_in_dim3A_438 = arith.constant true
          %broadcast_in_dim3A_439 = vector.broadcast %broadcast_in_dim3A_438 : i1 to vector<16xi1>
          %masked_cumsum3A_440 = tpu.scan <sum>, %get3A_437 masked %broadcast_in_dim3A_439 : vector<16xf32>, vector<16xi1> -> vector<16xf32>
          %add3A_441 = arith.addf %masked_cumsum3A_440, %add3A_430 : vector<16xf32>
          %swap3A_442 = arith.index_cast %scan3A_176 : i32 to index
          %swap3A_443 = arith.index_cast %mul3A_434 : i32 to index
          %swap3A_444 = tpu.vector_load %arg4[%swap3A_442, %swap3A_443] {strides = array<i32>} : memref<4x4096xf32, #tpu.memory_space<vmem>>, vector<16xf32>,
          tpu.vector_store %arg4[%swap3A_442, %swap3A_443], %add3A_441 {strides = array<i32>} : memref<4x4096xf32, #tpu.memory_space<vmem>>, vector<16xf32>,
          %lt3A_445 = arith.constant 0 : i32
          %lt3A_446 = vector.broadcast %lt3A_445 : i32 to vector<16xi32>
          %lt3A_447 = arith.cmpi slt, %broadcast_in_dim3A_5, %lt3A_446 : vector<16xi32>
          %add3A_448 = arith.constant 16 : i32
          %add3A_449 = vector.broadcast %add3A_448 : i32 to vector<16xi32>
          %add3A_450 = arith.addi %broadcast_in_dim3A_5, %add3A_449 : vector<16xi32>
          %select_n3A_451 = arith.select %lt3A_447, %add3A_450, %broadcast_in_dim3A_5 : vector<16xi1>, vector<16xi32>
          %broadcast_in_dim3A_452 = vector.shape_cast %select_n3A_451 : vector<16xi32> to vector<16x1xi32>
          %gather3A_453 = vector.shape_cast %broadcast_in_dim3A_452 : vector<16x1xi32> to vector<16xi32>
          %gather3A_454 = tpu.dynamic_gather %masked_cumsum3A_440[%gather3A_453] in [0] : vector<16xf32>, vector<16xi32> -> vector<16xf32>
          %add3A_455 = arith.addf %add3A_430, %gather3A_454 : vector<16xf32>
          %scan3A_456 = arith.constant 11 : i32
          %scan3A_457 = arith.addi %scan3A_187, %scan3A_456 : i32
          %mul3A_458 = arith.constant 16 : i32
          %mul3A_459 = arith.muli %scan3A_457, %mul3A_458 : i32
          %get3A_460 = arith.index_cast %scan3A_176 : i32 to index
          %get3A_461 = arith.index_cast %mul3A_459 : i32 to index
          %get3A_462 = tpu.vector_load %arg4[%get3A_460, %get3A_461] {strides = array<i32>} : memref<4x4096xf32, #tpu.memory_space<vmem>>, vector<16xf32>,
          %broadcast_in_dim3A_463 = arith.constant true
          %broadcast_in_dim3A_464 = vector.broadcast %broadcast_in_dim3A_463 : i1 to vector<16xi1>
          %masked_cumsum3A_465 = tpu.scan <sum>, %get3A_462 masked %broadcast_in_dim3A_464 : vector<16xf32>, vector<16xi1> -> vector<16xf32>
          %add3A_466 = arith.addf %masked_cumsum3A_465, %add3A_455 : vector<16xf32>
          %swap3A_467 = arith.index_cast %scan3A_176 : i32 to index
          %swap3A_468 = arith.index_cast %mul3A_459 : i32 to index
          %swap3A_469 = tpu.vector_load %arg4[%swap3A_467, %swap3A_468] {strides = array<i32>} : memref<4x4096xf32, #tpu.memory_space<vmem>>, vector<16xf32>,
          tpu.vector_store %arg4[%swap3A_467, %swap3A_468], %add3A_466 {strides = array<i32>} : memref<4x4096xf32, #tpu.memory_space<vmem>>, vector<16xf32>,
          %lt3A_470 = arith.constant 0 : i32
          %lt3A_471 = vector.broadcast %lt3A_470 : i32 to vector<16xi32>
          %lt3A_472 = arith.cmpi slt, %broadcast_in_dim3A_5, %lt3A_471 : vector<16xi32>
          %add3A_473 = arith.constant 16 : i32
          %add3A_474 = vector.broadcast %add3A_473 : i32 to vector<16xi32>
          %add3A_475 = arith.addi %broadcast_in_dim3A_5, %add3A_474 : vector<16xi32>
          %select_n3A_476 = arith.select %lt3A_472, %add3A_475, %broadcast_in_dim3A_5 : vector<16xi1>, vector<16xi32>
          %broadcast_in_dim3A_477 = vector.shape_cast %select_n3A_476 : vector<16xi32> to vector<16x1xi32>
          %gather3A_478 = vector.shape_cast %broadcast_in_dim3A_477 : vector<16x1xi32> to vector<16xi32>
          %gather3A_479 = tpu.dynamic_gather %masked_cumsum3A_465[%gather3A_478] in [0] : vector<16xf32>, vector<16xi32> -> vector<16xf32>
          %add3A_480 = arith.addf %add3A_455, %gather3A_479 : vector<16xf32>
          %scan3A_481 = arith.constant 12 : i32
          %scan3A_482 = arith.addi %scan3A_187, %scan3A_481 : i32
          %mul3A_483 = arith.constant 16 : i32
          %mul3A_484 = arith.muli %scan3A_482, %mul3A_483 : i32
          %get3A_485 = arith.index_cast %scan3A_176 : i32 to index
          %get3A_486 = arith.index_cast %mul3A_484 : i32 to index
          %get3A_487 = tpu.vector_load %arg4[%get3A_485, %get3A_486] {strides = array<i32>} : memref<4x4096xf32, #tpu.memory_space<vmem>>, vector<16xf32>,
          %broadcast_in_dim3A_488 = arith.constant true
          %broadcast_in_dim3A_489 = vector.broadcast %broadcast_in_dim3A_488 : i1 to vector<16xi1>
          %masked_cumsum3A_490 = tpu.scan <sum>, %get3A_487 masked %broadcast_in_dim3A_489 : vector<16xf32>, vector<16xi1> -> vector<16xf32>
          %add3A_491 = arith.addf %masked_cumsum3A_490, %add3A_480 : vector<16xf32>
          %swap3A_492 = arith.index_cast %scan3A_176 : i32 to index
          %swap3A_493 = arith.index_cast %mul3A_484 : i32 to index
          %swap3A_494 = tpu.vector_load %arg4[%swap3A_492, %swap3A_493] {strides = array<i32>} : memref<4x4096xf32, #tpu.memory_space<vmem>>, vector<16xf32>,
          tpu.vector_store %arg4[%swap3A_492, %swap3A_493], %add3A_491 {strides = array<i32>} : memref<4x4096xf32, #tpu.memory_space<vmem>>, vector<16xf32>,
          %lt3A_495 = arith.constant 0 : i32
          %lt3A_496 = vector.broadcast %lt3A_495 : i32 to vector<16xi32>
          %lt3A_497 = arith.cmpi slt, %broadcast_in_dim3A_5, %lt3A_496 : vector<16xi32>
          %add3A_498 = arith.constant 16 : i32
          %add3A_499 = vector.broadcast %add3A_498 : i32 to vector<16xi32>
          %add3A_500 = arith.addi %broadcast_in_dim3A_5, %add3A_499 : vector<16xi32>
          %select_n3A_501 = arith.select %lt3A_497, %add3A_500, %broadcast_in_dim3A_5 : vector<16xi1>, vector<16xi32>
          %broadcast_in_dim3A_502 = vector.shape_cast %select_n3A_501 : vector<16xi32> to vector<16x1xi32>
          %gather3A_503 = vector.shape_cast %broadcast_in_dim3A_502 : vector<16x1xi32> to vector<16xi32>
          %gather3A_504 = tpu.dynamic_gather %masked_cumsum3A_490[%gather3A_503] in [0] : vector<16xf32>, vector<16xi32> -> vector<16xf32>
          %add3A_505 = arith.addf %add3A_480, %gather3A_504 : vector<16xf32>
          %scan3A_506 = arith.constant 13 : i32
          %scan3A_507 = arith.addi %scan3A_187, %scan3A_506 : i32
          %mul3A_508 = arith.constant 16 : i32
          %mul3A_509 = arith.muli %scan3A_507, %mul3A_508 : i32
          %get3A_510 = arith.index_cast %scan3A_176 : i32 to index
          %get3A_511 = arith.index_cast %mul3A_509 : i32 to index
          %get3A_512 = tpu.vector_load %arg4[%get3A_510, %get3A_511] {strides = array<i32>} : memref<4x4096xf32, #tpu.memory_space<vmem>>, vector<16xf32>,
          %broadcast_in_dim3A_513 = arith.constant true
          %broadcast_in_dim3A_514 = vector.broadcast %broadcast_in_dim3A_513 : i1 to vector<16xi1>
          %masked_cumsum3A_515 = tpu.scan <sum>, %get3A_512 masked %broadcast_in_dim3A_514 : vector<16xf32>, vector<16xi1> -> vector<16xf32>
          %add3A_516 = arith.addf %masked_cumsum3A_515, %add3A_505 : vector<16xf32>
          %swap3A_517 = arith.index_cast %scan3A_176 : i32 to index
          %swap3A_518 = arith.index_cast %mul3A_509 : i32 to index
          %swap3A_519 = tpu.vector_load %arg4[%swap3A_517, %swap3A_518] {strides = array<i32>} : memref<4x4096xf32, #tpu.memory_space<vmem>>, vector<16xf32>,
          tpu.vector_store %arg4[%swap3A_517, %swap3A_518], %add3A_516 {strides = array<i32>} : memref<4x4096xf32, #tpu.memory_space<vmem>>, vector<16xf32>,
          %lt3A_520 = arith.constant 0 : i32
          %lt3A_521 = vector.broadcast %lt3A_520 : i32 to vector<16xi32>
          %lt3A_522 = arith.cmpi slt, %broadcast_in_dim3A_5, %lt3A_521 : vector<16xi32>
          %add3A_523 = arith.constant 16 : i32
          %add3A_524 = vector.broadcast %add3A_523 : i32 to vector<16xi32>
          %add3A_525 = arith.addi %broadcast_in_dim3A_5, %add3A_524 : vector<16xi32>
          %select_n3A_526 = arith.select %lt3A_522, %add3A_525, %broadcast_in_dim3A_5 : vector<16xi1>, vector<16xi32>
          %broadcast_in_dim3A_527 = vector.shape_cast %select_n3A_526 : vector<16xi32> to vector<16x1xi32>
          %gather3A_528 = vector.shape_cast %broadcast_in_dim3A_527 : vector<16x1xi32> to vector<16xi32>
          %gather3A_529 = tpu.dynamic_gather %masked_cumsum3A_515[%gather3A_528] in [0] : vector<16xf32>, vector<16xi32> -> vector<16xf32>
          %add3A_530 = arith.addf %add3A_505, %gather3A_529 : vector<16xf32>
          %scan3A_531 = arith.constant 14 : i32
          %scan3A_532 = arith.addi %scan3A_187, %scan3A_531 : i32
          %mul3A_533 = arith.constant 16 : i32
          %mul3A_534 = arith.muli %scan3A_532, %mul3A_533 : i32
          %get3A_535 = arith.index_cast %scan3A_176 : i32 to index
          %get3A_536 = arith.index_cast %mul3A_534 : i32 to index
          %get3A_537 = tpu.vector_load %arg4[%get3A_535, %get3A_536] {strides = array<i32>} : memref<4x4096xf32, #tpu.memory_space<vmem>>, vector<16xf32>,
          %broadcast_in_dim3A_538 = arith.constant true
          %broadcast_in_dim3A_539 = vector.broadcast %broadcast_in_dim3A_538 : i1 to vector<16xi1>
          %masked_cumsum3A_540 = tpu.scan <sum>, %get3A_537 masked %broadcast_in_dim3A_539 : vector<16xf32>, vector<16xi1> -> vector<16xf32>
          %add3A_541 = arith.addf %masked_cumsum3A_540, %add3A_530 : vector<16xf32>
          %swap3A_542 = arith.index_cast %scan3A_176 : i32 to index
          %swap3A_543 = arith.index_cast %mul3A_534 : i32 to index
          %swap3A_544 = tpu.vector_load %arg4[%swap3A_542, %swap3A_543] {strides = array<i32>} : memref<4x4096xf32, #tpu.memory_space<vmem>>, vector<16xf32>,
          tpu.vector_store %arg4[%swap3A_542, %swap3A_543], %add3A_541 {strides = array<i32>} : memref<4x4096xf32, #tpu.memory_space<vmem>>, vector<16xf32>,
          %lt3A_545 = arith.constant 0 : i32
          %lt3A_546 = vector.broadcast %lt3A_545 : i32 to vector<16xi32>
          %lt3A_547 = arith.cmpi slt, %broadcast_in_dim3A_5, %lt3A_546 : vector<16xi32>
          %add3A_548 = arith.constant 16 : i32
          %add3A_549 = vector.broadcast %add3A_548 : i32 to vector<16xi32>
          %add3A_550 = arith.addi %broadcast_in_dim3A_5, %add3A_549 : vector<16xi32>
          %select_n3A_551 = arith.select %lt3A_547, %add3A_550, %broadcast_in_dim3A_5 : vector<16xi1>, vector<16xi32>
          %broadcast_in_dim3A_552 = vector.shape_cast %select_n3A_551 : vector<16xi32> to vector<16x1xi32>
          %gather3A_553 = vector.shape_cast %broadcast_in_dim3A_552 : vector<16x1xi32> to vector<16xi32>
          %gather3A_554 = tpu.dynamic_gather %masked_cumsum3A_540[%gather3A_553] in [0] : vector<16xf32>, vector<16xi32> -> vector<16xf32>
          %add3A_555 = arith.addf %add3A_530, %gather3A_554 : vector<16xf32>
          %scan3A_556 = arith.constant 15 : i32
          %scan3A_557 = arith.addi %scan3A_187, %scan3A_556 : i32
          %mul3A_558 = arith.constant 16 : i32
          %mul3A_559 = arith.muli %scan3A_557, %mul3A_558 : i32
          %get3A_560 = arith.index_cast %scan3A_176 : i32 to index
          %get3A_561 = arith.index_cast %mul3A_559 : i32 to index
          %get3A_562 = tpu.vector_load %arg4[%get3A_560, %get3A_561] {strides = array<i32>} : memref<4x4096xf32, #tpu.memory_space<vmem>>, vector<16xf32>,
          %broadcast_in_dim3A_563 = arith.constant true
          %broadcast_in_dim3A_564 = vector.broadcast %broadcast_in_dim3A_563 : i1 to vector<16xi1>
          %masked_cumsum3A_565 = tpu.scan <sum>, %get3A_562 masked %broadcast_in_dim3A_564 : vector<16xf32>, vector<16xi1> -> vector<16xf32>
          %add3A_566 = arith.addf %masked_cumsum3A_565, %add3A_555 : vector<16xf32>
          %swap3A_567 = arith.index_cast %scan3A_176 : i32 to index
          %swap3A_568 = arith.index_cast %mul3A_559 : i32 to index
          %swap3A_569 = tpu.vector_load %arg4[%swap3A_567, %swap3A_568] {strides = array<i32>} : memref<4x4096xf32, #tpu.memory_space<vmem>>, vector<16xf32>,
          tpu.vector_store %arg4[%swap3A_567, %swap3A_568], %add3A_566 {strides = array<i32>} : memref<4x4096xf32, #tpu.memory_space<vmem>>, vector<16xf32>,
          %lt3A_570 = arith.constant 0 : i32
          %lt3A_571 = vector.broadcast %lt3A_570 : i32 to vector<16xi32>
          %lt3A_572 = arith.cmpi slt, %broadcast_in_dim3A_5, %lt3A_571 : vector<16xi32>
          %add3A_573 = arith.constant 16 : i32
          %add3A_574 = vector.broadcast %add3A_573 : i32 to vector<16xi32>
          %add3A_575 = arith.addi %broadcast_in_dim3A_5, %add3A_574 : vector<16xi32>
          %select_n3A_576 = arith.select %lt3A_572, %add3A_575, %broadcast_in_dim3A_5 : vector<16xi1>, vector<16xi32>
          %broadcast_in_dim3A_577 = vector.shape_cast %select_n3A_576 : vector<16xi32> to vector<16x1xi32>
          %gather3A_578 = vector.shape_cast %broadcast_in_dim3A_577 : vector<16x1xi32> to vector<16xi32>
          %gather3A_579 = tpu.dynamic_gather %masked_cumsum3A_565[%gather3A_578] in [0] : vector<16xf32>, vector<16xi32> -> vector<16xf32>
          %add3A_580 = arith.addf %add3A_555, %gather3A_579 : vector<16xf32>
          scf.yield %add3A_580 : vector<16xf32>
        }
        %scan3A_185 = arith.constant 256 : i32
        %scan3A_186 = arith.constant 0 : i32
        scf.yield %scan3A_186 : i32
      }
      %scan3A_63 = arith.constant 4 : i32
      %dma_start3A_64 = arith.constant 0 : i32
      %dma_start3A_65 = tpu.memref_slice %arg3[%add3A_52, %dma_start3A_64] : memref<4096x4096xf32, #tpu.memory_space<hbm>> -> memref<4x4096xf32, #tpu.memory_space<hbm>>
      %dma_start3A_66 = arith.constant 0 : i32
      %dma_start3A_67 = tpu.memref_slice %arg3[%add3A_52, %dma_start3A_66] : memref<4096x4096xf32, #tpu.memory_space<hbm>> -> memref<4x4096xf32, #tpu.memory_space<hbm>>
      tpu.enqueue_dma source(%arg4 : memref<4x4096xf32, #tpu.memory_space<vmem>>) target(%dma_start3A_67 : memref<4x4096xf32, #tpu.memory_space<hbm>>) target_semaphore(%arg12 : memref<!tpu.dma_semaphore, #tpu.memory_space<semaphore_mem>>)
      %gt3A = arith.constant 0 : i32
      %gt3A_68 = arith.cmpi sgt, %scan3A_44, %gt3A : i32
      %convert_element_type3A = arith.extui %gt3A_68 : i1 to i32
      %cond3A = arith.constant 0 : i32
      %cond3A_69 = arith.cmpi ne, %convert_element_type3A, %cond3A : i32
      scf.if %cond3A_69 {
        %dma_wait3A_176 = arith.constant 0 : i32
        %dma_wait3A_177 = tpu.memref_slice %arg3[%mul3A_2, %dma_wait3A_176] : memref<4096x4096xf32, #tpu.memory_space<hbm>> -> memref<4x4096xf32, #tpu.memory_space<hbm>>
        %dma_wait3A_178 = arith.constant 0 : i32
        %dma_wait3A_179 = tpu.memref_slice %arg3[%mul3A_2, %dma_wait3A_178] : memref<4096x4096xf32, #tpu.memory_space<hbm>> -> memref<4x4096xf32, #tpu.memory_space<hbm>>
        tpu.wait_dma2 semaphore(%arg15 : memref<!tpu.dma_semaphore, #tpu.memory_space<semaphore_mem>>) src(%arg7 : memref<4x4096xf32, #tpu.memory_space<vmem>>) dst(%dma_wait3A_179 : memref<4x4096xf32, #tpu.memory_space<hbm>>)
      } else {
      }
      %add3A_70 = arith.constant 12 : i32
      %add3A_71 = arith.addi %add3A_52, %add3A_70 : i32
      %min3A = arith.minsi %add3A_71, %add3A_4 : i32
      %dma_start3A_72 = arith.constant 0 : i32
      %dma_start3A_73 = tpu.memref_slice %arg2[%min3A, %dma_start3A_72] : memref<4096x4096xf32, #tpu.memory_space<hbm>> -> memref<4x4096xf32, #tpu.memory_space<hbm>>
      %dma_start3A_74 = arith.constant 0 : i32
      %dma_start3A_75 = tpu.memref_slice %arg2[%min3A, %dma_start3A_74] : memref<4096x4096xf32, #tpu.memory_space<hbm>> -> memref<4x4096xf32, #tpu.memory_space<hbm>>
      tpu.enqueue_dma source(%dma_start3A_75 : memref<4x4096xf32, #tpu.memory_space<hbm>>) target(%arg7 : memref<4x4096xf32, #tpu.memory_space<vmem>>) target_semaphore(%arg11 : memref<!tpu.dma_semaphore, #tpu.memory_space<semaphore_mem>>)
      %mul3A_76 = arith.constant 4 : i32
      %mul3A_77 = arith.muli %scan3A_44, %mul3A_76 : i32
      %add3A_78 = arith.constant 1 : i32
      %add3A_79 = arith.addi %mul3A_77, %add3A_78 : i32
      %mul3A_80 = arith.constant 4 : i32
      %mul3A_81 = arith.muli %add3A_79, %mul3A_80 : i32
      %add3A_82 = arith.addi %mul3A_2, %mul3A_81 : i32
      %dma_wait3A_83 = arith.constant 0 : i32
      %dma_wait3A_84 = tpu.memref_slice %arg2[%mul3A_2, %dma_wait3A_83] : memref<4096x4096xf32, #tpu.memory_space<hbm>> -> memref<4x4096xf32, #tpu.memory_space<hbm>>
      %dma_wait3A_85 = arith.constant 0 : i32
      %dma_wait3A_86 = tpu.memref_slice %arg2[%mul3A_2, %dma_wait3A_85] : memref<4096x4096xf32, #tpu.memory_space<hbm>> -> memref<4x4096xf32, #tpu.memory_space<hbm>>
      tpu.wait_dma2 semaphore(%arg9 : memref<!tpu.dma_semaphore, #tpu.memory_space<semaphore_mem>>) src(%dma_wait3A_86 : memref<4x4096xf32, #tpu.memory_space<hbm>>) dst(%arg5 : memref<4x4096xf32, #tpu.memory_space<vmem>>)
      %scan3A_87 = arith.constant 0 : i32
      %scan3A_88 = arith.constant 0 : i32
      %scan3A_89 = arith.constant 4 : i32
      %scan3A_90 = arith.addi %scan3A_88, %scan3A_89 : i32
      %scan3A_91 = arith.constant 1 : i32
      %scan3A_92 = scf.for %scan3A_176 = %scan3A_88 to %scan3A_90 step %scan3A_91 iter_args(%scan3A_177 = %scan3A_87) -> (i32)  : i32 {
        %broadcast_in_dim3A_178 = arith.constant 0.000000e+00 : f32
        %broadcast_in_dim3A_179 = vector.broadcast %broadcast_in_dim3A_178 : f32 to vector<16xf32>
        %scan3A_180 = arith.constant 0 : i32
        %scan3A_181 = arith.constant 256 : i32
        %scan3A_182 = arith.addi %scan3A_180, %scan3A_181 : i32
        %scan3A_183 = arith.constant 16 : i32
        %scan3A_184 = scf.for %scan3A_187 = %scan3A_180 to %scan3A_182 step %scan3A_183 iter_args(%scan3A_188 = %broadcast_in_dim3A_179) -> (vector<16xf32>)  : i32 {
          %mul3A_189 = arith.constant 16 : i32
          %mul3A_190 = arith.muli %scan3A_187, %mul3A_189 : i32
          %get3A = arith.index_cast %scan3A_176 : i32 to index
          %get3A_191 = arith.index_cast %mul3A_190 : i32 to index
          %get3A_192 = tpu.vector_load %arg5[%get3A, %get3A_191] {strides = array<i32>} : memref<4x4096xf32, #tpu.memory_space<vmem>>, vector<16xf32>,
          %broadcast_in_dim3A_193 = arith.constant true
          %broadcast_in_dim3A_194 = vector.broadcast %broadcast_in_dim3A_193 : i1 to vector<16xi1>
          %masked_cumsum3A = tpu.scan <sum>, %get3A_192 masked %broadcast_in_dim3A_194 : vector<16xf32>, vector<16xi1> -> vector<16xf32>
          %add3A_195 = arith.addf %masked_cumsum3A, %scan3A_188 : vector<16xf32>
          %swap3A = arith.index_cast %scan3A_176 : i32 to index
          %swap3A_196 = arith.index_cast %mul3A_190 : i32 to index
          %swap3A_197 = tpu.vector_load %arg5[%swap3A, %swap3A_196] {strides = array<i32>} : memref<4x4096xf32, #tpu.memory_space<vmem>>, vector<16xf32>,
          tpu.vector_store %arg5[%swap3A, %swap3A_196], %add3A_195 {strides = array<i32>} : memref<4x4096xf32, #tpu.memory_space<vmem>>, vector<16xf32>,
          %lt3A = arith.constant 0 : i32
          %lt3A_198 = vector.broadcast %lt3A : i32 to vector<16xi32>
          %lt3A_199 = arith.cmpi slt, %broadcast_in_dim3A_5, %lt3A_198 : vector<16xi32>
          %add3A_200 = arith.constant 16 : i32
          %add3A_201 = vector.broadcast %add3A_200 : i32 to vector<16xi32>
          %add3A_202 = arith.addi %broadcast_in_dim3A_5, %add3A_201 : vector<16xi32>
          %select_n3A = arith.select %lt3A_199, %add3A_202, %broadcast_in_dim3A_5 : vector<16xi1>, vector<16xi32>
          %broadcast_in_dim3A_203 = vector.shape_cast %select_n3A : vector<16xi32> to vector<16x1xi32>
          %gather3A = vector.shape_cast %broadcast_in_dim3A_203 : vector<16x1xi32> to vector<16xi32>
          %gather3A_204 = tpu.dynamic_gather %masked_cumsum3A[%gather3A] in [0] : vector<16xf32>, vector<16xi32> -> vector<16xf32>
          %add3A_205 = arith.addf %scan3A_188, %gather3A_204 : vector<16xf32>
          %scan3A_206 = arith.constant 1 : i32
          %scan3A_207 = arith.addi %scan3A_187, %scan3A_206 : i32
          %mul3A_208 = arith.constant 16 : i32
          %mul3A_209 = arith.muli %scan3A_207, %mul3A_208 : i32
          %get3A_210 = arith.index_cast %scan3A_176 : i32 to index
          %get3A_211 = arith.index_cast %mul3A_209 : i32 to index
          %get3A_212 = tpu.vector_load %arg5[%get3A_210, %get3A_211] {strides = array<i32>} : memref<4x4096xf32, #tpu.memory_space<vmem>>, vector<16xf32>,
          %broadcast_in_dim3A_213 = arith.constant true
          %broadcast_in_dim3A_214 = vector.broadcast %broadcast_in_dim3A_213 : i1 to vector<16xi1>
          %masked_cumsum3A_215 = tpu.scan <sum>, %get3A_212 masked %broadcast_in_dim3A_214 : vector<16xf32>, vector<16xi1> -> vector<16xf32>
          %add3A_216 = arith.addf %masked_cumsum3A_215, %add3A_205 : vector<16xf32>
          %swap3A_217 = arith.index_cast %scan3A_176 : i32 to index
          %swap3A_218 = arith.index_cast %mul3A_209 : i32 to index
          %swap3A_219 = tpu.vector_load %arg5[%swap3A_217, %swap3A_218] {strides = array<i32>} : memref<4x4096xf32, #tpu.memory_space<vmem>>, vector<16xf32>,
          tpu.vector_store %arg5[%swap3A_217, %swap3A_218], %add3A_216 {strides = array<i32>} : memref<4x4096xf32, #tpu.memory_space<vmem>>, vector<16xf32>,
          %lt3A_220 = arith.constant 0 : i32
          %lt3A_221 = vector.broadcast %lt3A_220 : i32 to vector<16xi32>
          %lt3A_222 = arith.cmpi slt, %broadcast_in_dim3A_5, %lt3A_221 : vector<16xi32>
          %add3A_223 = arith.constant 16 : i32
          %add3A_224 = vector.broadcast %add3A_223 : i32 to vector<16xi32>
          %add3A_225 = arith.addi %broadcast_in_dim3A_5, %add3A_224 : vector<16xi32>
          %select_n3A_226 = arith.select %lt3A_222, %add3A_225, %broadcast_in_dim3A_5 : vector<16xi1>, vector<16xi32>
          %broadcast_in_dim3A_227 = vector.shape_cast %select_n3A_226 : vector<16xi32> to vector<16x1xi32>
          %gather3A_228 = vector.shape_cast %broadcast_in_dim3A_227 : vector<16x1xi32> to vector<16xi32>
          %gather3A_229 = tpu.dynamic_gather %masked_cumsum3A_215[%gather3A_228] in [0] : vector<16xf32>, vector<16xi32> -> vector<16xf32>
          %add3A_230 = arith.addf %add3A_205, %gather3A_229 : vector<16xf32>
          %scan3A_231 = arith.constant 2 : i32
          %scan3A_232 = arith.addi %scan3A_187, %scan3A_231 : i32
          %mul3A_233 = arith.constant 16 : i32
          %mul3A_234 = arith.muli %scan3A_232, %mul3A_233 : i32
          %get3A_235 = arith.index_cast %scan3A_176 : i32 to index
          %get3A_236 = arith.index_cast %mul3A_234 : i32 to index
          %get3A_237 = tpu.vector_load %arg5[%get3A_235, %get3A_236] {strides = array<i32>} : memref<4x4096xf32, #tpu.memory_space<vmem>>, vector<16xf32>,
          %broadcast_in_dim3A_238 = arith.constant true
          %broadcast_in_dim3A_239 = vector.broadcast %broadcast_in_dim3A_238 : i1 to vector<16xi1>
          %masked_cumsum3A_240 = tpu.scan <sum>, %get3A_237 masked %broadcast_in_dim3A_239 : vector<16xf32>, vector<16xi1> -> vector<16xf32>
          %add3A_241 = arith.addf %masked_cumsum3A_240, %add3A_230 : vector<16xf32>
          %swap3A_242 = arith.index_cast %scan3A_176 : i32 to index
          %swap3A_243 = arith.index_cast %mul3A_234 : i32 to index
          %swap3A_244 = tpu.vector_load %arg5[%swap3A_242, %swap3A_243] {strides = array<i32>} : memref<4x4096xf32, #tpu.memory_space<vmem>>, vector<16xf32>,
          tpu.vector_store %arg5[%swap3A_242, %swap3A_243], %add3A_241 {strides = array<i32>} : memref<4x4096xf32, #tpu.memory_space<vmem>>, vector<16xf32>,
          %lt3A_245 = arith.constant 0 : i32
          %lt3A_246 = vector.broadcast %lt3A_245 : i32 to vector<16xi32>
          %lt3A_247 = arith.cmpi slt, %broadcast_in_dim3A_5, %lt3A_246 : vector<16xi32>
          %add3A_248 = arith.constant 16 : i32
          %add3A_249 = vector.broadcast %add3A_248 : i32 to vector<16xi32>
          %add3A_250 = arith.addi %broadcast_in_dim3A_5, %add3A_249 : vector<16xi32>
          %select_n3A_251 = arith.select %lt3A_247, %add3A_250, %broadcast_in_dim3A_5 : vector<16xi1>, vector<16xi32>
          %broadcast_in_dim3A_252 = vector.shape_cast %select_n3A_251 : vector<16xi32> to vector<16x1xi32>
          %gather3A_253 = vector.shape_cast %broadcast_in_dim3A_252 : vector<16x1xi32> to vector<16xi32>
          %gather3A_254 = tpu.dynamic_gather %masked_cumsum3A_240[%gather3A_253] in [0] : vector<16xf32>, vector<16xi32> -> vector<16xf32>
          %add3A_255 = arith.addf %add3A_230, %gather3A_254 : vector<16xf32>
          %scan3A_256 = arith.constant 3 : i32
          %scan3A_257 = arith.addi %scan3A_187, %scan3A_256 : i32
          %mul3A_258 = arith.constant 16 : i32
          %mul3A_259 = arith.muli %scan3A_257, %mul3A_258 : i32
          %get3A_260 = arith.index_cast %scan3A_176 : i32 to index
          %get3A_261 = arith.index_cast %mul3A_259 : i32 to index
          %get3A_262 = tpu.vector_load %arg5[%get3A_260, %get3A_261] {strides = array<i32>} : memref<4x4096xf32, #tpu.memory_space<vmem>>, vector<16xf32>,
          %broadcast_in_dim3A_263 = arith.constant true
          %broadcast_in_dim3A_264 = vector.broadcast %broadcast_in_dim3A_263 : i1 to vector<16xi1>
          %masked_cumsum3A_265 = tpu.scan <sum>, %get3A_262 masked %broadcast_in_dim3A_264 : vector<16xf32>, vector<16xi1> -> vector<16xf32>
          %add3A_266 = arith.addf %masked_cumsum3A_265, %add3A_255 : vector<16xf32>
          %swap3A_267 = arith.index_cast %scan3A_176 : i32 to index
          %swap3A_268 = arith.index_cast %mul3A_259 : i32 to index
          %swap3A_269 = tpu.vector_load %arg5[%swap3A_267, %swap3A_268] {strides = array<i32>} : memref<4x4096xf32, #tpu.memory_space<vmem>>, vector<16xf32>,
          tpu.vector_store %arg5[%swap3A_267, %swap3A_268], %add3A_266 {strides = array<i32>} : memref<4x4096xf32, #tpu.memory_space<vmem>>, vector<16xf32>,
          %lt3A_270 = arith.constant 0 : i32
          %lt3A_271 = vector.broadcast %lt3A_270 : i32 to vector<16xi32>
          %lt3A_272 = arith.cmpi slt, %broadcast_in_dim3A_5, %lt3A_271 : vector<16xi32>
          %add3A_273 = arith.constant 16 : i32
          %add3A_274 = vector.broadcast %add3A_273 : i32 to vector<16xi32>
          %add3A_275 = arith.addi %broadcast_in_dim3A_5, %add3A_274 : vector<16xi32>
          %select_n3A_276 = arith.select %lt3A_272, %add3A_275, %broadcast_in_dim3A_5 : vector<16xi1>, vector<16xi32>
          %broadcast_in_dim3A_277 = vector.shape_cast %select_n3A_276 : vector<16xi32> to vector<16x1xi32>
          %gather3A_278 = vector.shape_cast %broadcast_in_dim3A_277 : vector<16x1xi32> to vector<16xi32>
          %gather3A_279 = tpu.dynamic_gather %masked_cumsum3A_265[%gather3A_278] in [0] : vector<16xf32>, vector<16xi32> -> vector<16xf32>
          %add3A_280 = arith.addf %add3A_255, %gather3A_279 : vector<16xf32>
          %scan3A_281 = arith.constant 4 : i32
          %scan3A_282 = arith.addi %scan3A_187, %scan3A_281 : i32
          %mul3A_283 = arith.constant 16 : i32
          %mul3A_284 = arith.muli %scan3A_282, %mul3A_283 : i32
          %get3A_285 = arith.index_cast %scan3A_176 : i32 to index
          %get3A_286 = arith.index_cast %mul3A_284 : i32 to index
          %get3A_287 = tpu.vector_load %arg5[%get3A_285, %get3A_286] {strides = array<i32>} : memref<4x4096xf32, #tpu.memory_space<vmem>>, vector<16xf32>,
          %broadcast_in_dim3A_288 = arith.constant true
          %broadcast_in_dim3A_289 = vector.broadcast %broadcast_in_dim3A_288 : i1 to vector<16xi1>
          %masked_cumsum3A_290 = tpu.scan <sum>, %get3A_287 masked %broadcast_in_dim3A_289 : vector<16xf32>, vector<16xi1> -> vector<16xf32>
          %add3A_291 = arith.addf %masked_cumsum3A_290, %add3A_280 : vector<16xf32>
          %swap3A_292 = arith.index_cast %scan3A_176 : i32 to index
          %swap3A_293 = arith.index_cast %mul3A_284 : i32 to index
          %swap3A_294 = tpu.vector_load %arg5[%swap3A_292, %swap3A_293] {strides = array<i32>} : memref<4x4096xf32, #tpu.memory_space<vmem>>, vector<16xf32>,
          tpu.vector_store %arg5[%swap3A_292, %swap3A_293], %add3A_291 {strides = array<i32>} : memref<4x4096xf32, #tpu.memory_space<vmem>>, vector<16xf32>,
          %lt3A_295 = arith.constant 0 : i32
          %lt3A_296 = vector.broadcast %lt3A_295 : i32 to vector<16xi32>
          %lt3A_297 = arith.cmpi slt, %broadcast_in_dim3A_5, %lt3A_296 : vector<16xi32>
          %add3A_298 = arith.constant 16 : i32
          %add3A_299 = vector.broadcast %add3A_298 : i32 to vector<16xi32>
          %add3A_300 = arith.addi %broadcast_in_dim3A_5, %add3A_299 : vector<16xi32>
          %select_n3A_301 = arith.select %lt3A_297, %add3A_300, %broadcast_in_dim3A_5 : vector<16xi1>, vector<16xi32>
          %broadcast_in_dim3A_302 = vector.shape_cast %select_n3A_301 : vector<16xi32> to vector<16x1xi32>
          %gather3A_303 = vector.shape_cast %broadcast_in_dim3A_302 : vector<16x1xi32> to vector<16xi32>
          %gather3A_304 = tpu.dynamic_gather %masked_cumsum3A_290[%gather3A_303] in [0] : vector<16xf32>, vector<16xi32> -> vector<16xf32>
          %add3A_305 = arith.addf %add3A_280, %gather3A_304 : vector<16xf32>
          %scan3A_306 = arith.constant 5 : i32
          %scan3A_307 = arith.addi %scan3A_187, %scan3A_306 : i32
          %mul3A_308 = arith.constant 16 : i32
          %mul3A_309 = arith.muli %scan3A_307, %mul3A_308 : i32
          %get3A_310 = arith.index_cast %scan3A_176 : i32 to index
          %get3A_311 = arith.index_cast %mul3A_309 : i32 to index
          %get3A_312 = tpu.vector_load %arg5[%get3A_310, %get3A_311] {strides = array<i32>} : memref<4x4096xf32, #tpu.memory_space<vmem>>, vector<16xf32>,
          %broadcast_in_dim3A_313 = arith.constant true
          %broadcast_in_dim3A_314 = vector.broadcast %broadcast_in_dim3A_313 : i1 to vector<16xi1>
          %masked_cumsum3A_315 = tpu.scan <sum>, %get3A_312 masked %broadcast_in_dim3A_314 : vector<16xf32>, vector<16xi1> -> vector<16xf32>
          %add3A_316 = arith.addf %masked_cumsum3A_315, %add3A_305 : vector<16xf32>
          %swap3A_317 = arith.index_cast %scan3A_176 : i32 to index
          %swap3A_318 = arith.index_cast %mul3A_309 : i32 to index
          %swap3A_319 = tpu.vector_load %arg5[%swap3A_317, %swap3A_318] {strides = array<i32>} : memref<4x4096xf32, #tpu.memory_space<vmem>>, vector<16xf32>,
          tpu.vector_store %arg5[%swap3A_317, %swap3A_318], %add3A_316 {strides = array<i32>} : memref<4x4096xf32, #tpu.memory_space<vmem>>, vector<16xf32>,
          %lt3A_320 = arith.constant 0 : i32
          %lt3A_321 = vector.broadcast %lt3A_320 : i32 to vector<16xi32>
          %lt3A_322 = arith.cmpi slt, %broadcast_in_dim3A_5, %lt3A_321 : vector<16xi32>
          %add3A_323 = arith.constant 16 : i32
          %add3A_324 = vector.broadcast %add3A_323 : i32 to vector<16xi32>
          %add3A_325 = arith.addi %broadcast_in_dim3A_5, %add3A_324 : vector<16xi32>
          %select_n3A_326 = arith.select %lt3A_322, %add3A_325, %broadcast_in_dim3A_5 : vector<16xi1>, vector<16xi32>
          %broadcast_in_dim3A_327 = vector.shape_cast %select_n3A_326 : vector<16xi32> to vector<16x1xi32>
          %gather3A_328 = vector.shape_cast %broadcast_in_dim3A_327 : vector<16x1xi32> to vector<16xi32>
          %gather3A_329 = tpu.dynamic_gather %masked_cumsum3A_315[%gather3A_328] in [0] : vector<16xf32>, vector<16xi32> -> vector<16xf32>
          %add3A_330 = arith.addf %add3A_305, %gather3A_329 : vector<16xf32>
          %scan3A_331 = arith.constant 6 : i32
          %scan3A_332 = arith.addi %scan3A_187, %scan3A_331 : i32
          %mul3A_333 = arith.constant 16 : i32
          %mul3A_334 = arith.muli %scan3A_332, %mul3A_333 : i32
          %get3A_335 = arith.index_cast %scan3A_176 : i32 to index
          %get3A_336 = arith.index_cast %mul3A_334 : i32 to index
          %get3A_337 = tpu.vector_load %arg5[%get3A_335, %get3A_336] {strides = array<i32>} : memref<4x4096xf32, #tpu.memory_space<vmem>>, vector<16xf32>,
          %broadcast_in_dim3A_338 = arith.constant true
          %broadcast_in_dim3A_339 = vector.broadcast %broadcast_in_dim3A_338 : i1 to vector<16xi1>
          %masked_cumsum3A_340 = tpu.scan <sum>, %get3A_337 masked %broadcast_in_dim3A_339 : vector<16xf32>, vector<16xi1> -> vector<16xf32>
          %add3A_341 = arith.addf %masked_cumsum3A_340, %add3A_330 : vector<16xf32>
          %swap3A_342 = arith.index_cast %scan3A_176 : i32 to index
          %swap3A_343 = arith.index_cast %mul3A_334 : i32 to index
          %swap3A_344 = tpu.vector_load %arg5[%swap3A_342, %swap3A_343] {strides = array<i32>} : memref<4x4096xf32, #tpu.memory_space<vmem>>, vector<16xf32>,
          tpu.vector_store %arg5[%swap3A_342, %swap3A_343], %add3A_341 {strides = array<i32>} : memref<4x4096xf32, #tpu.memory_space<vmem>>, vector<16xf32>,
          %lt3A_345 = arith.constant 0 : i32
          %lt3A_346 = vector.broadcast %lt3A_345 : i32 to vector<16xi32>
          %lt3A_347 = arith.cmpi slt, %broadcast_in_dim3A_5, %lt3A_346 : vector<16xi32>
          %add3A_348 = arith.constant 16 : i32
          %add3A_349 = vector.broadcast %add3A_348 : i32 to vector<16xi32>
          %add3A_350 = arith.addi %broadcast_in_dim3A_5, %add3A_349 : vector<16xi32>
          %select_n3A_351 = arith.select %lt3A_347, %add3A_350, %broadcast_in_dim3A_5 : vector<16xi1>, vector<16xi32>
          %broadcast_in_dim3A_352 = vector.shape_cast %select_n3A_351 : vector<16xi32> to vector<16x1xi32>
          %gather3A_353 = vector.shape_cast %broadcast_in_dim3A_352 : vector<16x1xi32> to vector<16xi32>
          %gather3A_354 = tpu.dynamic_gather %masked_cumsum3A_340[%gather3A_353] in [0] : vector<16xf32>, vector<16xi32> -> vector<16xf32>
          %add3A_355 = arith.addf %add3A_330, %gather3A_354 : vector<16xf32>
          %scan3A_356 = arith.constant 7 : i32
          %scan3A_357 = arith.addi %scan3A_187, %scan3A_356 : i32
          %mul3A_358 = arith.constant 16 : i32
          %mul3A_359 = arith.muli %scan3A_357, %mul3A_358 : i32
          %get3A_360 = arith.index_cast %scan3A_176 : i32 to index
          %get3A_361 = arith.index_cast %mul3A_359 : i32 to index
          %get3A_362 = tpu.vector_load %arg5[%get3A_360, %get3A_361] {strides = array<i32>} : memref<4x4096xf32, #tpu.memory_space<vmem>>, vector<16xf32>,
          %broadcast_in_dim3A_363 = arith.constant true
          %broadcast_in_dim3A_364 = vector.broadcast %broadcast_in_dim3A_363 : i1 to vector<16xi1>
          %masked_cumsum3A_365 = tpu.scan <sum>, %get3A_362 masked %broadcast_in_dim3A_364 : vector<16xf32>, vector<16xi1> -> vector<16xf32>
          %add3A_366 = arith.addf %masked_cumsum3A_365, %add3A_355 : vector<16xf32>
          %swap3A_367 = arith.index_cast %scan3A_176 : i32 to index
          %swap3A_368 = arith.index_cast %mul3A_359 : i32 to index
          %swap3A_369 = tpu.vector_load %arg5[%swap3A_367, %swap3A_368] {strides = array<i32>} : memref<4x4096xf32, #tpu.memory_space<vmem>>, vector<16xf32>,
          tpu.vector_store %arg5[%swap3A_367, %swap3A_368], %add3A_366 {strides = array<i32>} : memref<4x4096xf32, #tpu.memory_space<vmem>>, vector<16xf32>,
          %lt3A_370 = arith.constant 0 : i32
          %lt3A_371 = vector.broadcast %lt3A_370 : i32 to vector<16xi32>
          %lt3A_372 = arith.cmpi slt, %broadcast_in_dim3A_5, %lt3A_371 : vector<16xi32>
          %add3A_373 = arith.constant 16 : i32
          %add3A_374 = vector.broadcast %add3A_373 : i32 to vector<16xi32>
          %add3A_375 = arith.addi %broadcast_in_dim3A_5, %add3A_374 : vector<16xi32>
          %select_n3A_376 = arith.select %lt3A_372, %add3A_375, %broadcast_in_dim3A_5 : vector<16xi1>, vector<16xi32>
          %broadcast_in_dim3A_377 = vector.shape_cast %select_n3A_376 : vector<16xi32> to vector<16x1xi32>
          %gather3A_378 = vector.shape_cast %broadcast_in_dim3A_377 : vector<16x1xi32> to vector<16xi32>
          %gather3A_379 = tpu.dynamic_gather %masked_cumsum3A_365[%gather3A_378] in [0] : vector<16xf32>, vector<16xi32> -> vector<16xf32>
          %add3A_380 = arith.addf %add3A_355, %gather3A_379 : vector<16xf32>
          %scan3A_381 = arith.constant 8 : i32
          %scan3A_382 = arith.addi %scan3A_187, %scan3A_381 : i32
          %mul3A_383 = arith.constant 16 : i32
          %mul3A_384 = arith.muli %scan3A_382, %mul3A_383 : i32
          %get3A_385 = arith.index_cast %scan3A_176 : i32 to index
          %get3A_386 = arith.index_cast %mul3A_384 : i32 to index
          %get3A_387 = tpu.vector_load %arg5[%get3A_385, %get3A_386] {strides = array<i32>} : memref<4x4096xf32, #tpu.memory_space<vmem>>, vector<16xf32>,
          %broadcast_in_dim3A_388 = arith.constant true
          %broadcast_in_dim3A_389 = vector.broadcast %broadcast_in_dim3A_388 : i1 to vector<16xi1>
          %masked_cumsum3A_390 = tpu.scan <sum>, %get3A_387 masked %broadcast_in_dim3A_389 : vector<16xf32>, vector<16xi1> -> vector<16xf32>
          %add3A_391 = arith.addf %masked_cumsum3A_390, %add3A_380 : vector<16xf32>
          %swap3A_392 = arith.index_cast %scan3A_176 : i32 to index
          %swap3A_393 = arith.index_cast %mul3A_384 : i32 to index
          %swap3A_394 = tpu.vector_load %arg5[%swap3A_392, %swap3A_393] {strides = array<i32>} : memref<4x4096xf32, #tpu.memory_space<vmem>>, vector<16xf32>,
          tpu.vector_store %arg5[%swap3A_392, %swap3A_393], %add3A_391 {strides = array<i32>} : memref<4x4096xf32, #tpu.memory_space<vmem>>, vector<16xf32>,
          %lt3A_395 = arith.constant 0 : i32
          %lt3A_396 = vector.broadcast %lt3A_395 : i32 to vector<16xi32>
          %lt3A_397 = arith.cmpi slt, %broadcast_in_dim3A_5, %lt3A_396 : vector<16xi32>
          %add3A_398 = arith.constant 16 : i32
          %add3A_399 = vector.broadcast %add3A_398 : i32 to vector<16xi32>
          %add3A_400 = arith.addi %broadcast_in_dim3A_5, %add3A_399 : vector<16xi32>
          %select_n3A_401 = arith.select %lt3A_397, %add3A_400, %broadcast_in_dim3A_5 : vector<16xi1>, vector<16xi32>
          %broadcast_in_dim3A_402 = vector.shape_cast %select_n3A_401 : vector<16xi32> to vector<16x1xi32>
          %gather3A_403 = vector.shape_cast %broadcast_in_dim3A_402 : vector<16x1xi32> to vector<16xi32>
          %gather3A_404 = tpu.dynamic_gather %masked_cumsum3A_390[%gather3A_403] in [0] : vector<16xf32>, vector<16xi32> -> vector<16xf32>
          %add3A_405 = arith.addf %add3A_380, %gather3A_404 : vector<16xf32>
          %scan3A_406 = arith.constant 9 : i32
          %scan3A_407 = arith.addi %scan3A_187, %scan3A_406 : i32
          %mul3A_408 = arith.constant 16 : i32
          %mul3A_409 = arith.muli %scan3A_407, %mul3A_408 : i32
          %get3A_410 = arith.index_cast %scan3A_176 : i32 to index
          %get3A_411 = arith.index_cast %mul3A_409 : i32 to index
          %get3A_412 = tpu.vector_load %arg5[%get3A_410, %get3A_411] {strides = array<i32>} : memref<4x4096xf32, #tpu.memory_space<vmem>>, vector<16xf32>,
          %broadcast_in_dim3A_413 = arith.constant true
          %broadcast_in_dim3A_414 = vector.broadcast %broadcast_in_dim3A_413 : i1 to vector<16xi1>
          %masked_cumsum3A_415 = tpu.scan <sum>, %get3A_412 masked %broadcast_in_dim3A_414 : vector<16xf32>, vector<16xi1> -> vector<16xf32>
          %add3A_416 = arith.addf %masked_cumsum3A_415, %add3A_405 : vector<16xf32>
          %swap3A_417 = arith.index_cast %scan3A_176 : i32 to index
          %swap3A_418 = arith.index_cast %mul3A_409 : i32 to index
          %swap3A_419 = tpu.vector_load %arg5[%swap3A_417, %swap3A_418] {strides = array<i32>} : memref<4x4096xf32, #tpu.memory_space<vmem>>, vector<16xf32>,
          tpu.vector_store %arg5[%swap3A_417, %swap3A_418], %add3A_416 {strides = array<i32>} : memref<4x4096xf32, #tpu.memory_space<vmem>>, vector<16xf32>,
          %lt3A_420 = arith.constant 0 : i32
          %lt3A_421 = vector.broadcast %lt3A_420 : i32 to vector<16xi32>
          %lt3A_422 = arith.cmpi slt, %broadcast_in_dim3A_5, %lt3A_421 : vector<16xi32>
          %add3A_423 = arith.constant 16 : i32
          %add3A_424 = vector.broadcast %add3A_423 : i32 to vector<16xi32>
          %add3A_425 = arith.addi %broadcast_in_dim3A_5, %add3A_424 : vector<16xi32>
          %select_n3A_426 = arith.select %lt3A_422, %add3A_425, %broadcast_in_dim3A_5 : vector<16xi1>, vector<16xi32>
          %broadcast_in_dim3A_427 = vector.shape_cast %select_n3A_426 : vector<16xi32> to vector<16x1xi32>
          %gather3A_428 = vector.shape_cast %broadcast_in_dim3A_427 : vector<16x1xi32> to vector<16xi32>
          %gather3A_429 = tpu.dynamic_gather %masked_cumsum3A_415[%gather3A_428] in [0] : vector<16xf32>, vector<16xi32> -> vector<16xf32>
          %add3A_430 = arith.addf %add3A_405, %gather3A_429 : vector<16xf32>
          %scan3A_431 = arith.constant 10 : i32
          %scan3A_432 = arith.addi %scan3A_187, %scan3A_431 : i32
          %mul3A_433 = arith.constant 16 : i32
          %mul3A_434 = arith.muli %scan3A_432, %mul3A_433 : i32
          %get3A_435 = arith.index_cast %scan3A_176 : i32 to index
          %get3A_436 = arith.index_cast %mul3A_434 : i32 to index
          %get3A_437 = tpu.vector_load %arg5[%get3A_435, %get3A_436] {strides = array<i32>} : memref<4x4096xf32, #tpu.memory_space<vmem>>, vector<16xf32>,
          %broadcast_in_dim3A_438 = arith.constant true
          %broadcast_in_dim3A_439 = vector.broadcast %broadcast_in_dim3A_438 : i1 to vector<16xi1>
          %masked_cumsum3A_440 = tpu.scan <sum>, %get3A_437 masked %broadcast_in_dim3A_439 : vector<16xf32>, vector<16xi1> -> vector<16xf32>
          %add3A_441 = arith.addf %masked_cumsum3A_440, %add3A_430 : vector<16xf32>
          %swap3A_442 = arith.index_cast %scan3A_176 : i32 to index
          %swap3A_443 = arith.index_cast %mul3A_434 : i32 to index
          %swap3A_444 = tpu.vector_load %arg5[%swap3A_442, %swap3A_443] {strides = array<i32>} : memref<4x4096xf32, #tpu.memory_space<vmem>>, vector<16xf32>,
          tpu.vector_store %arg5[%swap3A_442, %swap3A_443], %add3A_441 {strides = array<i32>} : memref<4x4096xf32, #tpu.memory_space<vmem>>, vector<16xf32>,
          %lt3A_445 = arith.constant 0 : i32
          %lt3A_446 = vector.broadcast %lt3A_445 : i32 to vector<16xi32>
          %lt3A_447 = arith.cmpi slt, %broadcast_in_dim3A_5, %lt3A_446 : vector<16xi32>
          %add3A_448 = arith.constant 16 : i32
          %add3A_449 = vector.broadcast %add3A_448 : i32 to vector<16xi32>
          %add3A_450 = arith.addi %broadcast_in_dim3A_5, %add3A_449 : vector<16xi32>
          %select_n3A_451 = arith.select %lt3A_447, %add3A_450, %broadcast_in_dim3A_5 : vector<16xi1>, vector<16xi32>
          %broadcast_in_dim3A_452 = vector.shape_cast %select_n3A_451 : vector<16xi32> to vector<16x1xi32>
          %gather3A_453 = vector.shape_cast %broadcast_in_dim3A_452 : vector<16x1xi32> to vector<16xi32>
          %gather3A_454 = tpu.dynamic_gather %masked_cumsum3A_440[%gather3A_453] in [0] : vector<16xf32>, vector<16xi32> -> vector<16xf32>
          %add3A_455 = arith.addf %add3A_430, %gather3A_454 : vector<16xf32>
          %scan3A_456 = arith.constant 11 : i32
          %scan3A_457 = arith.addi %scan3A_187, %scan3A_456 : i32
          %mul3A_458 = arith.constant 16 : i32
          %mul3A_459 = arith.muli %scan3A_457, %mul3A_458 : i32
          %get3A_460 = arith.index_cast %scan3A_176 : i32 to index
          %get3A_461 = arith.index_cast %mul3A_459 : i32 to index
          %get3A_462 = tpu.vector_load %arg5[%get3A_460, %get3A_461] {strides = array<i32>} : memref<4x4096xf32, #tpu.memory_space<vmem>>, vector<16xf32>,
          %broadcast_in_dim3A_463 = arith.constant true
          %broadcast_in_dim3A_464 = vector.broadcast %broadcast_in_dim3A_463 : i1 to vector<16xi1>
          %masked_cumsum3A_465 = tpu.scan <sum>, %get3A_462 masked %broadcast_in_dim3A_464 : vector<16xf32>, vector<16xi1> -> vector<16xf32>
          %add3A_466 = arith.addf %masked_cumsum3A_465, %add3A_455 : vector<16xf32>
          %swap3A_467 = arith.index_cast %scan3A_176 : i32 to index
          %swap3A_468 = arith.index_cast %mul3A_459 : i32 to index
          %swap3A_469 = tpu.vector_load %arg5[%swap3A_467, %swap3A_468] {strides = array<i32>} : memref<4x4096xf32, #tpu.memory_space<vmem>>, vector<16xf32>,
          tpu.vector_store %arg5[%swap3A_467, %swap3A_468], %add3A_466 {strides = array<i32>} : memref<4x4096xf32, #tpu.memory_space<vmem>>, vector<16xf32>,
          %lt3A_470 = arith.constant 0 : i32
          %lt3A_471 = vector.broadcast %lt3A_470 : i32 to vector<16xi32>
          %lt3A_472 = arith.cmpi slt, %broadcast_in_dim3A_5, %lt3A_471 : vector<16xi32>
          %add3A_473 = arith.constant 16 : i32
          %add3A_474 = vector.broadcast %add3A_473 : i32 to vector<16xi32>
          %add3A_475 = arith.addi %broadcast_in_dim3A_5, %add3A_474 : vector<16xi32>
          %select_n3A_476 = arith.select %lt3A_472, %add3A_475, %broadcast_in_dim3A_5 : vector<16xi1>, vector<16xi32>
          %broadcast_in_dim3A_477 = vector.shape_cast %select_n3A_476 : vector<16xi32> to vector<16x1xi32>
          %gather3A_478 = vector.shape_cast %broadcast_in_dim3A_477 : vector<16x1xi32> to vector<16xi32>
          %gather3A_479 = tpu.dynamic_gather %masked_cumsum3A_465[%gather3A_478] in [0] : vector<16xf32>, vector<16xi32> -> vector<16xf32>
          %add3A_480 = arith.addf %add3A_455, %gather3A_479 : vector<16xf32>
          %scan3A_481 = arith.constant 12 : i32
          %scan3A_482 = arith.addi %scan3A_187, %scan3A_481 : i32
          %mul3A_483 = arith.constant 16 : i32
          %mul3A_484 = arith.muli %scan3A_482, %mul3A_483 : i32
          %get3A_485 = arith.index_cast %scan3A_176 : i32 to index
          %get3A_486 = arith.index_cast %mul3A_484 : i32 to index
          %get3A_487 = tpu.vector_load %arg5[%get3A_485, %get3A_486] {strides = array<i32>} : memref<4x4096xf32, #tpu.memory_space<vmem>>, vector<16xf32>,
          %broadcast_in_dim3A_488 = arith.constant true
          %broadcast_in_dim3A_489 = vector.broadcast %broadcast_in_dim3A_488 : i1 to vector<16xi1>
          %masked_cumsum3A_490 = tpu.scan <sum>, %get3A_487 masked %broadcast_in_dim3A_489 : vector<16xf32>, vector<16xi1> -> vector<16xf32>
          %add3A_491 = arith.addf %masked_cumsum3A_490, %add3A_480 : vector<16xf32>
          %swap3A_492 = arith.index_cast %scan3A_176 : i32 to index
          %swap3A_493 = arith.index_cast %mul3A_484 : i32 to index
          %swap3A_494 = tpu.vector_load %arg5[%swap3A_492, %swap3A_493] {strides = array<i32>} : memref<4x4096xf32, #tpu.memory_space<vmem>>, vector<16xf32>,
          tpu.vector_store %arg5[%swap3A_492, %swap3A_493], %add3A_491 {strides = array<i32>} : memref<4x4096xf32, #tpu.memory_space<vmem>>, vector<16xf32>,
          %lt3A_495 = arith.constant 0 : i32
          %lt3A_496 = vector.broadcast %lt3A_495 : i32 to vector<16xi32>
          %lt3A_497 = arith.cmpi slt, %broadcast_in_dim3A_5, %lt3A_496 : vector<16xi32>
          %add3A_498 = arith.constant 16 : i32
          %add3A_499 = vector.broadcast %add3A_498 : i32 to vector<16xi32>
          %add3A_500 = arith.addi %broadcast_in_dim3A_5, %add3A_499 : vector<16xi32>
          %select_n3A_501 = arith.select %lt3A_497, %add3A_500, %broadcast_in_dim3A_5 : vector<16xi1>, vector<16xi32>
          %broadcast_in_dim3A_502 = vector.shape_cast %select_n3A_501 : vector<16xi32> to vector<16x1xi32>
          %gather3A_503 = vector.shape_cast %broadcast_in_dim3A_502 : vector<16x1xi32> to vector<16xi32>
          %gather3A_504 = tpu.dynamic_gather %masked_cumsum3A_490[%gather3A_503] in [0] : vector<16xf32>, vector<16xi32> -> vector<16xf32>
          %add3A_505 = arith.addf %add3A_480, %gather3A_504 : vector<16xf32>
          %scan3A_506 = arith.constant 13 : i32
          %scan3A_507 = arith.addi %scan3A_187, %scan3A_506 : i32
          %mul3A_508 = arith.constant 16 : i32
          %mul3A_509 = arith.muli %scan3A_507, %mul3A_508 : i32
          %get3A_510 = arith.index_cast %scan3A_176 : i32 to index
          %get3A_511 = arith.index_cast %mul3A_509 : i32 to index
          %get3A_512 = tpu.vector_load %arg5[%get3A_510, %get3A_511] {strides = array<i32>} : memref<4x4096xf32, #tpu.memory_space<vmem>>, vector<16xf32>,
          %broadcast_in_dim3A_513 = arith.constant true
          %broadcast_in_dim3A_514 = vector.broadcast %broadcast_in_dim3A_513 : i1 to vector<16xi1>
          %masked_cumsum3A_515 = tpu.scan <sum>, %get3A_512 masked %broadcast_in_dim3A_514 : vector<16xf32>, vector<16xi1> -> vector<16xf32>
          %add3A_516 = arith.addf %masked_cumsum3A_515, %add3A_505 : vector<16xf32>
          %swap3A_517 = arith.index_cast %scan3A_176 : i32 to index
          %swap3A_518 = arith.index_cast %mul3A_509 : i32 to index
          %swap3A_519 = tpu.vector_load %arg5[%swap3A_517, %swap3A_518] {strides = array<i32>} : memref<4x4096xf32, #tpu.memory_space<vmem>>, vector<16xf32>,
          tpu.vector_store %arg5[%swap3A_517, %swap3A_518], %add3A_516 {strides = array<i32>} : memref<4x4096xf32, #tpu.memory_space<vmem>>, vector<16xf32>,
          %lt3A_520 = arith.constant 0 : i32
          %lt3A_521 = vector.broadcast %lt3A_520 : i32 to vector<16xi32>
          %lt3A_522 = arith.cmpi slt, %broadcast_in_dim3A_5, %lt3A_521 : vector<16xi32>
          %add3A_523 = arith.constant 16 : i32
          %add3A_524 = vector.broadcast %add3A_523 : i32 to vector<16xi32>
          %add3A_525 = arith.addi %broadcast_in_dim3A_5, %add3A_524 : vector<16xi32>
          %select_n3A_526 = arith.select %lt3A_522, %add3A_525, %broadcast_in_dim3A_5 : vector<16xi1>, vector<16xi32>
          %broadcast_in_dim3A_527 = vector.shape_cast %select_n3A_526 : vector<16xi32> to vector<16x1xi32>
          %gather3A_528 = vector.shape_cast %broadcast_in_dim3A_527 : vector<16x1xi32> to vector<16xi32>
          %gather3A_529 = tpu.dynamic_gather %masked_cumsum3A_515[%gather3A_528] in [0] : vector<16xf32>, vector<16xi32> -> vector<16xf32>
          %add3A_530 = arith.addf %add3A_505, %gather3A_529 : vector<16xf32>
          %scan3A_531 = arith.constant 14 : i32
          %scan3A_532 = arith.addi %scan3A_187, %scan3A_531 : i32
          %mul3A_533 = arith.constant 16 : i32
          %mul3A_534 = arith.muli %scan3A_532, %mul3A_533 : i32
          %get3A_535 = arith.index_cast %scan3A_176 : i32 to index
          %get3A_536 = arith.index_cast %mul3A_534 : i32 to index
          %get3A_537 = tpu.vector_load %arg5[%get3A_535, %get3A_536] {strides = array<i32>} : memref<4x4096xf32, #tpu.memory_space<vmem>>, vector<16xf32>,
          %broadcast_in_dim3A_538 = arith.constant true
          %broadcast_in_dim3A_539 = vector.broadcast %broadcast_in_dim3A_538 : i1 to vector<16xi1>
          %masked_cumsum3A_540 = tpu.scan <sum>, %get3A_537 masked %broadcast_in_dim3A_539 : vector<16xf32>, vector<16xi1> -> vector<16xf32>
          %add3A_541 = arith.addf %masked_cumsum3A_540, %add3A_530 : vector<16xf32>
          %swap3A_542 = arith.index_cast %scan3A_176 : i32 to index
          %swap3A_543 = arith.index_cast %mul3A_534 : i32 to index
          %swap3A_544 = tpu.vector_load %arg5[%swap3A_542, %swap3A_543] {strides = array<i32>} : memref<4x4096xf32, #tpu.memory_space<vmem>>, vector<16xf32>,
          tpu.vector_store %arg5[%swap3A_542, %swap3A_543], %add3A_541 {strides = array<i32>} : memref<4x4096xf32, #tpu.memory_space<vmem>>, vector<16xf32>,
          %lt3A_545 = arith.constant 0 : i32
          %lt3A_546 = vector.broadcast %lt3A_545 : i32 to vector<16xi32>
          %lt3A_547 = arith.cmpi slt, %broadcast_in_dim3A_5, %lt3A_546 : vector<16xi32>
          %add3A_548 = arith.constant 16 : i32
          %add3A_549 = vector.broadcast %add3A_548 : i32 to vector<16xi32>
          %add3A_550 = arith.addi %broadcast_in_dim3A_5, %add3A_549 : vector<16xi32>
          %select_n3A_551 = arith.select %lt3A_547, %add3A_550, %broadcast_in_dim3A_5 : vector<16xi1>, vector<16xi32>
          %broadcast_in_dim3A_552 = vector.shape_cast %select_n3A_551 : vector<16xi32> to vector<16x1xi32>
          %gather3A_553 = vector.shape_cast %broadcast_in_dim3A_552 : vector<16x1xi32> to vector<16xi32>
          %gather3A_554 = tpu.dynamic_gather %masked_cumsum3A_540[%gather3A_553] in [0] : vector<16xf32>, vector<16xi32> -> vector<16xf32>
          %add3A_555 = arith.addf %add3A_530, %gather3A_554 : vector<16xf32>
          %scan3A_556 = arith.constant 15 : i32
          %scan3A_557 = arith.addi %scan3A_187, %scan3A_556 : i32
          %mul3A_558 = arith.constant 16 : i32
          %mul3A_559 = arith.muli %scan3A_557, %mul3A_558 : i32
          %get3A_560 = arith.index_cast %scan3A_176 : i32 to index
          %get3A_561 = arith.index_cast %mul3A_559 : i32 to index
          %get3A_562 = tpu.vector_load %arg5[%get3A_560, %get3A_561] {strides = array<i32>} : memref<4x4096xf32, #tpu.memory_space<vmem>>, vector<16xf32>,
          %broadcast_in_dim3A_563 = arith.constant true
          %broadcast_in_dim3A_564 = vector.broadcast %broadcast_in_dim3A_563 : i1 to vector<16xi1>
          %masked_cumsum3A_565 = tpu.scan <sum>, %get3A_562 masked %broadcast_in_dim3A_564 : vector<16xf32>, vector<16xi1> -> vector<16xf32>
          %add3A_566 = arith.addf %masked_cumsum3A_565, %add3A_555 : vector<16xf32>
          %swap3A_567 = arith.index_cast %scan3A_176 : i32 to index
          %swap3A_568 = arith.index_cast %mul3A_559 : i32 to index
          %swap3A_569 = tpu.vector_load %arg5[%swap3A_567, %swap3A_568] {strides = array<i32>} : memref<4x4096xf32, #tpu.memory_space<vmem>>, vector<16xf32>,
          tpu.vector_store %arg5[%swap3A_567, %swap3A_568], %add3A_566 {strides = array<i32>} : memref<4x4096xf32, #tpu.memory_space<vmem>>, vector<16xf32>,
          %lt3A_570 = arith.constant 0 : i32
          %lt3A_571 = vector.broadcast %lt3A_570 : i32 to vector<16xi32>
          %lt3A_572 = arith.cmpi slt, %broadcast_in_dim3A_5, %lt3A_571 : vector<16xi32>
          %add3A_573 = arith.constant 16 : i32
          %add3A_574 = vector.broadcast %add3A_573 : i32 to vector<16xi32>
          %add3A_575 = arith.addi %broadcast_in_dim3A_5, %add3A_574 : vector<16xi32>
          %select_n3A_576 = arith.select %lt3A_572, %add3A_575, %broadcast_in_dim3A_5 : vector<16xi1>, vector<16xi32>
          %broadcast_in_dim3A_577 = vector.shape_cast %select_n3A_576 : vector<16xi32> to vector<16x1xi32>
          %gather3A_578 = vector.shape_cast %broadcast_in_dim3A_577 : vector<16x1xi32> to vector<16xi32>
          %gather3A_579 = tpu.dynamic_gather %masked_cumsum3A_565[%gather3A_578] in [0] : vector<16xf32>, vector<16xi32> -> vector<16xf32>
          %add3A_580 = arith.addf %add3A_555, %gather3A_579 : vector<16xf32>
          scf.yield %add3A_580 : vector<16xf32>
        }
        %scan3A_185 = arith.constant 256 : i32
        %scan3A_186 = arith.constant 0 : i32
        scf.yield %scan3A_186 : i32
      }
      %scan3A_93 = arith.constant 4 : i32
      %dma_start3A_94 = arith.constant 0 : i32
      %dma_start3A_95 = tpu.memref_slice %arg3[%add3A_82, %dma_start3A_94] : memref<4096x4096xf32, #tpu.memory_space<hbm>> -> memref<4x4096xf32, #tpu.memory_space<hbm>>
      %dma_start3A_96 = arith.constant 0 : i32
      %dma_start3A_97 = tpu.memref_slice %arg3[%add3A_82, %dma_start3A_96] : memref<4096x4096xf32, #tpu.memory_space<hbm>> -> memref<4x4096xf32, #tpu.memory_space<hbm>>
      tpu.enqueue_dma source(%arg5 : memref<4x4096xf32, #tpu.memory_space<vmem>>) target(%dma_start3A_97 : memref<4x4096xf32, #tpu.memory_space<hbm>>) target_semaphore(%arg13 : memref<!tpu.dma_semaphore, #tpu.memory_space<semaphore_mem>>)
      %dma_wait3A_98 = arith.constant 0 : i32
      %dma_wait3A_99 = tpu.memref_slice %arg3[%mul3A_2, %dma_wait3A_98] : memref<4096x4096xf32, #tpu.memory_space<hbm>> -> memref<4x4096xf32, #tpu.memory_space<hbm>>
      %dma_wait3A_100 = arith.constant 0 : i32
      %dma_wait3A_101 = tpu.memref_slice %arg3[%mul3A_2, %dma_wait3A_100] : memref<4096x4096xf32, #tpu.memory_space<hbm>> -> memref<4x4096xf32, #tpu.memory_space<hbm>>
      tpu.wait_dma2 semaphore(%arg12 : memref<!tpu.dma_semaphore, #tpu.memory_space<semaphore_mem>>) src(%arg4 : memref<4x4096xf32, #tpu.memory_space<vmem>>) dst(%dma_wait3A_101 : memref<4x4096xf32, #tpu.memory_space<hbm>>)
      %add3A_102 = arith.constant 12 : i32
      %add3A_103 = arith.addi %add3A_82, %add3A_102 : i32
      %min3A_104 = arith.minsi %add3A_103, %add3A_4 : i32
      %dma_start3A_105 = arith.constant 0 : i32
      %dma_start3A_106 = tpu.memref_slice %arg2[%min3A_104, %dma_start3A_105] : memref<4096x4096xf32, #tpu.memory_space<hbm>> -> memref<4x4096xf32, #tpu.memory_space<hbm>>
      %dma_start3A_107 = arith.constant 0 : i32
      %dma_start3A_108 = tpu.memref_slice %arg2[%min3A_104, %dma_start3A_107] : memref<4096x4096xf32, #tpu.memory_space<hbm>> -> memref<4x4096xf32, #tpu.memory_space<hbm>>
      tpu.enqueue_dma source(%dma_start3A_108 : memref<4x4096xf32, #tpu.memory_space<hbm>>) target(%arg4 : memref<4x4096xf32, #tpu.memory_space<vmem>>) target_semaphore(%arg8 : memref<!tpu.dma_semaphore, #tpu.memory_space<semaphore_mem>>)
      %mul3A_109 = arith.constant 4 : i32
      %mul3A_110 = arith.muli %scan3A_44, %mul3A_109 : i32
      %add3A_111 = arith.constant 2 : i32
      %add3A_112 = arith.addi %mul3A_110, %add3A_111 : i32
      %mul3A_113 = arith.constant 4 : i32
      %mul3A_114 = arith.muli %add3A_112, %mul3A_113 : i32
      %add3A_115 = arith.addi %mul3A_2, %mul3A_114 : i32
      %dma_wait3A_116 = arith.constant 0 : i32
      %dma_wait3A_117 = tpu.memref_slice %arg2[%mul3A_2, %dma_wait3A_116] : memref<4096x4096xf32, #tpu.memory_space<hbm>> -> memref<4x4096xf32, #tpu.memory_space<hbm>>
      %dma_wait3A_118 = arith.constant 0 : i32
      %dma_wait3A_119 = tpu.memref_slice %arg2[%mul3A_2, %dma_wait3A_118] : memref<4096x4096xf32, #tpu.memory_space<hbm>> -> memref<4x4096xf32, #tpu.memory_space<hbm>>
      tpu.wait_dma2 semaphore(%arg10 : memref<!tpu.dma_semaphore, #tpu.memory_space<semaphore_mem>>) src(%dma_wait3A_119 : memref<4x4096xf32, #tpu.memory_space<hbm>>) dst(%arg6 : memref<4x4096xf32, #tpu.memory_space<vmem>>)
      %scan3A_120 = arith.constant 0 : i32
      %scan3A_121 = arith.constant 0 : i32
      %scan3A_122 = arith.constant 4 : i32
      %scan3A_123 = arith.addi %scan3A_121, %scan3A_122 : i32
      %scan3A_124 = arith.constant 1 : i32
      %scan3A_125 = scf.for %scan3A_176 = %scan3A_121 to %scan3A_123 step %scan3A_124 iter_args(%scan3A_177 = %scan3A_120) -> (i32)  : i32 {
        %broadcast_in_dim3A_178 = arith.constant 0.000000e+00 : f32
        %broadcast_in_dim3A_179 = vector.broadcast %broadcast_in_dim3A_178 : f32 to vector<16xf32>
        %scan3A_180 = arith.constant 0 : i32
        %scan3A_181 = arith.constant 256 : i32
        %scan3A_182 = arith.addi %scan3A_180, %scan3A_181 : i32
        %scan3A_183 = arith.constant 16 : i32
        %scan3A_184 = scf.for %scan3A_187 = %scan3A_180 to %scan3A_182 step %scan3A_183 iter_args(%scan3A_188 = %broadcast_in_dim3A_179) -> (vector<16xf32>)  : i32 {
          %mul3A_189 = arith.constant 16 : i32
          %mul3A_190 = arith.muli %scan3A_187, %mul3A_189 : i32
          %get3A = arith.index_cast %scan3A_176 : i32 to index
          %get3A_191 = arith.index_cast %mul3A_190 : i32 to index
          %get3A_192 = tpu.vector_load %arg6[%get3A, %get3A_191] {strides = array<i32>} : memref<4x4096xf32, #tpu.memory_space<vmem>>, vector<16xf32>,
          %broadcast_in_dim3A_193 = arith.constant true
          %broadcast_in_dim3A_194 = vector.broadcast %broadcast_in_dim3A_193 : i1 to vector<16xi1>
          %masked_cumsum3A = tpu.scan <sum>, %get3A_192 masked %broadcast_in_dim3A_194 : vector<16xf32>, vector<16xi1> -> vector<16xf32>
          %add3A_195 = arith.addf %masked_cumsum3A, %scan3A_188 : vector<16xf32>
          %swap3A = arith.index_cast %scan3A_176 : i32 to index
          %swap3A_196 = arith.index_cast %mul3A_190 : i32 to index
          %swap3A_197 = tpu.vector_load %arg6[%swap3A, %swap3A_196] {strides = array<i32>} : memref<4x4096xf32, #tpu.memory_space<vmem>>, vector<16xf32>,
          tpu.vector_store %arg6[%swap3A, %swap3A_196], %add3A_195 {strides = array<i32>} : memref<4x4096xf32, #tpu.memory_space<vmem>>, vector<16xf32>,
          %lt3A = arith.constant 0 : i32
          %lt3A_198 = vector.broadcast %lt3A : i32 to vector<16xi32>
          %lt3A_199 = arith.cmpi slt, %broadcast_in_dim3A_5, %lt3A_198 : vector<16xi32>
          %add3A_200 = arith.constant 16 : i32
          %add3A_201 = vector.broadcast %add3A_200 : i32 to vector<16xi32>
          %add3A_202 = arith.addi %broadcast_in_dim3A_5, %add3A_201 : vector<16xi32>
          %select_n3A = arith.select %lt3A_199, %add3A_202, %broadcast_in_dim3A_5 : vector<16xi1>, vector<16xi32>
          %broadcast_in_dim3A_203 = vector.shape_cast %select_n3A : vector<16xi32> to vector<16x1xi32>
          %gather3A = vector.shape_cast %broadcast_in_dim3A_203 : vector<16x1xi32> to vector<16xi32>
          %gather3A_204 = tpu.dynamic_gather %masked_cumsum3A[%gather3A] in [0] : vector<16xf32>, vector<16xi32> -> vector<16xf32>
          %add3A_205 = arith.addf %scan3A_188, %gather3A_204 : vector<16xf32>
          %scan3A_206 = arith.constant 1 : i32
          %scan3A_207 = arith.addi %scan3A_187, %scan3A_206 : i32
          %mul3A_208 = arith.constant 16 : i32
          %mul3A_209 = arith.muli %scan3A_207, %mul3A_208 : i32
          %get3A_210 = arith.index_cast %scan3A_176 : i32 to index
          %get3A_211 = arith.index_cast %mul3A_209 : i32 to index
          %get3A_212 = tpu.vector_load %arg6[%get3A_210, %get3A_211] {strides = array<i32>} : memref<4x4096xf32, #tpu.memory_space<vmem>>, vector<16xf32>,
          %broadcast_in_dim3A_213 = arith.constant true
          %broadcast_in_dim3A_214 = vector.broadcast %broadcast_in_dim3A_213 : i1 to vector<16xi1>
          %masked_cumsum3A_215 = tpu.scan <sum>, %get3A_212 masked %broadcast_in_dim3A_214 : vector<16xf32>, vector<16xi1> -> vector<16xf32>
          %add3A_216 = arith.addf %masked_cumsum3A_215, %add3A_205 : vector<16xf32>
          %swap3A_217 = arith.index_cast %scan3A_176 : i32 to index
          %swap3A_218 = arith.index_cast %mul3A_209 : i32 to index
          %swap3A_219 = tpu.vector_load %arg6[%swap3A_217, %swap3A_218] {strides = array<i32>} : memref<4x4096xf32, #tpu.memory_space<vmem>>, vector<16xf32>,
          tpu.vector_store %arg6[%swap3A_217, %swap3A_218], %add3A_216 {strides = array<i32>} : memref<4x4096xf32, #tpu.memory_space<vmem>>, vector<16xf32>,
          %lt3A_220 = arith.constant 0 : i32
          %lt3A_221 = vector.broadcast %lt3A_220 : i32 to vector<16xi32>
          %lt3A_222 = arith.cmpi slt, %broadcast_in_dim3A_5, %lt3A_221 : vector<16xi32>
          %add3A_223 = arith.constant 16 : i32
          %add3A_224 = vector.broadcast %add3A_223 : i32 to vector<16xi32>
          %add3A_225 = arith.addi %broadcast_in_dim3A_5, %add3A_224 : vector<16xi32>
          %select_n3A_226 = arith.select %lt3A_222, %add3A_225, %broadcast_in_dim3A_5 : vector<16xi1>, vector<16xi32>
          %broadcast_in_dim3A_227 = vector.shape_cast %select_n3A_226 : vector<16xi32> to vector<16x1xi32>
          %gather3A_228 = vector.shape_cast %broadcast_in_dim3A_227 : vector<16x1xi32> to vector<16xi32>
          %gather3A_229 = tpu.dynamic_gather %masked_cumsum3A_215[%gather3A_228] in [0] : vector<16xf32>, vector<16xi32> -> vector<16xf32>
          %add3A_230 = arith.addf %add3A_205, %gather3A_229 : vector<16xf32>
          %scan3A_231 = arith.constant 2 : i32
          %scan3A_232 = arith.addi %scan3A_187, %scan3A_231 : i32
          %mul3A_233 = arith.constant 16 : i32
          %mul3A_234 = arith.muli %scan3A_232, %mul3A_233 : i32
          %get3A_235 = arith.index_cast %scan3A_176 : i32 to index
          %get3A_236 = arith.index_cast %mul3A_234 : i32 to index
          %get3A_237 = tpu.vector_load %arg6[%get3A_235, %get3A_236] {strides = array<i32>} : memref<4x4096xf32, #tpu.memory_space<vmem>>, vector<16xf32>,
          %broadcast_in_dim3A_238 = arith.constant true
          %broadcast_in_dim3A_239 = vector.broadcast %broadcast_in_dim3A_238 : i1 to vector<16xi1>
          %masked_cumsum3A_240 = tpu.scan <sum>, %get3A_237 masked %broadcast_in_dim3A_239 : vector<16xf32>, vector<16xi1> -> vector<16xf32>
          %add3A_241 = arith.addf %masked_cumsum3A_240, %add3A_230 : vector<16xf32>
          %swap3A_242 = arith.index_cast %scan3A_176 : i32 to index
          %swap3A_243 = arith.index_cast %mul3A_234 : i32 to index
          %swap3A_244 = tpu.vector_load %arg6[%swap3A_242, %swap3A_243] {strides = array<i32>} : memref<4x4096xf32, #tpu.memory_space<vmem>>, vector<16xf32>,
          tpu.vector_store %arg6[%swap3A_242, %swap3A_243], %add3A_241 {strides = array<i32>} : memref<4x4096xf32, #tpu.memory_space<vmem>>, vector<16xf32>,
          %lt3A_245 = arith.constant 0 : i32
          %lt3A_246 = vector.broadcast %lt3A_245 : i32 to vector<16xi32>
          %lt3A_247 = arith.cmpi slt, %broadcast_in_dim3A_5, %lt3A_246 : vector<16xi32>
          %add3A_248 = arith.constant 16 : i32
          %add3A_249 = vector.broadcast %add3A_248 : i32 to vector<16xi32>
          %add3A_250 = arith.addi %broadcast_in_dim3A_5, %add3A_249 : vector<16xi32>
          %select_n3A_251 = arith.select %lt3A_247, %add3A_250, %broadcast_in_dim3A_5 : vector<16xi1>, vector<16xi32>
          %broadcast_in_dim3A_252 = vector.shape_cast %select_n3A_251 : vector<16xi32> to vector<16x1xi32>
          %gather3A_253 = vector.shape_cast %broadcast_in_dim3A_252 : vector<16x1xi32> to vector<16xi32>
          %gather3A_254 = tpu.dynamic_gather %masked_cumsum3A_240[%gather3A_253] in [0] : vector<16xf32>, vector<16xi32> -> vector<16xf32>
          %add3A_255 = arith.addf %add3A_230, %gather3A_254 : vector<16xf32>
          %scan3A_256 = arith.constant 3 : i32
          %scan3A_257 = arith.addi %scan3A_187, %scan3A_256 : i32
          %mul3A_258 = arith.constant 16 : i32
          %mul3A_259 = arith.muli %scan3A_257, %mul3A_258 : i32
          %get3A_260 = arith.index_cast %scan3A_176 : i32 to index
          %get3A_261 = arith.index_cast %mul3A_259 : i32 to index
          %get3A_262 = tpu.vector_load %arg6[%get3A_260, %get3A_261] {strides = array<i32>} : memref<4x4096xf32, #tpu.memory_space<vmem>>, vector<16xf32>,
          %broadcast_in_dim3A_263 = arith.constant true
          %broadcast_in_dim3A_264 = vector.broadcast %broadcast_in_dim3A_263 : i1 to vector<16xi1>
          %masked_cumsum3A_265 = tpu.scan <sum>, %get3A_262 masked %broadcast_in_dim3A_264 : vector<16xf32>, vector<16xi1> -> vector<16xf32>
          %add3A_266 = arith.addf %masked_cumsum3A_265, %add3A_255 : vector<16xf32>
          %swap3A_267 = arith.index_cast %scan3A_176 : i32 to index
          %swap3A_268 = arith.index_cast %mul3A_259 : i32 to index
          %swap3A_269 = tpu.vector_load %arg6[%swap3A_267, %swap3A_268] {strides = array<i32>} : memref<4x4096xf32, #tpu.memory_space<vmem>>, vector<16xf32>,
          tpu.vector_store %arg6[%swap3A_267, %swap3A_268], %add3A_266 {strides = array<i32>} : memref<4x4096xf32, #tpu.memory_space<vmem>>, vector<16xf32>,
          %lt3A_270 = arith.constant 0 : i32
          %lt3A_271 = vector.broadcast %lt3A_270 : i32 to vector<16xi32>
          %lt3A_272 = arith.cmpi slt, %broadcast_in_dim3A_5, %lt3A_271 : vector<16xi32>
          %add3A_273 = arith.constant 16 : i32
          %add3A_274 = vector.broadcast %add3A_273 : i32 to vector<16xi32>
          %add3A_275 = arith.addi %broadcast_in_dim3A_5, %add3A_274 : vector<16xi32>
          %select_n3A_276 = arith.select %lt3A_272, %add3A_275, %broadcast_in_dim3A_5 : vector<16xi1>, vector<16xi32>
          %broadcast_in_dim3A_277 = vector.shape_cast %select_n3A_276 : vector<16xi32> to vector<16x1xi32>
          %gather3A_278 = vector.shape_cast %broadcast_in_dim3A_277 : vector<16x1xi32> to vector<16xi32>
          %gather3A_279 = tpu.dynamic_gather %masked_cumsum3A_265[%gather3A_278] in [0] : vector<16xf32>, vector<16xi32> -> vector<16xf32>
          %add3A_280 = arith.addf %add3A_255, %gather3A_279 : vector<16xf32>
          %scan3A_281 = arith.constant 4 : i32
          %scan3A_282 = arith.addi %scan3A_187, %scan3A_281 : i32
          %mul3A_283 = arith.constant 16 : i32
          %mul3A_284 = arith.muli %scan3A_282, %mul3A_283 : i32
          %get3A_285 = arith.index_cast %scan3A_176 : i32 to index
          %get3A_286 = arith.index_cast %mul3A_284 : i32 to index
          %get3A_287 = tpu.vector_load %arg6[%get3A_285, %get3A_286] {strides = array<i32>} : memref<4x4096xf32, #tpu.memory_space<vmem>>, vector<16xf32>,
          %broadcast_in_dim3A_288 = arith.constant true
          %broadcast_in_dim3A_289 = vector.broadcast %broadcast_in_dim3A_288 : i1 to vector<16xi1>
          %masked_cumsum3A_290 = tpu.scan <sum>, %get3A_287 masked %broadcast_in_dim3A_289 : vector<16xf32>, vector<16xi1> -> vector<16xf32>
          %add3A_291 = arith.addf %masked_cumsum3A_290, %add3A_280 : vector<16xf32>
          %swap3A_292 = arith.index_cast %scan3A_176 : i32 to index
          %swap3A_293 = arith.index_cast %mul3A_284 : i32 to index
          %swap3A_294 = tpu.vector_load %arg6[%swap3A_292, %swap3A_293] {strides = array<i32>} : memref<4x4096xf32, #tpu.memory_space<vmem>>, vector<16xf32>,
          tpu.vector_store %arg6[%swap3A_292, %swap3A_293], %add3A_291 {strides = array<i32>} : memref<4x4096xf32, #tpu.memory_space<vmem>>, vector<16xf32>,
          %lt3A_295 = arith.constant 0 : i32
          %lt3A_296 = vector.broadcast %lt3A_295 : i32 to vector<16xi32>
          %lt3A_297 = arith.cmpi slt, %broadcast_in_dim3A_5, %lt3A_296 : vector<16xi32>
          %add3A_298 = arith.constant 16 : i32
          %add3A_299 = vector.broadcast %add3A_298 : i32 to vector<16xi32>
          %add3A_300 = arith.addi %broadcast_in_dim3A_5, %add3A_299 : vector<16xi32>
          %select_n3A_301 = arith.select %lt3A_297, %add3A_300, %broadcast_in_dim3A_5 : vector<16xi1>, vector<16xi32>
          %broadcast_in_dim3A_302 = vector.shape_cast %select_n3A_301 : vector<16xi32> to vector<16x1xi32>
          %gather3A_303 = vector.shape_cast %broadcast_in_dim3A_302 : vector<16x1xi32> to vector<16xi32>
          %gather3A_304 = tpu.dynamic_gather %masked_cumsum3A_290[%gather3A_303] in [0] : vector<16xf32>, vector<16xi32> -> vector<16xf32>
          %add3A_305 = arith.addf %add3A_280, %gather3A_304 : vector<16xf32>
          %scan3A_306 = arith.constant 5 : i32
          %scan3A_307 = arith.addi %scan3A_187, %scan3A_306 : i32
          %mul3A_308 = arith.constant 16 : i32
          %mul3A_309 = arith.muli %scan3A_307, %mul3A_308 : i32
          %get3A_310 = arith.index_cast %scan3A_176 : i32 to index
          %get3A_311 = arith.index_cast %mul3A_309 : i32 to index
          %get3A_312 = tpu.vector_load %arg6[%get3A_310, %get3A_311] {strides = array<i32>} : memref<4x4096xf32, #tpu.memory_space<vmem>>, vector<16xf32>,
          %broadcast_in_dim3A_313 = arith.constant true
          %broadcast_in_dim3A_314 = vector.broadcast %broadcast_in_dim3A_313 : i1 to vector<16xi1>
          %masked_cumsum3A_315 = tpu.scan <sum>, %get3A_312 masked %broadcast_in_dim3A_314 : vector<16xf32>, vector<16xi1> -> vector<16xf32>
          %add3A_316 = arith.addf %masked_cumsum3A_315, %add3A_305 : vector<16xf32>
          %swap3A_317 = arith.index_cast %scan3A_176 : i32 to index
          %swap3A_318 = arith.index_cast %mul3A_309 : i32 to index
          %swap3A_319 = tpu.vector_load %arg6[%swap3A_317, %swap3A_318] {strides = array<i32>} : memref<4x4096xf32, #tpu.memory_space<vmem>>, vector<16xf32>,
          tpu.vector_store %arg6[%swap3A_317, %swap3A_318], %add3A_316 {strides = array<i32>} : memref<4x4096xf32, #tpu.memory_space<vmem>>, vector<16xf32>,
          %lt3A_320 = arith.constant 0 : i32
          %lt3A_321 = vector.broadcast %lt3A_320 : i32 to vector<16xi32>
          %lt3A_322 = arith.cmpi slt, %broadcast_in_dim3A_5, %lt3A_321 : vector<16xi32>
          %add3A_323 = arith.constant 16 : i32
          %add3A_324 = vector.broadcast %add3A_323 : i32 to vector<16xi32>
          %add3A_325 = arith.addi %broadcast_in_dim3A_5, %add3A_324 : vector<16xi32>
          %select_n3A_326 = arith.select %lt3A_322, %add3A_325, %broadcast_in_dim3A_5 : vector<16xi1>, vector<16xi32>
          %broadcast_in_dim3A_327 = vector.shape_cast %select_n3A_326 : vector<16xi32> to vector<16x1xi32>
          %gather3A_328 = vector.shape_cast %broadcast_in_dim3A_327 : vector<16x1xi32> to vector<16xi32>
          %gather3A_329 = tpu.dynamic_gather %masked_cumsum3A_315[%gather3A_328] in [0] : vector<16xf32>, vector<16xi32> -> vector<16xf32>
          %add3A_330 = arith.addf %add3A_305, %gather3A_329 : vector<16xf32>
          %scan3A_331 = arith.constant 6 : i32
          %scan3A_332 = arith.addi %scan3A_187, %scan3A_331 : i32
          %mul3A_333 = arith.constant 16 : i32
          %mul3A_334 = arith.muli %scan3A_332, %mul3A_333 : i32
          %get3A_335 = arith.index_cast %scan3A_176 : i32 to index
          %get3A_336 = arith.index_cast %mul3A_334 : i32 to index
          %get3A_337 = tpu.vector_load %arg6[%get3A_335, %get3A_336] {strides = array<i32>} : memref<4x4096xf32, #tpu.memory_space<vmem>>, vector<16xf32>,
          %broadcast_in_dim3A_338 = arith.constant true
          %broadcast_in_dim3A_339 = vector.broadcast %broadcast_in_dim3A_338 : i1 to vector<16xi1>
          %masked_cumsum3A_340 = tpu.scan <sum>, %get3A_337 masked %broadcast_in_dim3A_339 : vector<16xf32>, vector<16xi1> -> vector<16xf32>
          %add3A_341 = arith.addf %masked_cumsum3A_340, %add3A_330 : vector<16xf32>
          %swap3A_342 = arith.index_cast %scan3A_176 : i32 to index
          %swap3A_343 = arith.index_cast %mul3A_334 : i32 to index
          %swap3A_344 = tpu.vector_load %arg6[%swap3A_342, %swap3A_343] {strides = array<i32>} : memref<4x4096xf32, #tpu.memory_space<vmem>>, vector<16xf32>,
          tpu.vector_store %arg6[%swap3A_342, %swap3A_343], %add3A_341 {strides = array<i32>} : memref<4x4096xf32, #tpu.memory_space<vmem>>, vector<16xf32>,
          %lt3A_345 = arith.constant 0 : i32
          %lt3A_346 = vector.broadcast %lt3A_345 : i32 to vector<16xi32>
          %lt3A_347 = arith.cmpi slt, %broadcast_in_dim3A_5, %lt3A_346 : vector<16xi32>
          %add3A_348 = arith.constant 16 : i32
          %add3A_349 = vector.broadcast %add3A_348 : i32 to vector<16xi32>
          %add3A_350 = arith.addi %broadcast_in_dim3A_5, %add3A_349 : vector<16xi32>
          %select_n3A_351 = arith.select %lt3A_347, %add3A_350, %broadcast_in_dim3A_5 : vector<16xi1>, vector<16xi32>
          %broadcast_in_dim3A_352 = vector.shape_cast %select_n3A_351 : vector<16xi32> to vector<16x1xi32>
          %gather3A_353 = vector.shape_cast %broadcast_in_dim3A_352 : vector<16x1xi32> to vector<16xi32>
          %gather3A_354 = tpu.dynamic_gather %masked_cumsum3A_340[%gather3A_353] in [0] : vector<16xf32>, vector<16xi32> -> vector<16xf32>
          %add3A_355 = arith.addf %add3A_330, %gather3A_354 : vector<16xf32>
          %scan3A_356 = arith.constant 7 : i32
          %scan3A_357 = arith.addi %scan3A_187, %scan3A_356 : i32
          %mul3A_358 = arith.constant 16 : i32
          %mul3A_359 = arith.muli %scan3A_357, %mul3A_358 : i32
          %get3A_360 = arith.index_cast %scan3A_176 : i32 to index
          %get3A_361 = arith.index_cast %mul3A_359 : i32 to index
          %get3A_362 = tpu.vector_load %arg6[%get3A_360, %get3A_361] {strides = array<i32>} : memref<4x4096xf32, #tpu.memory_space<vmem>>, vector<16xf32>,
          %broadcast_in_dim3A_363 = arith.constant true
          %broadcast_in_dim3A_364 = vector.broadcast %broadcast_in_dim3A_363 : i1 to vector<16xi1>
          %masked_cumsum3A_365 = tpu.scan <sum>, %get3A_362 masked %broadcast_in_dim3A_364 : vector<16xf32>, vector<16xi1> -> vector<16xf32>
          %add3A_366 = arith.addf %masked_cumsum3A_365, %add3A_355 : vector<16xf32>
          %swap3A_367 = arith.index_cast %scan3A_176 : i32 to index
          %swap3A_368 = arith.index_cast %mul3A_359 : i32 to index
          %swap3A_369 = tpu.vector_load %arg6[%swap3A_367, %swap3A_368] {strides = array<i32>} : memref<4x4096xf32, #tpu.memory_space<vmem>>, vector<16xf32>,
          tpu.vector_store %arg6[%swap3A_367, %swap3A_368], %add3A_366 {strides = array<i32>} : memref<4x4096xf32, #tpu.memory_space<vmem>>, vector<16xf32>,
          %lt3A_370 = arith.constant 0 : i32
          %lt3A_371 = vector.broadcast %lt3A_370 : i32 to vector<16xi32>
          %lt3A_372 = arith.cmpi slt, %broadcast_in_dim3A_5, %lt3A_371 : vector<16xi32>
          %add3A_373 = arith.constant 16 : i32
          %add3A_374 = vector.broadcast %add3A_373 : i32 to vector<16xi32>
          %add3A_375 = arith.addi %broadcast_in_dim3A_5, %add3A_374 : vector<16xi32>
          %select_n3A_376 = arith.select %lt3A_372, %add3A_375, %broadcast_in_dim3A_5 : vector<16xi1>, vector<16xi32>
          %broadcast_in_dim3A_377 = vector.shape_cast %select_n3A_376 : vector<16xi32> to vector<16x1xi32>
          %gather3A_378 = vector.shape_cast %broadcast_in_dim3A_377 : vector<16x1xi32> to vector<16xi32>
          %gather3A_379 = tpu.dynamic_gather %masked_cumsum3A_365[%gather3A_378] in [0] : vector<16xf32>, vector<16xi32> -> vector<16xf32>
          %add3A_380 = arith.addf %add3A_355, %gather3A_379 : vector<16xf32>
          %scan3A_381 = arith.constant 8 : i32
          %scan3A_382 = arith.addi %scan3A_187, %scan3A_381 : i32
          %mul3A_383 = arith.constant 16 : i32
          %mul3A_384 = arith.muli %scan3A_382, %mul3A_383 : i32
          %get3A_385 = arith.index_cast %scan3A_176 : i32 to index
          %get3A_386 = arith.index_cast %mul3A_384 : i32 to index
          %get3A_387 = tpu.vector_load %arg6[%get3A_385, %get3A_386] {strides = array<i32>} : memref<4x4096xf32, #tpu.memory_space<vmem>>, vector<16xf32>,
          %broadcast_in_dim3A_388 = arith.constant true
          %broadcast_in_dim3A_389 = vector.broadcast %broadcast_in_dim3A_388 : i1 to vector<16xi1>
          %masked_cumsum3A_390 = tpu.scan <sum>, %get3A_387 masked %broadcast_in_dim3A_389 : vector<16xf32>, vector<16xi1> -> vector<16xf32>
          %add3A_391 = arith.addf %masked_cumsum3A_390, %add3A_380 : vector<16xf32>
          %swap3A_392 = arith.index_cast %scan3A_176 : i32 to index
          %swap3A_393 = arith.index_cast %mul3A_384 : i32 to index
          %swap3A_394 = tpu.vector_load %arg6[%swap3A_392, %swap3A_393] {strides = array<i32>} : memref<4x4096xf32, #tpu.memory_space<vmem>>, vector<16xf32>,
          tpu.vector_store %arg6[%swap3A_392, %swap3A_393], %add3A_391 {strides = array<i32>} : memref<4x4096xf32, #tpu.memory_space<vmem>>, vector<16xf32>,
          %lt3A_395 = arith.constant 0 : i32
          %lt3A_396 = vector.broadcast %lt3A_395 : i32 to vector<16xi32>
          %lt3A_397 = arith.cmpi slt, %broadcast_in_dim3A_5, %lt3A_396 : vector<16xi32>
          %add3A_398 = arith.constant 16 : i32
          %add3A_399 = vector.broadcast %add3A_398 : i32 to vector<16xi32>
          %add3A_400 = arith.addi %broadcast_in_dim3A_5, %add3A_399 : vector<16xi32>
          %select_n3A_401 = arith.select %lt3A_397, %add3A_400, %broadcast_in_dim3A_5 : vector<16xi1>, vector<16xi32>
          %broadcast_in_dim3A_402 = vector.shape_cast %select_n3A_401 : vector<16xi32> to vector<16x1xi32>
          %gather3A_403 = vector.shape_cast %broadcast_in_dim3A_402 : vector<16x1xi32> to vector<16xi32>
          %gather3A_404 = tpu.dynamic_gather %masked_cumsum3A_390[%gather3A_403] in [0] : vector<16xf32>, vector<16xi32> -> vector<16xf32>
          %add3A_405 = arith.addf %add3A_380, %gather3A_404 : vector<16xf32>
          %scan3A_406 = arith.constant 9 : i32
          %scan3A_407 = arith.addi %scan3A_187, %scan3A_406 : i32
          %mul3A_408 = arith.constant 16 : i32
          %mul3A_409 = arith.muli %scan3A_407, %mul3A_408 : i32
          %get3A_410 = arith.index_cast %scan3A_176 : i32 to index
          %get3A_411 = arith.index_cast %mul3A_409 : i32 to index
          %get3A_412 = tpu.vector_load %arg6[%get3A_410, %get3A_411] {strides = array<i32>} : memref<4x4096xf32, #tpu.memory_space<vmem>>, vector<16xf32>,
          %broadcast_in_dim3A_413 = arith.constant true
          %broadcast_in_dim3A_414 = vector.broadcast %broadcast_in_dim3A_413 : i1 to vector<16xi1>
          %masked_cumsum3A_415 = tpu.scan <sum>, %get3A_412 masked %broadcast_in_dim3A_414 : vector<16xf32>, vector<16xi1> -> vector<16xf32>
          %add3A_416 = arith.addf %masked_cumsum3A_415, %add3A_405 : vector<16xf32>
          %swap3A_417 = arith.index_cast %scan3A_176 : i32 to index
          %swap3A_418 = arith.index_cast %mul3A_409 : i32 to index
          %swap3A_419 = tpu.vector_load %arg6[%swap3A_417, %swap3A_418] {strides = array<i32>} : memref<4x4096xf32, #tpu.memory_space<vmem>>, vector<16xf32>,
          tpu.vector_store %arg6[%swap3A_417, %swap3A_418], %add3A_416 {strides = array<i32>} : memref<4x4096xf32, #tpu.memory_space<vmem>>, vector<16xf32>,
          %lt3A_420 = arith.constant 0 : i32
          %lt3A_421 = vector.broadcast %lt3A_420 : i32 to vector<16xi32>
          %lt3A_422 = arith.cmpi slt, %broadcast_in_dim3A_5, %lt3A_421 : vector<16xi32>
          %add3A_423 = arith.constant 16 : i32
          %add3A_424 = vector.broadcast %add3A_423 : i32 to vector<16xi32>
          %add3A_425 = arith.addi %broadcast_in_dim3A_5, %add3A_424 : vector<16xi32>
          %select_n3A_426 = arith.select %lt3A_422, %add3A_425, %broadcast_in_dim3A_5 : vector<16xi1>, vector<16xi32>
          %broadcast_in_dim3A_427 = vector.shape_cast %select_n3A_426 : vector<16xi32> to vector<16x1xi32>
          %gather3A_428 = vector.shape_cast %broadcast_in_dim3A_427 : vector<16x1xi32> to vector<16xi32>
          %gather3A_429 = tpu.dynamic_gather %masked_cumsum3A_415[%gather3A_428] in [0] : vector<16xf32>, vector<16xi32> -> vector<16xf32>
          %add3A_430 = arith.addf %add3A_405, %gather3A_429 : vector<16xf32>
          %scan3A_431 = arith.constant 10 : i32
          %scan3A_432 = arith.addi %scan3A_187, %scan3A_431 : i32
          %mul3A_433 = arith.constant 16 : i32
          %mul3A_434 = arith.muli %scan3A_432, %mul3A_433 : i32
          %get3A_435 = arith.index_cast %scan3A_176 : i32 to index
          %get3A_436 = arith.index_cast %mul3A_434 : i32 to index
          %get3A_437 = tpu.vector_load %arg6[%get3A_435, %get3A_436] {strides = array<i32>} : memref<4x4096xf32, #tpu.memory_space<vmem>>, vector<16xf32>,
          %broadcast_in_dim3A_438 = arith.constant true
          %broadcast_in_dim3A_439 = vector.broadcast %broadcast_in_dim3A_438 : i1 to vector<16xi1>
          %masked_cumsum3A_440 = tpu.scan <sum>, %get3A_437 masked %broadcast_in_dim3A_439 : vector<16xf32>, vector<16xi1> -> vector<16xf32>
          %add3A_441 = arith.addf %masked_cumsum3A_440, %add3A_430 : vector<16xf32>
          %swap3A_442 = arith.index_cast %scan3A_176 : i32 to index
          %swap3A_443 = arith.index_cast %mul3A_434 : i32 to index
          %swap3A_444 = tpu.vector_load %arg6[%swap3A_442, %swap3A_443] {strides = array<i32>} : memref<4x4096xf32, #tpu.memory_space<vmem>>, vector<16xf32>,
          tpu.vector_store %arg6[%swap3A_442, %swap3A_443], %add3A_441 {strides = array<i32>} : memref<4x4096xf32, #tpu.memory_space<vmem>>, vector<16xf32>,
          %lt3A_445 = arith.constant 0 : i32
          %lt3A_446 = vector.broadcast %lt3A_445 : i32 to vector<16xi32>
          %lt3A_447 = arith.cmpi slt, %broadcast_in_dim3A_5, %lt3A_446 : vector<16xi32>
          %add3A_448 = arith.constant 16 : i32
          %add3A_449 = vector.broadcast %add3A_448 : i32 to vector<16xi32>
          %add3A_450 = arith.addi %broadcast_in_dim3A_5, %add3A_449 : vector<16xi32>
          %select_n3A_451 = arith.select %lt3A_447, %add3A_450, %broadcast_in_dim3A_5 : vector<16xi1>, vector<16xi32>
          %broadcast_in_dim3A_452 = vector.shape_cast %select_n3A_451 : vector<16xi32> to vector<16x1xi32>
          %gather3A_453 = vector.shape_cast %broadcast_in_dim3A_452 : vector<16x1xi32> to vector<16xi32>
          %gather3A_454 = tpu.dynamic_gather %masked_cumsum3A_440[%gather3A_453] in [0] : vector<16xf32>, vector<16xi32> -> vector<16xf32>
          %add3A_455 = arith.addf %add3A_430, %gather3A_454 : vector<16xf32>
          %scan3A_456 = arith.constant 11 : i32
          %scan3A_457 = arith.addi %scan3A_187, %scan3A_456 : i32
          %mul3A_458 = arith.constant 16 : i32
          %mul3A_459 = arith.muli %scan3A_457, %mul3A_458 : i32
          %get3A_460 = arith.index_cast %scan3A_176 : i32 to index
          %get3A_461 = arith.index_cast %mul3A_459 : i32 to index
          %get3A_462 = tpu.vector_load %arg6[%get3A_460, %get3A_461] {strides = array<i32>} : memref<4x4096xf32, #tpu.memory_space<vmem>>, vector<16xf32>,
          %broadcast_in_dim3A_463 = arith.constant true
          %broadcast_in_dim3A_464 = vector.broadcast %broadcast_in_dim3A_463 : i1 to vector<16xi1>
          %masked_cumsum3A_465 = tpu.scan <sum>, %get3A_462 masked %broadcast_in_dim3A_464 : vector<16xf32>, vector<16xi1> -> vector<16xf32>
          %add3A_466 = arith.addf %masked_cumsum3A_465, %add3A_455 : vector<16xf32>
          %swap3A_467 = arith.index_cast %scan3A_176 : i32 to index
          %swap3A_468 = arith.index_cast %mul3A_459 : i32 to index
          %swap3A_469 = tpu.vector_load %arg6[%swap3A_467, %swap3A_468] {strides = array<i32>} : memref<4x4096xf32, #tpu.memory_space<vmem>>, vector<16xf32>,
          tpu.vector_store %arg6[%swap3A_467, %swap3A_468], %add3A_466 {strides = array<i32>} : memref<4x4096xf32, #tpu.memory_space<vmem>>, vector<16xf32>,
          %lt3A_470 = arith.constant 0 : i32
          %lt3A_471 = vector.broadcast %lt3A_470 : i32 to vector<16xi32>
          %lt3A_472 = arith.cmpi slt, %broadcast_in_dim3A_5, %lt3A_471 : vector<16xi32>
          %add3A_473 = arith.constant 16 : i32
          %add3A_474 = vector.broadcast %add3A_473 : i32 to vector<16xi32>
          %add3A_475 = arith.addi %broadcast_in_dim3A_5, %add3A_474 : vector<16xi32>
          %select_n3A_476 = arith.select %lt3A_472, %add3A_475, %broadcast_in_dim3A_5 : vector<16xi1>, vector<16xi32>
          %broadcast_in_dim3A_477 = vector.shape_cast %select_n3A_476 : vector<16xi32> to vector<16x1xi32>
          %gather3A_478 = vector.shape_cast %broadcast_in_dim3A_477 : vector<16x1xi32> to vector<16xi32>
          %gather3A_479 = tpu.dynamic_gather %masked_cumsum3A_465[%gather3A_478] in [0] : vector<16xf32>, vector<16xi32> -> vector<16xf32>
          %add3A_480 = arith.addf %add3A_455, %gather3A_479 : vector<16xf32>
          %scan3A_481 = arith.constant 12 : i32
          %scan3A_482 = arith.addi %scan3A_187, %scan3A_481 : i32
          %mul3A_483 = arith.constant 16 : i32
          %mul3A_484 = arith.muli %scan3A_482, %mul3A_483 : i32
          %get3A_485 = arith.index_cast %scan3A_176 : i32 to index
          %get3A_486 = arith.index_cast %mul3A_484 : i32 to index
          %get3A_487 = tpu.vector_load %arg6[%get3A_485, %get3A_486] {strides = array<i32>} : memref<4x4096xf32, #tpu.memory_space<vmem>>, vector<16xf32>,
          %broadcast_in_dim3A_488 = arith.constant true
          %broadcast_in_dim3A_489 = vector.broadcast %broadcast_in_dim3A_488 : i1 to vector<16xi1>
          %masked_cumsum3A_490 = tpu.scan <sum>, %get3A_487 masked %broadcast_in_dim3A_489 : vector<16xf32>, vector<16xi1> -> vector<16xf32>
          %add3A_491 = arith.addf %masked_cumsum3A_490, %add3A_480 : vector<16xf32>
          %swap3A_492 = arith.index_cast %scan3A_176 : i32 to index
          %swap3A_493 = arith.index_cast %mul3A_484 : i32 to index
          %swap3A_494 = tpu.vector_load %arg6[%swap3A_492, %swap3A_493] {strides = array<i32>} : memref<4x4096xf32, #tpu.memory_space<vmem>>, vector<16xf32>,
          tpu.vector_store %arg6[%swap3A_492, %swap3A_493], %add3A_491 {strides = array<i32>} : memref<4x4096xf32, #tpu.memory_space<vmem>>, vector<16xf32>,
          %lt3A_495 = arith.constant 0 : i32
          %lt3A_496 = vector.broadcast %lt3A_495 : i32 to vector<16xi32>
          %lt3A_497 = arith.cmpi slt, %broadcast_in_dim3A_5, %lt3A_496 : vector<16xi32>
          %add3A_498 = arith.constant 16 : i32
          %add3A_499 = vector.broadcast %add3A_498 : i32 to vector<16xi32>
          %add3A_500 = arith.addi %broadcast_in_dim3A_5, %add3A_499 : vector<16xi32>
          %select_n3A_501 = arith.select %lt3A_497, %add3A_500, %broadcast_in_dim3A_5 : vector<16xi1>, vector<16xi32>
          %broadcast_in_dim3A_502 = vector.shape_cast %select_n3A_501 : vector<16xi32> to vector<16x1xi32>
          %gather3A_503 = vector.shape_cast %broadcast_in_dim3A_502 : vector<16x1xi32> to vector<16xi32>
          %gather3A_504 = tpu.dynamic_gather %masked_cumsum3A_490[%gather3A_503] in [0] : vector<16xf32>, vector<16xi32> -> vector<16xf32>
          %add3A_505 = arith.addf %add3A_480, %gather3A_504 : vector<16xf32>
          %scan3A_506 = arith.constant 13 : i32
          %scan3A_507 = arith.addi %scan3A_187, %scan3A_506 : i32
          %mul3A_508 = arith.constant 16 : i32
          %mul3A_509 = arith.muli %scan3A_507, %mul3A_508 : i32
          %get3A_510 = arith.index_cast %scan3A_176 : i32 to index
          %get3A_511 = arith.index_cast %mul3A_509 : i32 to index
          %get3A_512 = tpu.vector_load %arg6[%get3A_510, %get3A_511] {strides = array<i32>} : memref<4x4096xf32, #tpu.memory_space<vmem>>, vector<16xf32>,
          %broadcast_in_dim3A_513 = arith.constant true
          %broadcast_in_dim3A_514 = vector.broadcast %broadcast_in_dim3A_513 : i1 to vector<16xi1>
          %masked_cumsum3A_515 = tpu.scan <sum>, %get3A_512 masked %broadcast_in_dim3A_514 : vector<16xf32>, vector<16xi1> -> vector<16xf32>
          %add3A_516 = arith.addf %masked_cumsum3A_515, %add3A_505 : vector<16xf32>
          %swap3A_517 = arith.index_cast %scan3A_176 : i32 to index
          %swap3A_518 = arith.index_cast %mul3A_509 : i32 to index
          %swap3A_519 = tpu.vector_load %arg6[%swap3A_517, %swap3A_518] {strides = array<i32>} : memref<4x4096xf32, #tpu.memory_space<vmem>>, vector<16xf32>,
          tpu.vector_store %arg6[%swap3A_517, %swap3A_518], %add3A_516 {strides = array<i32>} : memref<4x4096xf32, #tpu.memory_space<vmem>>, vector<16xf32>,
          %lt3A_520 = arith.constant 0 : i32
          %lt3A_521 = vector.broadcast %lt3A_520 : i32 to vector<16xi32>
          %lt3A_522 = arith.cmpi slt, %broadcast_in_dim3A_5, %lt3A_521 : vector<16xi32>
          %add3A_523 = arith.constant 16 : i32
          %add3A_524 = vector.broadcast %add3A_523 : i32 to vector<16xi32>
          %add3A_525 = arith.addi %broadcast_in_dim3A_5, %add3A_524 : vector<16xi32>
          %select_n3A_526 = arith.select %lt3A_522, %add3A_525, %broadcast_in_dim3A_5 : vector<16xi1>, vector<16xi32>
          %broadcast_in_dim3A_527 = vector.shape_cast %select_n3A_526 : vector<16xi32> to vector<16x1xi32>
          %gather3A_528 = vector.shape_cast %broadcast_in_dim3A_527 : vector<16x1xi32> to vector<16xi32>
          %gather3A_529 = tpu.dynamic_gather %masked_cumsum3A_515[%gather3A_528] in [0] : vector<16xf32>, vector<16xi32> -> vector<16xf32>
          %add3A_530 = arith.addf %add3A_505, %gather3A_529 : vector<16xf32>
          %scan3A_531 = arith.constant 14 : i32
          %scan3A_532 = arith.addi %scan3A_187, %scan3A_531 : i32
          %mul3A_533 = arith.constant 16 : i32
          %mul3A_534 = arith.muli %scan3A_532, %mul3A_533 : i32
          %get3A_535 = arith.index_cast %scan3A_176 : i32 to index
          %get3A_536 = arith.index_cast %mul3A_534 : i32 to index
          %get3A_537 = tpu.vector_load %arg6[%get3A_535, %get3A_536] {strides = array<i32>} : memref<4x4096xf32, #tpu.memory_space<vmem>>, vector<16xf32>,
          %broadcast_in_dim3A_538 = arith.constant true
          %broadcast_in_dim3A_539 = vector.broadcast %broadcast_in_dim3A_538 : i1 to vector<16xi1>
          %masked_cumsum3A_540 = tpu.scan <sum>, %get3A_537 masked %broadcast_in_dim3A_539 : vector<16xf32>, vector<16xi1> -> vector<16xf32>
          %add3A_541 = arith.addf %masked_cumsum3A_540, %add3A_530 : vector<16xf32>
          %swap3A_542 = arith.index_cast %scan3A_176 : i32 to index
          %swap3A_543 = arith.index_cast %mul3A_534 : i32 to index
          %swap3A_544 = tpu.vector_load %arg6[%swap3A_542, %swap3A_543] {strides = array<i32>} : memref<4x4096xf32, #tpu.memory_space<vmem>>, vector<16xf32>,
          tpu.vector_store %arg6[%swap3A_542, %swap3A_543], %add3A_541 {strides = array<i32>} : memref<4x4096xf32, #tpu.memory_space<vmem>>, vector<16xf32>,
          %lt3A_545 = arith.constant 0 : i32
          %lt3A_546 = vector.broadcast %lt3A_545 : i32 to vector<16xi32>
          %lt3A_547 = arith.cmpi slt, %broadcast_in_dim3A_5, %lt3A_546 : vector<16xi32>
          %add3A_548 = arith.constant 16 : i32
          %add3A_549 = vector.broadcast %add3A_548 : i32 to vector<16xi32>
          %add3A_550 = arith.addi %broadcast_in_dim3A_5, %add3A_549 : vector<16xi32>
          %select_n3A_551 = arith.select %lt3A_547, %add3A_550, %broadcast_in_dim3A_5 : vector<16xi1>, vector<16xi32>
          %broadcast_in_dim3A_552 = vector.shape_cast %select_n3A_551 : vector<16xi32> to vector<16x1xi32>
          %gather3A_553 = vector.shape_cast %broadcast_in_dim3A_552 : vector<16x1xi32> to vector<16xi32>
          %gather3A_554 = tpu.dynamic_gather %masked_cumsum3A_540[%gather3A_553] in [0] : vector<16xf32>, vector<16xi32> -> vector<16xf32>
          %add3A_555 = arith.addf %add3A_530, %gather3A_554 : vector<16xf32>
          %scan3A_556 = arith.constant 15 : i32
          %scan3A_557 = arith.addi %scan3A_187, %scan3A_556 : i32
          %mul3A_558 = arith.constant 16 : i32
          %mul3A_559 = arith.muli %scan3A_557, %mul3A_558 : i32
          %get3A_560 = arith.index_cast %scan3A_176 : i32 to index
          %get3A_561 = arith.index_cast %mul3A_559 : i32 to index
          %get3A_562 = tpu.vector_load %arg6[%get3A_560, %get3A_561] {strides = array<i32>} : memref<4x4096xf32, #tpu.memory_space<vmem>>, vector<16xf32>,
          %broadcast_in_dim3A_563 = arith.constant true
          %broadcast_in_dim3A_564 = vector.broadcast %broadcast_in_dim3A_563 : i1 to vector<16xi1>
          %masked_cumsum3A_565 = tpu.scan <sum>, %get3A_562 masked %broadcast_in_dim3A_564 : vector<16xf32>, vector<16xi1> -> vector<16xf32>
          %add3A_566 = arith.addf %masked_cumsum3A_565, %add3A_555 : vector<16xf32>
          %swap3A_567 = arith.index_cast %scan3A_176 : i32 to index
          %swap3A_568 = arith.index_cast %mul3A_559 : i32 to index
          %swap3A_569 = tpu.vector_load %arg6[%swap3A_567, %swap3A_568] {strides = array<i32>} : memref<4x4096xf32, #tpu.memory_space<vmem>>, vector<16xf32>,
          tpu.vector_store %arg6[%swap3A_567, %swap3A_568], %add3A_566 {strides = array<i32>} : memref<4x4096xf32, #tpu.memory_space<vmem>>, vector<16xf32>,
          %lt3A_570 = arith.constant 0 : i32
          %lt3A_571 = vector.broadcast %lt3A_570 : i32 to vector<16xi32>
          %lt3A_572 = arith.cmpi slt, %broadcast_in_dim3A_5, %lt3A_571 : vector<16xi32>
          %add3A_573 = arith.constant 16 : i32
          %add3A_574 = vector.broadcast %add3A_573 : i32 to vector<16xi32>
          %add3A_575 = arith.addi %broadcast_in_dim3A_5, %add3A_574 : vector<16xi32>
          %select_n3A_576 = arith.select %lt3A_572, %add3A_575, %broadcast_in_dim3A_5 : vector<16xi1>, vector<16xi32>
          %broadcast_in_dim3A_577 = vector.shape_cast %select_n3A_576 : vector<16xi32> to vector<16x1xi32>
          %gather3A_578 = vector.shape_cast %broadcast_in_dim3A_577 : vector<16x1xi32> to vector<16xi32>
          %gather3A_579 = tpu.dynamic_gather %masked_cumsum3A_565[%gather3A_578] in [0] : vector<16xf32>, vector<16xi32> -> vector<16xf32>
          %add3A_580 = arith.addf %add3A_555, %gather3A_579 : vector<16xf32>
          scf.yield %add3A_580 : vector<16xf32>
        }
        %scan3A_185 = arith.constant 256 : i32
        %scan3A_186 = arith.constant 0 : i32
        scf.yield %scan3A_186 : i32
      }
      %scan3A_126 = arith.constant 4 : i32
      %dma_start3A_127 = arith.constant 0 : i32
      %dma_start3A_128 = tpu.memref_slice %arg3[%add3A_115, %dma_start3A_127] : memref<4096x4096xf32, #tpu.memory_space<hbm>> -> memref<4x4096xf32, #tpu.memory_space<hbm>>
      %dma_start3A_129 = arith.constant 0 : i32
      %dma_start3A_130 = tpu.memref_slice %arg3[%add3A_115, %dma_start3A_129] : memref<4096x4096xf32, #tpu.memory_space<hbm>> -> memref<4x4096xf32, #tpu.memory_space<hbm>>
      tpu.enqueue_dma source(%arg6 : memref<4x4096xf32, #tpu.memory_space<vmem>>) target(%dma_start3A_130 : memref<4x4096xf32, #tpu.memory_space<hbm>>) target_semaphore(%arg14 : memref<!tpu.dma_semaphore, #tpu.memory_space<semaphore_mem>>)
      %dma_wait3A_131 = arith.constant 0 : i32
      %dma_wait3A_132 = tpu.memref_slice %arg3[%mul3A_2, %dma_wait3A_131] : memref<4096x4096xf32, #tpu.memory_space<hbm>> -> memref<4x4096xf32, #tpu.memory_space<hbm>>
      %dma_wait3A_133 = arith.constant 0 : i32
      %dma_wait3A_134 = tpu.memref_slice %arg3[%mul3A_2, %dma_wait3A_133] : memref<4096x4096xf32, #tpu.memory_space<hbm>> -> memref<4x4096xf32, #tpu.memory_space<hbm>>
      tpu.wait_dma2 semaphore(%arg13 : memref<!tpu.dma_semaphore, #tpu.memory_space<semaphore_mem>>) src(%arg5 : memref<4x4096xf32, #tpu.memory_space<vmem>>) dst(%dma_wait3A_134 : memref<4x4096xf32, #tpu.memory_space<hbm>>)
      %add3A_135 = arith.constant 12 : i32
      %add3A_136 = arith.addi %add3A_115, %add3A_135 : i32
      %min3A_137 = arith.minsi %add3A_136, %add3A_4 : i32
      %dma_start3A_138 = arith.constant 0 : i32
      %dma_start3A_139 = tpu.memref_slice %arg2[%min3A_137, %dma_start3A_138] : memref<4096x4096xf32, #tpu.memory_space<hbm>> -> memref<4x4096xf32, #tpu.memory_space<hbm>>
      %dma_start3A_140 = arith.constant 0 : i32
      %dma_start3A_141 = tpu.memref_slice %arg2[%min3A_137, %dma_start3A_140] : memref<4096x4096xf32, #tpu.memory_space<hbm>> -> memref<4x4096xf32, #tpu.memory_space<hbm>>
      tpu.enqueue_dma source(%dma_start3A_141 : memref<4x4096xf32, #tpu.memory_space<hbm>>) target(%arg5 : memref<4x4096xf32, #tpu.memory_space<vmem>>) target_semaphore(%arg9 : memref<!tpu.dma_semaphore, #tpu.memory_space<semaphore_mem>>)
      %mul3A_142 = arith.constant 4 : i32
      %mul3A_143 = arith.muli %scan3A_44, %mul3A_142 : i32
      %add3A_144 = arith.constant 3 : i32
      %add3A_145 = arith.addi %mul3A_143, %add3A_144 : i32
      %mul3A_146 = arith.constant 4 : i32
      %mul3A_147 = arith.muli %add3A_145, %mul3A_146 : i32
      %add3A_148 = arith.addi %mul3A_2, %mul3A_147 : i32
      %dma_wait3A_149 = arith.constant 0 : i32
      %dma_wait3A_150 = tpu.memref_slice %arg2[%mul3A_2, %dma_wait3A_149] : memref<4096x4096xf32, #tpu.memory_space<hbm>> -> memref<4x4096xf32, #tpu.memory_space<hbm>>
      %dma_wait3A_151 = arith.constant 0 : i32
      %dma_wait3A_152 = tpu.memref_slice %arg2[%mul3A_2, %dma_wait3A_151] : memref<4096x4096xf32, #tpu.memory_space<hbm>> -> memref<4x4096xf32, #tpu.memory_space<hbm>>
      tpu.wait_dma2 semaphore(%arg11 : memref<!tpu.dma_semaphore, #tpu.memory_space<semaphore_mem>>) src(%dma_wait3A_152 : memref<4x4096xf32, #tpu.memory_space<hbm>>) dst(%arg7 : memref<4x4096xf32, #tpu.memory_space<vmem>>)
      %scan3A_153 = arith.constant 0 : i32
      %scan3A_154 = arith.constant 0 : i32
      %scan3A_155 = arith.constant 4 : i32
      %scan3A_156 = arith.addi %scan3A_154, %scan3A_155 : i32
      %scan3A_157 = arith.constant 1 : i32
      %scan3A_158 = scf.for %scan3A_176 = %scan3A_154 to %scan3A_156 step %scan3A_157 iter_args(%scan3A_177 = %scan3A_153) -> (i32)  : i32 {
        %broadcast_in_dim3A_178 = arith.constant 0.000000e+00 : f32
        %broadcast_in_dim3A_179 = vector.broadcast %broadcast_in_dim3A_178 : f32 to vector<16xf32>
        %scan3A_180 = arith.constant 0 : i32
        %scan3A_181 = arith.constant 256 : i32
        %scan3A_182 = arith.addi %scan3A_180, %scan3A_181 : i32
        %scan3A_183 = arith.constant 16 : i32
        %scan3A_184 = scf.for %scan3A_187 = %scan3A_180 to %scan3A_182 step %scan3A_183 iter_args(%scan3A_188 = %broadcast_in_dim3A_179) -> (vector<16xf32>)  : i32 {
          %mul3A_189 = arith.constant 16 : i32
          %mul3A_190 = arith.muli %scan3A_187, %mul3A_189 : i32
          %get3A = arith.index_cast %scan3A_176 : i32 to index
          %get3A_191 = arith.index_cast %mul3A_190 : i32 to index
          %get3A_192 = tpu.vector_load %arg7[%get3A, %get3A_191] {strides = array<i32>} : memref<4x4096xf32, #tpu.memory_space<vmem>>, vector<16xf32>,
          %broadcast_in_dim3A_193 = arith.constant true
          %broadcast_in_dim3A_194 = vector.broadcast %broadcast_in_dim3A_193 : i1 to vector<16xi1>
          %masked_cumsum3A = tpu.scan <sum>, %get3A_192 masked %broadcast_in_dim3A_194 : vector<16xf32>, vector<16xi1> -> vector<16xf32>
          %add3A_195 = arith.addf %masked_cumsum3A, %scan3A_188 : vector<16xf32>
          %swap3A = arith.index_cast %scan3A_176 : i32 to index
          %swap3A_196 = arith.index_cast %mul3A_190 : i32 to index
          %swap3A_197 = tpu.vector_load %arg7[%swap3A, %swap3A_196] {strides = array<i32>} : memref<4x4096xf32, #tpu.memory_space<vmem>>, vector<16xf32>,
          tpu.vector_store %arg7[%swap3A, %swap3A_196], %add3A_195 {strides = array<i32>} : memref<4x4096xf32, #tpu.memory_space<vmem>>, vector<16xf32>,
          %lt3A = arith.constant 0 : i32
          %lt3A_198 = vector.broadcast %lt3A : i32 to vector<16xi32>
          %lt3A_199 = arith.cmpi slt, %broadcast_in_dim3A_5, %lt3A_198 : vector<16xi32>
          %add3A_200 = arith.constant 16 : i32
          %add3A_201 = vector.broadcast %add3A_200 : i32 to vector<16xi32>
          %add3A_202 = arith.addi %broadcast_in_dim3A_5, %add3A_201 : vector<16xi32>
          %select_n3A = arith.select %lt3A_199, %add3A_202, %broadcast_in_dim3A_5 : vector<16xi1>, vector<16xi32>
          %broadcast_in_dim3A_203 = vector.shape_cast %select_n3A : vector<16xi32> to vector<16x1xi32>
          %gather3A = vector.shape_cast %broadcast_in_dim3A_203 : vector<16x1xi32> to vector<16xi32>
          %gather3A_204 = tpu.dynamic_gather %masked_cumsum3A[%gather3A] in [0] : vector<16xf32>, vector<16xi32> -> vector<16xf32>
          %add3A_205 = arith.addf %scan3A_188, %gather3A_204 : vector<16xf32>
          %scan3A_206 = arith.constant 1 : i32
          %scan3A_207 = arith.addi %scan3A_187, %scan3A_206 : i32
          %mul3A_208 = arith.constant 16 : i32
          %mul3A_209 = arith.muli %scan3A_207, %mul3A_208 : i32
          %get3A_210 = arith.index_cast %scan3A_176 : i32 to index
          %get3A_211 = arith.index_cast %mul3A_209 : i32 to index
          %get3A_212 = tpu.vector_load %arg7[%get3A_210, %get3A_211] {strides = array<i32>} : memref<4x4096xf32, #tpu.memory_space<vmem>>, vector<16xf32>,
          %broadcast_in_dim3A_213 = arith.constant true
          %broadcast_in_dim3A_214 = vector.broadcast %broadcast_in_dim3A_213 : i1 to vector<16xi1>
          %masked_cumsum3A_215 = tpu.scan <sum>, %get3A_212 masked %broadcast_in_dim3A_214 : vector<16xf32>, vector<16xi1> -> vector<16xf32>
          %add3A_216 = arith.addf %masked_cumsum3A_215, %add3A_205 : vector<16xf32>
          %swap3A_217 = arith.index_cast %scan3A_176 : i32 to index
          %swap3A_218 = arith.index_cast %mul3A_209 : i32 to index
          %swap3A_219 = tpu.vector_load %arg7[%swap3A_217, %swap3A_218] {strides = array<i32>} : memref<4x4096xf32, #tpu.memory_space<vmem>>, vector<16xf32>,
          tpu.vector_store %arg7[%swap3A_217, %swap3A_218], %add3A_216 {strides = array<i32>} : memref<4x4096xf32, #tpu.memory_space<vmem>>, vector<16xf32>,
          %lt3A_220 = arith.constant 0 : i32
          %lt3A_221 = vector.broadcast %lt3A_220 : i32 to vector<16xi32>
          %lt3A_222 = arith.cmpi slt, %broadcast_in_dim3A_5, %lt3A_221 : vector<16xi32>
          %add3A_223 = arith.constant 16 : i32
          %add3A_224 = vector.broadcast %add3A_223 : i32 to vector<16xi32>
          %add3A_225 = arith.addi %broadcast_in_dim3A_5, %add3A_224 : vector<16xi32>
          %select_n3A_226 = arith.select %lt3A_222, %add3A_225, %broadcast_in_dim3A_5 : vector<16xi1>, vector<16xi32>
          %broadcast_in_dim3A_227 = vector.shape_cast %select_n3A_226 : vector<16xi32> to vector<16x1xi32>
          %gather3A_228 = vector.shape_cast %broadcast_in_dim3A_227 : vector<16x1xi32> to vector<16xi32>
          %gather3A_229 = tpu.dynamic_gather %masked_cumsum3A_215[%gather3A_228] in [0] : vector<16xf32>, vector<16xi32> -> vector<16xf32>
          %add3A_230 = arith.addf %add3A_205, %gather3A_229 : vector<16xf32>
          %scan3A_231 = arith.constant 2 : i32
          %scan3A_232 = arith.addi %scan3A_187, %scan3A_231 : i32
          %mul3A_233 = arith.constant 16 : i32
          %mul3A_234 = arith.muli %scan3A_232, %mul3A_233 : i32
          %get3A_235 = arith.index_cast %scan3A_176 : i32 to index
          %get3A_236 = arith.index_cast %mul3A_234 : i32 to index
          %get3A_237 = tpu.vector_load %arg7[%get3A_235, %get3A_236] {strides = array<i32>} : memref<4x4096xf32, #tpu.memory_space<vmem>>, vector<16xf32>,
          %broadcast_in_dim3A_238 = arith.constant true
          %broadcast_in_dim3A_239 = vector.broadcast %broadcast_in_dim3A_238 : i1 to vector<16xi1>
          %masked_cumsum3A_240 = tpu.scan <sum>, %get3A_237 masked %broadcast_in_dim3A_239 : vector<16xf32>, vector<16xi1> -> vector<16xf32>
          %add3A_241 = arith.addf %masked_cumsum3A_240, %add3A_230 : vector<16xf32>
          %swap3A_242 = arith.index_cast %scan3A_176 : i32 to index
          %swap3A_243 = arith.index_cast %mul3A_234 : i32 to index
          %swap3A_244 = tpu.vector_load %arg7[%swap3A_242, %swap3A_243] {strides = array<i32>} : memref<4x4096xf32, #tpu.memory_space<vmem>>, vector<16xf32>,
          tpu.vector_store %arg7[%swap3A_242, %swap3A_243], %add3A_241 {strides = array<i32>} : memref<4x4096xf32, #tpu.memory_space<vmem>>, vector<16xf32>,
          %lt3A_245 = arith.constant 0 : i32
          %lt3A_246 = vector.broadcast %lt3A_245 : i32 to vector<16xi32>
          %lt3A_247 = arith.cmpi slt, %broadcast_in_dim3A_5, %lt3A_246 : vector<16xi32>
          %add3A_248 = arith.constant 16 : i32
          %add3A_249 = vector.broadcast %add3A_248 : i32 to vector<16xi32>
          %add3A_250 = arith.addi %broadcast_in_dim3A_5, %add3A_249 : vector<16xi32>
          %select_n3A_251 = arith.select %lt3A_247, %add3A_250, %broadcast_in_dim3A_5 : vector<16xi1>, vector<16xi32>
          %broadcast_in_dim3A_252 = vector.shape_cast %select_n3A_251 : vector<16xi32> to vector<16x1xi32>
          %gather3A_253 = vector.shape_cast %broadcast_in_dim3A_252 : vector<16x1xi32> to vector<16xi32>
          %gather3A_254 = tpu.dynamic_gather %masked_cumsum3A_240[%gather3A_253] in [0] : vector<16xf32>, vector<16xi32> -> vector<16xf32>
          %add3A_255 = arith.addf %add3A_230, %gather3A_254 : vector<16xf32>
          %scan3A_256 = arith.constant 3 : i32
          %scan3A_257 = arith.addi %scan3A_187, %scan3A_256 : i32
          %mul3A_258 = arith.constant 16 : i32
          %mul3A_259 = arith.muli %scan3A_257, %mul3A_258 : i32
          %get3A_260 = arith.index_cast %scan3A_176 : i32 to index
          %get3A_261 = arith.index_cast %mul3A_259 : i32 to index
          %get3A_262 = tpu.vector_load %arg7[%get3A_260, %get3A_261] {strides = array<i32>} : memref<4x4096xf32, #tpu.memory_space<vmem>>, vector<16xf32>,
          %broadcast_in_dim3A_263 = arith.constant true
          %broadcast_in_dim3A_264 = vector.broadcast %broadcast_in_dim3A_263 : i1 to vector<16xi1>
          %masked_cumsum3A_265 = tpu.scan <sum>, %get3A_262 masked %broadcast_in_dim3A_264 : vector<16xf32>, vector<16xi1> -> vector<16xf32>
          %add3A_266 = arith.addf %masked_cumsum3A_265, %add3A_255 : vector<16xf32>
          %swap3A_267 = arith.index_cast %scan3A_176 : i32 to index
          %swap3A_268 = arith.index_cast %mul3A_259 : i32 to index
          %swap3A_269 = tpu.vector_load %arg7[%swap3A_267, %swap3A_268] {strides = array<i32>} : memref<4x4096xf32, #tpu.memory_space<vmem>>, vector<16xf32>,
          tpu.vector_store %arg7[%swap3A_267, %swap3A_268], %add3A_266 {strides = array<i32>} : memref<4x4096xf32, #tpu.memory_space<vmem>>, vector<16xf32>,
          %lt3A_270 = arith.constant 0 : i32
          %lt3A_271 = vector.broadcast %lt3A_270 : i32 to vector<16xi32>
          %lt3A_272 = arith.cmpi slt, %broadcast_in_dim3A_5, %lt3A_271 : vector<16xi32>
          %add3A_273 = arith.constant 16 : i32
          %add3A_274 = vector.broadcast %add3A_273 : i32 to vector<16xi32>
          %add3A_275 = arith.addi %broadcast_in_dim3A_5, %add3A_274 : vector<16xi32>
          %select_n3A_276 = arith.select %lt3A_272, %add3A_275, %broadcast_in_dim3A_5 : vector<16xi1>, vector<16xi32>
          %broadcast_in_dim3A_277 = vector.shape_cast %select_n3A_276 : vector<16xi32> to vector<16x1xi32>
          %gather3A_278 = vector.shape_cast %broadcast_in_dim3A_277 : vector<16x1xi32> to vector<16xi32>
          %gather3A_279 = tpu.dynamic_gather %masked_cumsum3A_265[%gather3A_278] in [0] : vector<16xf32>, vector<16xi32> -> vector<16xf32>
          %add3A_280 = arith.addf %add3A_255, %gather3A_279 : vector<16xf32>
          %scan3A_281 = arith.constant 4 : i32
          %scan3A_282 = arith.addi %scan3A_187, %scan3A_281 : i32
          %mul3A_283 = arith.constant 16 : i32
          %mul3A_284 = arith.muli %scan3A_282, %mul3A_283 : i32
          %get3A_285 = arith.index_cast %scan3A_176 : i32 to index
          %get3A_286 = arith.index_cast %mul3A_284 : i32 to index
          %get3A_287 = tpu.vector_load %arg7[%get3A_285, %get3A_286] {strides = array<i32>} : memref<4x4096xf32, #tpu.memory_space<vmem>>, vector<16xf32>,
          %broadcast_in_dim3A_288 = arith.constant true
          %broadcast_in_dim3A_289 = vector.broadcast %broadcast_in_dim3A_288 : i1 to vector<16xi1>
          %masked_cumsum3A_290 = tpu.scan <sum>, %get3A_287 masked %broadcast_in_dim3A_289 : vector<16xf32>, vector<16xi1> -> vector<16xf32>
          %add3A_291 = arith.addf %masked_cumsum3A_290, %add3A_280 : vector<16xf32>
          %swap3A_292 = arith.index_cast %scan3A_176 : i32 to index
          %swap3A_293 = arith.index_cast %mul3A_284 : i32 to index
          %swap3A_294 = tpu.vector_load %arg7[%swap3A_292, %swap3A_293] {strides = array<i32>} : memref<4x4096xf32, #tpu.memory_space<vmem>>, vector<16xf32>,
          tpu.vector_store %arg7[%swap3A_292, %swap3A_293], %add3A_291 {strides = array<i32>} : memref<4x4096xf32, #tpu.memory_space<vmem>>, vector<16xf32>,
          %lt3A_295 = arith.constant 0 : i32
          %lt3A_296 = vector.broadcast %lt3A_295 : i32 to vector<16xi32>
          %lt3A_297 = arith.cmpi slt, %broadcast_in_dim3A_5, %lt3A_296 : vector<16xi32>
          %add3A_298 = arith.constant 16 : i32
          %add3A_299 = vector.broadcast %add3A_298 : i32 to vector<16xi32>
          %add3A_300 = arith.addi %broadcast_in_dim3A_5, %add3A_299 : vector<16xi32>
          %select_n3A_301 = arith.select %lt3A_297, %add3A_300, %broadcast_in_dim3A_5 : vector<16xi1>, vector<16xi32>
          %broadcast_in_dim3A_302 = vector.shape_cast %select_n3A_301 : vector<16xi32> to vector<16x1xi32>
          %gather3A_303 = vector.shape_cast %broadcast_in_dim3A_302 : vector<16x1xi32> to vector<16xi32>
          %gather3A_304 = tpu.dynamic_gather %masked_cumsum3A_290[%gather3A_303] in [0] : vector<16xf32>, vector<16xi32> -> vector<16xf32>
          %add3A_305 = arith.addf %add3A_280, %gather3A_304 : vector<16xf32>
          %scan3A_306 = arith.constant 5 : i32
          %scan3A_307 = arith.addi %scan3A_187, %scan3A_306 : i32
          %mul3A_308 = arith.constant 16 : i32
          %mul3A_309 = arith.muli %scan3A_307, %mul3A_308 : i32
          %get3A_310 = arith.index_cast %scan3A_176 : i32 to index
          %get3A_311 = arith.index_cast %mul3A_309 : i32 to index
          %get3A_312 = tpu.vector_load %arg7[%get3A_310, %get3A_311] {strides = array<i32>} : memref<4x4096xf32, #tpu.memory_space<vmem>>, vector<16xf32>,
          %broadcast_in_dim3A_313 = arith.constant true
          %broadcast_in_dim3A_314 = vector.broadcast %broadcast_in_dim3A_313 : i1 to vector<16xi1>
          %masked_cumsum3A_315 = tpu.scan <sum>, %get3A_312 masked %broadcast_in_dim3A_314 : vector<16xf32>, vector<16xi1> -> vector<16xf32>
          %add3A_316 = arith.addf %masked_cumsum3A_315, %add3A_305 : vector<16xf32>
          %swap3A_317 = arith.index_cast %scan3A_176 : i32 to index
          %swap3A_318 = arith.index_cast %mul3A_309 : i32 to index
          %swap3A_319 = tpu.vector_load %arg7[%swap3A_317, %swap3A_318] {strides = array<i32>} : memref<4x4096xf32, #tpu.memory_space<vmem>>, vector<16xf32>,
          tpu.vector_store %arg7[%swap3A_317, %swap3A_318], %add3A_316 {strides = array<i32>} : memref<4x4096xf32, #tpu.memory_space<vmem>>, vector<16xf32>,
          %lt3A_320 = arith.constant 0 : i32
          %lt3A_321 = vector.broadcast %lt3A_320 : i32 to vector<16xi32>
          %lt3A_322 = arith.cmpi slt, %broadcast_in_dim3A_5, %lt3A_321 : vector<16xi32>
          %add3A_323 = arith.constant 16 : i32
          %add3A_324 = vector.broadcast %add3A_323 : i32 to vector<16xi32>
          %add3A_325 = arith.addi %broadcast_in_dim3A_5, %add3A_324 : vector<16xi32>
          %select_n3A_326 = arith.select %lt3A_322, %add3A_325, %broadcast_in_dim3A_5 : vector<16xi1>, vector<16xi32>
          %broadcast_in_dim3A_327 = vector.shape_cast %select_n3A_326 : vector<16xi32> to vector<16x1xi32>
          %gather3A_328 = vector.shape_cast %broadcast_in_dim3A_327 : vector<16x1xi32> to vector<16xi32>
          %gather3A_329 = tpu.dynamic_gather %masked_cumsum3A_315[%gather3A_328] in [0] : vector<16xf32>, vector<16xi32> -> vector<16xf32>
          %add3A_330 = arith.addf %add3A_305, %gather3A_329 : vector<16xf32>
          %scan3A_331 = arith.constant 6 : i32
          %scan3A_332 = arith.addi %scan3A_187, %scan3A_331 : i32
          %mul3A_333 = arith.constant 16 : i32
          %mul3A_334 = arith.muli %scan3A_332, %mul3A_333 : i32
          %get3A_335 = arith.index_cast %scan3A_176 : i32 to index
          %get3A_336 = arith.index_cast %mul3A_334 : i32 to index
          %get3A_337 = tpu.vector_load %arg7[%get3A_335, %get3A_336] {strides = array<i32>} : memref<4x4096xf32, #tpu.memory_space<vmem>>, vector<16xf32>,
          %broadcast_in_dim3A_338 = arith.constant true
          %broadcast_in_dim3A_339 = vector.broadcast %broadcast_in_dim3A_338 : i1 to vector<16xi1>
          %masked_cumsum3A_340 = tpu.scan <sum>, %get3A_337 masked %broadcast_in_dim3A_339 : vector<16xf32>, vector<16xi1> -> vector<16xf32>
          %add3A_341 = arith.addf %masked_cumsum3A_340, %add3A_330 : vector<16xf32>
          %swap3A_342 = arith.index_cast %scan3A_176 : i32 to index
          %swap3A_343 = arith.index_cast %mul3A_334 : i32 to index
          %swap3A_344 = tpu.vector_load %arg7[%swap3A_342, %swap3A_343] {strides = array<i32>} : memref<4x4096xf32, #tpu.memory_space<vmem>>, vector<16xf32>,
          tpu.vector_store %arg7[%swap3A_342, %swap3A_343], %add3A_341 {strides = array<i32>} : memref<4x4096xf32, #tpu.memory_space<vmem>>, vector<16xf32>,
          %lt3A_345 = arith.constant 0 : i32
          %lt3A_346 = vector.broadcast %lt3A_345 : i32 to vector<16xi32>
          %lt3A_347 = arith.cmpi slt, %broadcast_in_dim3A_5, %lt3A_346 : vector<16xi32>
          %add3A_348 = arith.constant 16 : i32
          %add3A_349 = vector.broadcast %add3A_348 : i32 to vector<16xi32>
          %add3A_350 = arith.addi %broadcast_in_dim3A_5, %add3A_349 : vector<16xi32>
          %select_n3A_351 = arith.select %lt3A_347, %add3A_350, %broadcast_in_dim3A_5 : vector<16xi1>, vector<16xi32>
          %broadcast_in_dim3A_352 = vector.shape_cast %select_n3A_351 : vector<16xi32> to vector<16x1xi32>
          %gather3A_353 = vector.shape_cast %broadcast_in_dim3A_352 : vector<16x1xi32> to vector<16xi32>
          %gather3A_354 = tpu.dynamic_gather %masked_cumsum3A_340[%gather3A_353] in [0] : vector<16xf32>, vector<16xi32> -> vector<16xf32>
          %add3A_355 = arith.addf %add3A_330, %gather3A_354 : vector<16xf32>
          %scan3A_356 = arith.constant 7 : i32
          %scan3A_357 = arith.addi %scan3A_187, %scan3A_356 : i32
          %mul3A_358 = arith.constant 16 : i32
          %mul3A_359 = arith.muli %scan3A_357, %mul3A_358 : i32
          %get3A_360 = arith.index_cast %scan3A_176 : i32 to index
          %get3A_361 = arith.index_cast %mul3A_359 : i32 to index
          %get3A_362 = tpu.vector_load %arg7[%get3A_360, %get3A_361] {strides = array<i32>} : memref<4x4096xf32, #tpu.memory_space<vmem>>, vector<16xf32>,
          %broadcast_in_dim3A_363 = arith.constant true
          %broadcast_in_dim3A_364 = vector.broadcast %broadcast_in_dim3A_363 : i1 to vector<16xi1>
          %masked_cumsum3A_365 = tpu.scan <sum>, %get3A_362 masked %broadcast_in_dim3A_364 : vector<16xf32>, vector<16xi1> -> vector<16xf32>
          %add3A_366 = arith.addf %masked_cumsum3A_365, %add3A_355 : vector<16xf32>
          %swap3A_367 = arith.index_cast %scan3A_176 : i32 to index
          %swap3A_368 = arith.index_cast %mul3A_359 : i32 to index
          %swap3A_369 = tpu.vector_load %arg7[%swap3A_367, %swap3A_368] {strides = array<i32>} : memref<4x4096xf32, #tpu.memory_space<vmem>>, vector<16xf32>,
          tpu.vector_store %arg7[%swap3A_367, %swap3A_368], %add3A_366 {strides = array<i32>} : memref<4x4096xf32, #tpu.memory_space<vmem>>, vector<16xf32>,
          %lt3A_370 = arith.constant 0 : i32
          %lt3A_371 = vector.broadcast %lt3A_370 : i32 to vector<16xi32>
          %lt3A_372 = arith.cmpi slt, %broadcast_in_dim3A_5, %lt3A_371 : vector<16xi32>
          %add3A_373 = arith.constant 16 : i32
          %add3A_374 = vector.broadcast %add3A_373 : i32 to vector<16xi32>
          %add3A_375 = arith.addi %broadcast_in_dim3A_5, %add3A_374 : vector<16xi32>
          %select_n3A_376 = arith.select %lt3A_372, %add3A_375, %broadcast_in_dim3A_5 : vector<16xi1>, vector<16xi32>
          %broadcast_in_dim3A_377 = vector.shape_cast %select_n3A_376 : vector<16xi32> to vector<16x1xi32>
          %gather3A_378 = vector.shape_cast %broadcast_in_dim3A_377 : vector<16x1xi32> to vector<16xi32>
          %gather3A_379 = tpu.dynamic_gather %masked_cumsum3A_365[%gather3A_378] in [0] : vector<16xf32>, vector<16xi32> -> vector<16xf32>
          %add3A_380 = arith.addf %add3A_355, %gather3A_379 : vector<16xf32>
          %scan3A_381 = arith.constant 8 : i32
          %scan3A_382 = arith.addi %scan3A_187, %scan3A_381 : i32
          %mul3A_383 = arith.constant 16 : i32
          %mul3A_384 = arith.muli %scan3A_382, %mul3A_383 : i32
          %get3A_385 = arith.index_cast %scan3A_176 : i32 to index
          %get3A_386 = arith.index_cast %mul3A_384 : i32 to index
          %get3A_387 = tpu.vector_load %arg7[%get3A_385, %get3A_386] {strides = array<i32>} : memref<4x4096xf32, #tpu.memory_space<vmem>>, vector<16xf32>,
          %broadcast_in_dim3A_388 = arith.constant true
          %broadcast_in_dim3A_389 = vector.broadcast %broadcast_in_dim3A_388 : i1 to vector<16xi1>
          %masked_cumsum3A_390 = tpu.scan <sum>, %get3A_387 masked %broadcast_in_dim3A_389 : vector<16xf32>, vector<16xi1> -> vector<16xf32>
          %add3A_391 = arith.addf %masked_cumsum3A_390, %add3A_380 : vector<16xf32>
          %swap3A_392 = arith.index_cast %scan3A_176 : i32 to index
          %swap3A_393 = arith.index_cast %mul3A_384 : i32 to index
          %swap3A_394 = tpu.vector_load %arg7[%swap3A_392, %swap3A_393] {strides = array<i32>} : memref<4x4096xf32, #tpu.memory_space<vmem>>, vector<16xf32>,
          tpu.vector_store %arg7[%swap3A_392, %swap3A_393], %add3A_391 {strides = array<i32>} : memref<4x4096xf32, #tpu.memory_space<vmem>>, vector<16xf32>,
          %lt3A_395 = arith.constant 0 : i32
          %lt3A_396 = vector.broadcast %lt3A_395 : i32 to vector<16xi32>
          %lt3A_397 = arith.cmpi slt, %broadcast_in_dim3A_5, %lt3A_396 : vector<16xi32>
          %add3A_398 = arith.constant 16 : i32
          %add3A_399 = vector.broadcast %add3A_398 : i32 to vector<16xi32>
          %add3A_400 = arith.addi %broadcast_in_dim3A_5, %add3A_399 : vector<16xi32>
          %select_n3A_401 = arith.select %lt3A_397, %add3A_400, %broadcast_in_dim3A_5 : vector<16xi1>, vector<16xi32>
          %broadcast_in_dim3A_402 = vector.shape_cast %select_n3A_401 : vector<16xi32> to vector<16x1xi32>
          %gather3A_403 = vector.shape_cast %broadcast_in_dim3A_402 : vector<16x1xi32> to vector<16xi32>
          %gather3A_404 = tpu.dynamic_gather %masked_cumsum3A_390[%gather3A_403] in [0] : vector<16xf32>, vector<16xi32> -> vector<16xf32>
          %add3A_405 = arith.addf %add3A_380, %gather3A_404 : vector<16xf32>
          %scan3A_406 = arith.constant 9 : i32
          %scan3A_407 = arith.addi %scan3A_187, %scan3A_406 : i32
          %mul3A_408 = arith.constant 16 : i32
          %mul3A_409 = arith.muli %scan3A_407, %mul3A_408 : i32
          %get3A_410 = arith.index_cast %scan3A_176 : i32 to index
          %get3A_411 = arith.index_cast %mul3A_409 : i32 to index
          %get3A_412 = tpu.vector_load %arg7[%get3A_410, %get3A_411] {strides = array<i32>} : memref<4x4096xf32, #tpu.memory_space<vmem>>, vector<16xf32>,
          %broadcast_in_dim3A_413 = arith.constant true
          %broadcast_in_dim3A_414 = vector.broadcast %broadcast_in_dim3A_413 : i1 to vector<16xi1>
          %masked_cumsum3A_415 = tpu.scan <sum>, %get3A_412 masked %broadcast_in_dim3A_414 : vector<16xf32>, vector<16xi1> -> vector<16xf32>
          %add3A_416 = arith.addf %masked_cumsum3A_415, %add3A_405 : vector<16xf32>
          %swap3A_417 = arith.index_cast %scan3A_176 : i32 to index
          %swap3A_418 = arith.index_cast %mul3A_409 : i32 to index
          %swap3A_419 = tpu.vector_load %arg7[%swap3A_417, %swap3A_418] {strides = array<i32>} : memref<4x4096xf32, #tpu.memory_space<vmem>>, vector<16xf32>,
          tpu.vector_store %arg7[%swap3A_417, %swap3A_418], %add3A_416 {strides = array<i32>} : memref<4x4096xf32, #tpu.memory_space<vmem>>, vector<16xf32>,
          %lt3A_420 = arith.constant 0 : i32
          %lt3A_421 = vector.broadcast %lt3A_420 : i32 to vector<16xi32>
          %lt3A_422 = arith.cmpi slt, %broadcast_in_dim3A_5, %lt3A_421 : vector<16xi32>
          %add3A_423 = arith.constant 16 : i32
          %add3A_424 = vector.broadcast %add3A_423 : i32 to vector<16xi32>
          %add3A_425 = arith.addi %broadcast_in_dim3A_5, %add3A_424 : vector<16xi32>
          %select_n3A_426 = arith.select %lt3A_422, %add3A_425, %broadcast_in_dim3A_5 : vector<16xi1>, vector<16xi32>
          %broadcast_in_dim3A_427 = vector.shape_cast %select_n3A_426 : vector<16xi32> to vector<16x1xi32>
          %gather3A_428 = vector.shape_cast %broadcast_in_dim3A_427 : vector<16x1xi32> to vector<16xi32>
          %gather3A_429 = tpu.dynamic_gather %masked_cumsum3A_415[%gather3A_428] in [0] : vector<16xf32>, vector<16xi32> -> vector<16xf32>
          %add3A_430 = arith.addf %add3A_405, %gather3A_429 : vector<16xf32>
          %scan3A_431 = arith.constant 10 : i32
          %scan3A_432 = arith.addi %scan3A_187, %scan3A_431 : i32
          %mul3A_433 = arith.constant 16 : i32
          %mul3A_434 = arith.muli %scan3A_432, %mul3A_433 : i32
          %get3A_435 = arith.index_cast %scan3A_176 : i32 to index
          %get3A_436 = arith.index_cast %mul3A_434 : i32 to index
          %get3A_437 = tpu.vector_load %arg7[%get3A_435, %get3A_436] {strides = array<i32>} : memref<4x4096xf32, #tpu.memory_space<vmem>>, vector<16xf32>,
          %broadcast_in_dim3A_438 = arith.constant true
          %broadcast_in_dim3A_439 = vector.broadcast %broadcast_in_dim3A_438 : i1 to vector<16xi1>
          %masked_cumsum3A_440 = tpu.scan <sum>, %get3A_437 masked %broadcast_in_dim3A_439 : vector<16xf32>, vector<16xi1> -> vector<16xf32>
          %add3A_441 = arith.addf %masked_cumsum3A_440, %add3A_430 : vector<16xf32>
          %swap3A_442 = arith.index_cast %scan3A_176 : i32 to index
          %swap3A_443 = arith.index_cast %mul3A_434 : i32 to index
          %swap3A_444 = tpu.vector_load %arg7[%swap3A_442, %swap3A_443] {strides = array<i32>} : memref<4x4096xf32, #tpu.memory_space<vmem>>, vector<16xf32>,
          tpu.vector_store %arg7[%swap3A_442, %swap3A_443], %add3A_441 {strides = array<i32>} : memref<4x4096xf32, #tpu.memory_space<vmem>>, vector<16xf32>,
          %lt3A_445 = arith.constant 0 : i32
          %lt3A_446 = vector.broadcast %lt3A_445 : i32 to vector<16xi32>
          %lt3A_447 = arith.cmpi slt, %broadcast_in_dim3A_5, %lt3A_446 : vector<16xi32>
          %add3A_448 = arith.constant 16 : i32
          %add3A_449 = vector.broadcast %add3A_448 : i32 to vector<16xi32>
          %add3A_450 = arith.addi %broadcast_in_dim3A_5, %add3A_449 : vector<16xi32>
          %select_n3A_451 = arith.select %lt3A_447, %add3A_450, %broadcast_in_dim3A_5 : vector<16xi1>, vector<16xi32>
          %broadcast_in_dim3A_452 = vector.shape_cast %select_n3A_451 : vector<16xi32> to vector<16x1xi32>
          %gather3A_453 = vector.shape_cast %broadcast_in_dim3A_452 : vector<16x1xi32> to vector<16xi32>
          %gather3A_454 = tpu.dynamic_gather %masked_cumsum3A_440[%gather3A_453] in [0] : vector<16xf32>, vector<16xi32> -> vector<16xf32>
          %add3A_455 = arith.addf %add3A_430, %gather3A_454 : vector<16xf32>
          %scan3A_456 = arith.constant 11 : i32
          %scan3A_457 = arith.addi %scan3A_187, %scan3A_456 : i32
          %mul3A_458 = arith.constant 16 : i32
          %mul3A_459 = arith.muli %scan3A_457, %mul3A_458 : i32
          %get3A_460 = arith.index_cast %scan3A_176 : i32 to index
          %get3A_461 = arith.index_cast %mul3A_459 : i32 to index
          %get3A_462 = tpu.vector_load %arg7[%get3A_460, %get3A_461] {strides = array<i32>} : memref<4x4096xf32, #tpu.memory_space<vmem>>, vector<16xf32>,
          %broadcast_in_dim3A_463 = arith.constant true
          %broadcast_in_dim3A_464 = vector.broadcast %broadcast_in_dim3A_463 : i1 to vector<16xi1>
          %masked_cumsum3A_465 = tpu.scan <sum>, %get3A_462 masked %broadcast_in_dim3A_464 : vector<16xf32>, vector<16xi1> -> vector<16xf32>
          %add3A_466 = arith.addf %masked_cumsum3A_465, %add3A_455 : vector<16xf32>
          %swap3A_467 = arith.index_cast %scan3A_176 : i32 to index
          %swap3A_468 = arith.index_cast %mul3A_459 : i32 to index
          %swap3A_469 = tpu.vector_load %arg7[%swap3A_467, %swap3A_468] {strides = array<i32>} : memref<4x4096xf32, #tpu.memory_space<vmem>>, vector<16xf32>,
          tpu.vector_store %arg7[%swap3A_467, %swap3A_468], %add3A_466 {strides = array<i32>} : memref<4x4096xf32, #tpu.memory_space<vmem>>, vector<16xf32>,
          %lt3A_470 = arith.constant 0 : i32
          %lt3A_471 = vector.broadcast %lt3A_470 : i32 to vector<16xi32>
          %lt3A_472 = arith.cmpi slt, %broadcast_in_dim3A_5, %lt3A_471 : vector<16xi32>
          %add3A_473 = arith.constant 16 : i32
          %add3A_474 = vector.broadcast %add3A_473 : i32 to vector<16xi32>
          %add3A_475 = arith.addi %broadcast_in_dim3A_5, %add3A_474 : vector<16xi32>
          %select_n3A_476 = arith.select %lt3A_472, %add3A_475, %broadcast_in_dim3A_5 : vector<16xi1>, vector<16xi32>
          %broadcast_in_dim3A_477 = vector.shape_cast %select_n3A_476 : vector<16xi32> to vector<16x1xi32>
          %gather3A_478 = vector.shape_cast %broadcast_in_dim3A_477 : vector<16x1xi32> to vector<16xi32>
          %gather3A_479 = tpu.dynamic_gather %masked_cumsum3A_465[%gather3A_478] in [0] : vector<16xf32>, vector<16xi32> -> vector<16xf32>
          %add3A_480 = arith.addf %add3A_455, %gather3A_479 : vector<16xf32>
          %scan3A_481 = arith.constant 12 : i32
          %scan3A_482 = arith.addi %scan3A_187, %scan3A_481 : i32
          %mul3A_483 = arith.constant 16 : i32
          %mul3A_484 = arith.muli %scan3A_482, %mul3A_483 : i32
          %get3A_485 = arith.index_cast %scan3A_176 : i32 to index
          %get3A_486 = arith.index_cast %mul3A_484 : i32 to index
          %get3A_487 = tpu.vector_load %arg7[%get3A_485, %get3A_486] {strides = array<i32>} : memref<4x4096xf32, #tpu.memory_space<vmem>>, vector<16xf32>,
          %broadcast_in_dim3A_488 = arith.constant true
          %broadcast_in_dim3A_489 = vector.broadcast %broadcast_in_dim3A_488 : i1 to vector<16xi1>
          %masked_cumsum3A_490 = tpu.scan <sum>, %get3A_487 masked %broadcast_in_dim3A_489 : vector<16xf32>, vector<16xi1> -> vector<16xf32>
          %add3A_491 = arith.addf %masked_cumsum3A_490, %add3A_480 : vector<16xf32>
          %swap3A_492 = arith.index_cast %scan3A_176 : i32 to index
          %swap3A_493 = arith.index_cast %mul3A_484 : i32 to index
          %swap3A_494 = tpu.vector_load %arg7[%swap3A_492, %swap3A_493] {strides = array<i32>} : memref<4x4096xf32, #tpu.memory_space<vmem>>, vector<16xf32>,
          tpu.vector_store %arg7[%swap3A_492, %swap3A_493], %add3A_491 {strides = array<i32>} : memref<4x4096xf32, #tpu.memory_space<vmem>>, vector<16xf32>,
          %lt3A_495 = arith.constant 0 : i32
          %lt3A_496 = vector.broadcast %lt3A_495 : i32 to vector<16xi32>
          %lt3A_497 = arith.cmpi slt, %broadcast_in_dim3A_5, %lt3A_496 : vector<16xi32>
          %add3A_498 = arith.constant 16 : i32
          %add3A_499 = vector.broadcast %add3A_498 : i32 to vector<16xi32>
          %add3A_500 = arith.addi %broadcast_in_dim3A_5, %add3A_499 : vector<16xi32>
          %select_n3A_501 = arith.select %lt3A_497, %add3A_500, %broadcast_in_dim3A_5 : vector<16xi1>, vector<16xi32>
          %broadcast_in_dim3A_502 = vector.shape_cast %select_n3A_501 : vector<16xi32> to vector<16x1xi32>
          %gather3A_503 = vector.shape_cast %broadcast_in_dim3A_502 : vector<16x1xi32> to vector<16xi32>
          %gather3A_504 = tpu.dynamic_gather %masked_cumsum3A_490[%gather3A_503] in [0] : vector<16xf32>, vector<16xi32> -> vector<16xf32>
          %add3A_505 = arith.addf %add3A_480, %gather3A_504 : vector<16xf32>
          %scan3A_506 = arith.constant 13 : i32
          %scan3A_507 = arith.addi %scan3A_187, %scan3A_506 : i32
          %mul3A_508 = arith.constant 16 : i32
          %mul3A_509 = arith.muli %scan3A_507, %mul3A_508 : i32
          %get3A_510 = arith.index_cast %scan3A_176 : i32 to index
          %get3A_511 = arith.index_cast %mul3A_509 : i32 to index
          %get3A_512 = tpu.vector_load %arg7[%get3A_510, %get3A_511] {strides = array<i32>} : memref<4x4096xf32, #tpu.memory_space<vmem>>, vector<16xf32>,
          %broadcast_in_dim3A_513 = arith.constant true
          %broadcast_in_dim3A_514 = vector.broadcast %broadcast_in_dim3A_513 : i1 to vector<16xi1>
          %masked_cumsum3A_515 = tpu.scan <sum>, %get3A_512 masked %broadcast_in_dim3A_514 : vector<16xf32>, vector<16xi1> -> vector<16xf32>
          %add3A_516 = arith.addf %masked_cumsum3A_515, %add3A_505 : vector<16xf32>
          %swap3A_517 = arith.index_cast %scan3A_176 : i32 to index
          %swap3A_518 = arith.index_cast %mul3A_509 : i32 to index
          %swap3A_519 = tpu.vector_load %arg7[%swap3A_517, %swap3A_518] {strides = array<i32>} : memref<4x4096xf32, #tpu.memory_space<vmem>>, vector<16xf32>,
          tpu.vector_store %arg7[%swap3A_517, %swap3A_518], %add3A_516 {strides = array<i32>} : memref<4x4096xf32, #tpu.memory_space<vmem>>, vector<16xf32>,
          %lt3A_520 = arith.constant 0 : i32
          %lt3A_521 = vector.broadcast %lt3A_520 : i32 to vector<16xi32>
          %lt3A_522 = arith.cmpi slt, %broadcast_in_dim3A_5, %lt3A_521 : vector<16xi32>
          %add3A_523 = arith.constant 16 : i32
          %add3A_524 = vector.broadcast %add3A_523 : i32 to vector<16xi32>
          %add3A_525 = arith.addi %broadcast_in_dim3A_5, %add3A_524 : vector<16xi32>
          %select_n3A_526 = arith.select %lt3A_522, %add3A_525, %broadcast_in_dim3A_5 : vector<16xi1>, vector<16xi32>
          %broadcast_in_dim3A_527 = vector.shape_cast %select_n3A_526 : vector<16xi32> to vector<16x1xi32>
          %gather3A_528 = vector.shape_cast %broadcast_in_dim3A_527 : vector<16x1xi32> to vector<16xi32>
          %gather3A_529 = tpu.dynamic_gather %masked_cumsum3A_515[%gather3A_528] in [0] : vector<16xf32>, vector<16xi32> -> vector<16xf32>
          %add3A_530 = arith.addf %add3A_505, %gather3A_529 : vector<16xf32>
          %scan3A_531 = arith.constant 14 : i32
          %scan3A_532 = arith.addi %scan3A_187, %scan3A_531 : i32
          %mul3A_533 = arith.constant 16 : i32
          %mul3A_534 = arith.muli %scan3A_532, %mul3A_533 : i32
          %get3A_535 = arith.index_cast %scan3A_176 : i32 to index
          %get3A_536 = arith.index_cast %mul3A_534 : i32 to index
          %get3A_537 = tpu.vector_load %arg7[%get3A_535, %get3A_536] {strides = array<i32>} : memref<4x4096xf32, #tpu.memory_space<vmem>>, vector<16xf32>,
          %broadcast_in_dim3A_538 = arith.constant true
          %broadcast_in_dim3A_539 = vector.broadcast %broadcast_in_dim3A_538 : i1 to vector<16xi1>
          %masked_cumsum3A_540 = tpu.scan <sum>, %get3A_537 masked %broadcast_in_dim3A_539 : vector<16xf32>, vector<16xi1> -> vector<16xf32>
          %add3A_541 = arith.addf %masked_cumsum3A_540, %add3A_530 : vector<16xf32>
          %swap3A_542 = arith.index_cast %scan3A_176 : i32 to index
          %swap3A_543 = arith.index_cast %mul3A_534 : i32 to index
          %swap3A_544 = tpu.vector_load %arg7[%swap3A_542, %swap3A_543] {strides = array<i32>} : memref<4x4096xf32, #tpu.memory_space<vmem>>, vector<16xf32>,
          tpu.vector_store %arg7[%swap3A_542, %swap3A_543], %add3A_541 {strides = array<i32>} : memref<4x4096xf32, #tpu.memory_space<vmem>>, vector<16xf32>,
          %lt3A_545 = arith.constant 0 : i32
          %lt3A_546 = vector.broadcast %lt3A_545 : i32 to vector<16xi32>
          %lt3A_547 = arith.cmpi slt, %broadcast_in_dim3A_5, %lt3A_546 : vector<16xi32>
          %add3A_548 = arith.constant 16 : i32
          %add3A_549 = vector.broadcast %add3A_548 : i32 to vector<16xi32>
          %add3A_550 = arith.addi %broadcast_in_dim3A_5, %add3A_549 : vector<16xi32>
          %select_n3A_551 = arith.select %lt3A_547, %add3A_550, %broadcast_in_dim3A_5 : vector<16xi1>, vector<16xi32>
          %broadcast_in_dim3A_552 = vector.shape_cast %select_n3A_551 : vector<16xi32> to vector<16x1xi32>
          %gather3A_553 = vector.shape_cast %broadcast_in_dim3A_552 : vector<16x1xi32> to vector<16xi32>
          %gather3A_554 = tpu.dynamic_gather %masked_cumsum3A_540[%gather3A_553] in [0] : vector<16xf32>, vector<16xi32> -> vector<16xf32>
          %add3A_555 = arith.addf %add3A_530, %gather3A_554 : vector<16xf32>
          %scan3A_556 = arith.constant 15 : i32
          %scan3A_557 = arith.addi %scan3A_187, %scan3A_556 : i32
          %mul3A_558 = arith.constant 16 : i32
          %mul3A_559 = arith.muli %scan3A_557, %mul3A_558 : i32
          %get3A_560 = arith.index_cast %scan3A_176 : i32 to index
          %get3A_561 = arith.index_cast %mul3A_559 : i32 to index
          %get3A_562 = tpu.vector_load %arg7[%get3A_560, %get3A_561] {strides = array<i32>} : memref<4x4096xf32, #tpu.memory_space<vmem>>, vector<16xf32>,
          %broadcast_in_dim3A_563 = arith.constant true
          %broadcast_in_dim3A_564 = vector.broadcast %broadcast_in_dim3A_563 : i1 to vector<16xi1>
          %masked_cumsum3A_565 = tpu.scan <sum>, %get3A_562 masked %broadcast_in_dim3A_564 : vector<16xf32>, vector<16xi1> -> vector<16xf32>
          %add3A_566 = arith.addf %masked_cumsum3A_565, %add3A_555 : vector<16xf32>
          %swap3A_567 = arith.index_cast %scan3A_176 : i32 to index
          %swap3A_568 = arith.index_cast %mul3A_559 : i32 to index
          %swap3A_569 = tpu.vector_load %arg7[%swap3A_567, %swap3A_568] {strides = array<i32>} : memref<4x4096xf32, #tpu.memory_space<vmem>>, vector<16xf32>,
          tpu.vector_store %arg7[%swap3A_567, %swap3A_568], %add3A_566 {strides = array<i32>} : memref<4x4096xf32, #tpu.memory_space<vmem>>, vector<16xf32>,
          %lt3A_570 = arith.constant 0 : i32
          %lt3A_571 = vector.broadcast %lt3A_570 : i32 to vector<16xi32>
          %lt3A_572 = arith.cmpi slt, %broadcast_in_dim3A_5, %lt3A_571 : vector<16xi32>
          %add3A_573 = arith.constant 16 : i32
          %add3A_574 = vector.broadcast %add3A_573 : i32 to vector<16xi32>
          %add3A_575 = arith.addi %broadcast_in_dim3A_5, %add3A_574 : vector<16xi32>
          %select_n3A_576 = arith.select %lt3A_572, %add3A_575, %broadcast_in_dim3A_5 : vector<16xi1>, vector<16xi32>
          %broadcast_in_dim3A_577 = vector.shape_cast %select_n3A_576 : vector<16xi32> to vector<16x1xi32>
          %gather3A_578 = vector.shape_cast %broadcast_in_dim3A_577 : vector<16x1xi32> to vector<16xi32>
          %gather3A_579 = tpu.dynamic_gather %masked_cumsum3A_565[%gather3A_578] in [0] : vector<16xf32>, vector<16xi32> -> vector<16xf32>
          %add3A_580 = arith.addf %add3A_555, %gather3A_579 : vector<16xf32>
          scf.yield %add3A_580 : vector<16xf32>
        }
        %scan3A_185 = arith.constant 256 : i32
        %scan3A_186 = arith.constant 0 : i32
        scf.yield %scan3A_186 : i32
      }
      %scan3A_159 = arith.constant 4 : i32
      %dma_start3A_160 = arith.constant 0 : i32
      %dma_start3A_161 = tpu.memref_slice %arg3[%add3A_148, %dma_start3A_160] : memref<4096x4096xf32, #tpu.memory_space<hbm>> -> memref<4x4096xf32, #tpu.memory_space<hbm>>
      %dma_start3A_162 = arith.constant 0 : i32
      %dma_start3A_163 = tpu.memref_slice %arg3[%add3A_148, %dma_start3A_162] : memref<4096x4096xf32, #tpu.memory_space<hbm>> -> memref<4x4096xf32, #tpu.memory_space<hbm>>
      tpu.enqueue_dma source(%arg7 : memref<4x4096xf32, #tpu.memory_space<vmem>>) target(%dma_start3A_163 : memref<4x4096xf32, #tpu.memory_space<hbm>>) target_semaphore(%arg15 : memref<!tpu.dma_semaphore, #tpu.memory_space<semaphore_mem>>)
      %dma_wait3A_164 = arith.constant 0 : i32
      %dma_wait3A_165 = tpu.memref_slice %arg3[%mul3A_2, %dma_wait3A_164] : memref<4096x4096xf32, #tpu.memory_space<hbm>> -> memref<4x4096xf32, #tpu.memory_space<hbm>>
      %dma_wait3A_166 = arith.constant 0 : i32
      %dma_wait3A_167 = tpu.memref_slice %arg3[%mul3A_2, %dma_wait3A_166] : memref<4096x4096xf32, #tpu.memory_space<hbm>> -> memref<4x4096xf32, #tpu.memory_space<hbm>>
      tpu.wait_dma2 semaphore(%arg14 : memref<!tpu.dma_semaphore, #tpu.memory_space<semaphore_mem>>) src(%arg6 : memref<4x4096xf32, #tpu.memory_space<vmem>>) dst(%dma_wait3A_167 : memref<4x4096xf32, #tpu.memory_space<hbm>>)
      %add3A_168 = arith.constant 12 : i32
      %add3A_169 = arith.addi %add3A_148, %add3A_168 : i32
      %min3A_170 = arith.minsi %add3A_169, %add3A_4 : i32
      %dma_start3A_171 = arith.constant 0 : i32
      %dma_start3A_172 = tpu.memref_slice %arg2[%min3A_170, %dma_start3A_171] : memref<4096x4096xf32, #tpu.memory_space<hbm>> -> memref<4x4096xf32, #tpu.memory_space<hbm>>
      %dma_start3A_173 = arith.constant 0 : i32
      %dma_start3A_174 = tpu.memref_slice %arg2[%min3A_170, %dma_start3A_173] : memref<4096x4096xf32, #tpu.memory_space<hbm>> -> memref<4x4096xf32, #tpu.memory_space<hbm>>
      tpu.enqueue_dma source(%dma_start3A_174 : memref<4x4096xf32, #tpu.memory_space<hbm>>) target(%arg6 : memref<4x4096xf32, #tpu.memory_space<vmem>>) target_semaphore(%arg10 : memref<!tpu.dma_semaphore, #tpu.memory_space<semaphore_mem>>)
      %scan3A_175 = arith.constant 0 : i32
      scf.yield %scan3A_175 : i32
    }
    %scan3A_28 = arith.constant 8 : i32
    %dma_wait3A = arith.constant 0 : i32
    %dma_wait3A_29 = tpu.memref_slice %arg2[%mul3A_2, %dma_wait3A] : memref<4096x4096xf32, #tpu.memory_space<hbm>> -> memref<4x4096xf32, #tpu.memory_space<hbm>>
    %dma_wait3A_30 = arith.constant 0 : i32
    %dma_wait3A_31 = tpu.memref_slice %arg2[%mul3A_2, %dma_wait3A_30] : memref<4096x4096xf32, #tpu.memory_space<hbm>> -> memref<4x4096xf32, #tpu.memory_space<hbm>>
    tpu.wait_dma2 semaphore(%arg8 : memref<!tpu.dma_semaphore, #tpu.memory_space<semaphore_mem>>) src(%dma_wait3A_31 : memref<4x4096xf32, #tpu.memory_space<hbm>>) dst(%arg4 : memref<4x4096xf32, #tpu.memory_space<vmem>>)
    %dma_wait3A_32 = arith.constant 0 : i32
    %dma_wait3A_33 = tpu.memref_slice %arg2[%mul3A_2, %dma_wait3A_32] : memref<4096x4096xf32, #tpu.memory_space<hbm>> -> memref<4x4096xf32, #tpu.memory_space<hbm>>
    %dma_wait3A_34 = arith.constant 0 : i32
    %dma_wait3A_35 = tpu.memref_slice %arg2[%mul3A_2, %dma_wait3A_34] : memref<4096x4096xf32, #tpu.memory_space<hbm>> -> memref<4x4096xf32, #tpu.memory_space<hbm>>
    tpu.wait_dma2 semaphore(%arg9 : memref<!tpu.dma_semaphore, #tpu.memory_space<semaphore_mem>>) src(%dma_wait3A_35 : memref<4x4096xf32, #tpu.memory_space<hbm>>) dst(%arg5 : memref<4x4096xf32, #tpu.memory_space<vmem>>)
    %dma_wait3A_36 = arith.constant 0 : i32
    %dma_wait3A_37 = tpu.memref_slice %arg2[%mul3A_2, %dma_wait3A_36] : memref<4096x4096xf32, #tpu.memory_space<hbm>> -> memref<4x4096xf32, #tpu.memory_space<hbm>>
    %dma_wait3A_38 = arith.constant 0 : i32
    %dma_wait3A_39 = tpu.memref_slice %arg2[%mul3A_2, %dma_wait3A_38] : memref<4096x4096xf32, #tpu.memory_space<hbm>> -> memref<4x4096xf32, #tpu.memory_space<hbm>>
    tpu.wait_dma2 semaphore(%arg10 : memref<!tpu.dma_semaphore, #tpu.memory_space<semaphore_mem>>) src(%dma_wait3A_39 : memref<4x4096xf32, #tpu.memory_space<hbm>>) dst(%arg6 : memref<4x4096xf32, #tpu.memory_space<vmem>>)
    %dma_wait3A_40 = arith.constant 0 : i32
    %dma_wait3A_41 = tpu.memref_slice %arg3[%mul3A_2, %dma_wait3A_40] : memref<4096x4096xf32, #tpu.memory_space<hbm>> -> memref<4x4096xf32, #tpu.memory_space<hbm>>
    %dma_wait3A_42 = arith.constant 0 : i32
    %dma_wait3A_43 = tpu.memref_slice %arg3[%mul3A_2, %dma_wait3A_42] : memref<4096x4096xf32, #tpu.memory_space<hbm>> -> memref<4x4096xf32, #tpu.memory_space<hbm>>
    tpu.wait_dma2 semaphore(%arg15 : memref<!tpu.dma_semaphore, #tpu.memory_space<semaphore_mem>>) src(%arg7 : memref<4x4096xf32, #tpu.memory_space<vmem>>) dst(%dma_wait3A_43 : memref<4x4096xf32, #tpu.memory_space<hbm>>)
    return
  }
}

</mosaic_0001>

<sc_bundles>
// kernel: kernel.3.cloned.1.call-start
scs
__scs_entry_jumppad:
0x0: {  	(pc) =	sbr.rel $0x88, $3  }
0x1: {  	(tag) =	ssettag $0x0;
	lr =	simm.s32 $0x1  }
0x2: {  	[smem:$0x3FA0] =	sst lr;
	_ =	strace $0xD0000000  }
0x3: {  	_ = 	snop  }
0x4: {  	_ = 	snop  }
0x5: {  	_ = 	snop  }
0x6: {  	_ = 	snop  }
0x7: {  	_ = 	snop  }
__scs_overlays_trampoline_lowered:
0x8: {  	[smem:$0x3FAF] =	sst s0  }
0x9: {  	[smem:$0x3FB0] =	sst s1  }
0xa: {  	[smem:$0x3FB1] =	sst s2  }
0xb: {  	[smem:$0x3FB2] =	sst s3  }
0xc: {  	[smem:$0x3FB3] =	sst s4  }
0xd: {  	[smem:$0x3FB4] =	sst s5  }
0xe: {  	[smem:$0x3FB5] =	sst s6  }
0xf: {  	[smem:$0x3FB6] =	sst s7  }
0x10: {  	[smem:$0x3FB7] =	sst s8  }
0x11: {  	[smem:$0x3FB8] =	sst s9;
	s0 =	simm.s32 @!p0 $0x0  }
0x12: {  	s1 =	sld [smem:$0x3F9E];
	s0 =	simm.s32 @p0 $0x1  }
0x13: {  	[smem:$0x3FB9] =	sst s0;
	s0 =	simm.s32 @!p1 $0x0  }
0x14: {  	s2 =	sld [smem:$0x3F9D];
	s0 =	simm.s32 @p1 $0x1  }
0x15: {  	[smem:$0x3FBA] =	sst s0;
	s0 =	simm.s32 @!p2 $0x0  }
0x16: {  	s3 =	sld [smem:$0x3FDB];
	s0 =	simm.s32 @p2 $0x1  }
0x17: {  	s4 =	simm.s32 $0x1BF5;
	[smem:$0x3FBC] =	sst s0  }
0x18: {  	s0 =	sld [smem:$0x3F9F];
	_ =	swait.ge [sflag:s4], $0x0  }
0x19: {  	s7 =	sld [smem:$0x3FA0]  }
0x1a: {  	s8 =	sadd.s32 $0xFFFFE003, lr  }
0x1b: {  	s9 =	sadd.s32 $0xFFFFFEF7, lr;
	s5 =	simm.s32 $0xFFFFFFFF;
	p2 =	slt.u32 s8, $0xFFFFF086  }
0x1c: {  	p1 =	slt.u32 s9, $0xF7A;
	s5 =	simm.s32 @!p2 $0x0  }
0x1d: {  	s5 =	simm.s32 @p1 $0x1;
	p0 =	seq.s32 s7, s2  }
0x1e: {  	s7 =	smul.u32 @!p0 $0xF7A, s2;
	p2 =	seq.s32 @!p0 s5, $0x0  }
0x1f: {  	s9 =	smul.u32 $0xF7A, s1;
	s8 =	simm.s32 @!p0 $0x1BF5;
	p2 =	por !p2, p0  }
0x20: {  	[sflag:s8] =	ssyncset.s32 @!p0 $0xFFFFF086;
	s6 =	sadd.s32 @!p0 s3, s7;
	s7 =	simm.s32 @!p0 $0x108  }
0x21: {  	s3 =	sadd.s32 s3, s9;
	s6 =	sadd.s32 @!p0 $0x88, s6;
	s7 =	simm.s32 @p2 $0x1082  }
0x22: {  	[simem:s7], [sflag:s8] =	dma.local @!p0 [hbm:s6], $0xF7A  }
0x23: {  	s9 =	sor.u32 $0xD0000000, s2;
	s6 =	simm.s32 $0x108;
	_ =	swait.ge @!p0 [sflag:s8], $0x0  }
0x24: {  	s3 =	sadd.s32 $0x88, s3;
	s6 =	simm.s32 @!p1 $0x1082;
	[sflag:s4] =	ssyncset.s32 $0xFFFFF086  }
0x25: {  	[simem:s6], [sflag:s4] =	dma.local [hbm:s3], $0xF7A  }
0x26: {  	[smem:$0x3FA0] =	sst s1;
	(tag) =	ssettag s2;
	_ =	strace s9  }
0x27: {  	s1 =	sld [smem:$0x3FB0]  }
0x28: {  	s2 =	sld [smem:$0x3FB1]  }
0x29: {  	s4 =	sld [smem:$0x3FB3]  }
0x2a: {  	p0 =	seq.s32 s5, $0x0;
	s5 =	sld [smem:$0x3FB4]  }
0x2b: {  	s6 =	sld [smem:$0x3FB5]  }
0x2c: {  	s7 =	sld [smem:$0x3FB6]  }
0x2d: {  	s3 =	simm.s32 $0x108;
	s8 =	sld [smem:$0x3FB7]  }
0x2e: {  	s3 =	simm.s32 @!p0 $0x1082;
	s9 =	sld [smem:$0x3FB8]  }
0x2f: {  	lr =	sadd.s32 s0, s3;
	s0 =	sld [smem:$0x3FAF]  }
0x30: {  	s3 =	sld [smem:$0x3FB2]  }
0x31: {  	[smem:$0x3FBB] =	sst s10  }
0x32: {  	s10 =	sld [smem:$0x3FB9];
	_ =	sdelay $0x3  }
0x33: {  	p0 =	seq.s32 s10, $0x1;
	s10 =	sld [smem:$0x3FBB];
	_ =	sdelay $0x3  }
0x34: {  	[smem:$0x3FBB] =	sst s10  }
0x35: {  	s10 =	sld [smem:$0x3FBA];
	_ =	sdelay $0x3  }
0x36: {  	p1 =	seq.s32 s10, $0x1;
	s10 =	sld [smem:$0x3FBB];
	_ =	sdelay $0x3  }
0x37: {  	[smem:$0x3FBB] =	sst s10  }
0x38: {  	s10 =	sld [smem:$0x3FBC]  }
0x39: {  	_ = 	snop;
	(pc) =	sbr.ind lr, $3  }
0x3a: {  	_ = 	snop  }
0x3b: {  	_ = 	snop  }
0x3c: {  	p2 =	seq.s32 s10, $0x1;
	s10 =	sld [smem:$0x3FBB]  }
0x3d: {  	_ =	shalt  }
0x3e: {  	_ =	shalt  }
0x3f: {  	_ =	shalt  }
0x40: {  	_ =	shalt  }
0x41: {  	_ =	shalt  }
0x42: {  	_ =	shalt  }
0x43: {  	_ =	shalt  }
0x44: {  	_ =	shalt  }
0x45: {  	_ =	shalt  }
0x46: {  	_ =	shalt  }
0x47: {  	_ =	shalt  }
0x48: {  	_ =	shalt  }
0x49: {  	_ =	shalt  }
0x4a: {  	_ =	shalt  }
0x4b: {  	_ =	shalt  }
0x4c: {  	_ =	shalt  }
0x4d: {  	_ =	shalt  }
0x4e: {  	_ =	shalt  }
0x4f: {  	_ =	shalt  }
0x50: {  	_ =	shalt  }
0x51: {  	_ =	shalt  }
0x52: {  	_ =	shalt  }
0x53: {  	_ =	shalt  }
0x54: {  	_ =	shalt  }
0x55: {  	_ =	shalt  }
0x56: {  	_ =	shalt  }
0x57: {  	_ =	shalt  }
0x58: {  	_ =	shalt  }
0x59: {  	_ =	shalt  }
0x5a: {  	_ =	shalt  }
0x5b: {  	_ =	shalt  }
0x5c: {  	_ =	shalt  }
0x5d: {  	_ =	shalt  }
0x5e: {  	_ =	shalt  }
0x5f: {  	_ =	shalt  }
0x60: {  	_ =	shalt  }
0x61: {  	_ =	shalt  }
0x62: {  	_ =	shalt  }
0x63: {  	_ =	shalt  }
0x64: {  	_ =	shalt  }
0x65: {  	_ =	shalt  }
0x66: {  	_ =	shalt  }
0x67: {  	_ =	shalt  }
0x68: {  	_ =	shalt  }
0x69: {  	_ =	shalt  }
0x6a: {  	_ =	shalt  }
0x6b: {  	_ =	shalt  }
0x6c: {  	_ =	shalt  }
0x6d: {  	_ =	shalt  }
0x6e: {  	_ =	shalt  }
0x6f: {  	_ =	shalt  }
0x70: {  	_ =	shalt  }
0x71: {  	_ =	shalt  }
0x72: {  	_ =	shalt  }
0x73: {  	_ =	shalt  }
0x74: {  	_ =	shalt  }
0x75: {  	_ =	shalt  }
0x76: {  	_ =	shalt  }
0x77: {  	_ =	shalt  }
0x78: {  	_ =	shalt  }
0x79: {  	_ =	shalt  }
0x7a: {  	_ =	shalt  }
0x7b: {  	_ =	shalt  }
0x7c: {  	_ =	shalt  }
0x7d: {  	_ =	shalt  }
0x7e: {  	_ =	shalt  }
0x7f: {  	_ =	shalt  }
0x80: {  	_ =	shalt  }
0x81: {  	_ =	shalt  }
0x82: {  	_ =	shalt  }
0x83: {  	_ =	shalt  }
0x84: {  	_ =	shalt  }
0x85: {  	_ =	shalt  }
0x86: {  	_ =	shalt  }
0x87: {  	_ =	shalt  }
.Lfunc_end0:
.L_simem_size_0:
called_computation_lowered:
.L_overlay_start_0:
0x88: {  	s2 =	sld [smem:$0x3FD9]  }
0x89: {  	s3 =	sld [smem:$0x3FFE];
	_ =	sdelay $0x1  }
0x8a: {  	s1 =	srdreg.scid  }
0x8b: {  	s0 =	sand.u32 $0x1, s1  }
0x8c: {  	s18 =	sshll.u32 s0, $0xA;
	s2 =	sadd.s32 s3, s2  }
0x8d: {  	s2 =	sadd.s32 s2, s18  }
0x8e: {  	[smem:$0x3FC7] =	sst s2  }
0x8f: {  	_ = 	snop  }
0x90: {  	s2 =	sld [smem:$0x3FC9]  }
0x91: {  	s19 =	sld [smem:$0x3FD0];
	(tm) =	ssettm $0x1  }
0x92: {  	s4 =	sld [smem:$0x3FFB];
	_ =	sdelay $0x3  }
0x93: {  	_ =	strace s4  }
0x94: {  	s4 =	sld [smem:$0x3FFC];
	_ =	sdelay $0x3  }
0x95: {  	_ =	strace s4  }
0x96: {  	s4 =	sld [smem:$0x3FFD];
	_ =	sdelay $0x3  }
0x97: {  	_ =	strace s4  }
0x98: {  	_ =	strace $0x8FFFFFFF  }
0x99: {  	s20 =	sld [smem:$0x3FDB];
	_ =	sdelay $0x1  }
0x9a: {  	s5 =	simm.s32 $_scs_section_size  }
0x9b: {  	s6 =	simm.s32 $_size__tile_overlayer_lowered;
	s7 =	simm.s32 $_tile_overlayer_lowered  }
0x9c: {  	s23 =	simm.s32 $0x1BFF;
	s22 =	sshll.u32 s7, $0x1;
	s4 =	sadd.s32 s5, s20  }
0x9d: {  	s8 =	simm.s32 $0x0;
	s21 =	sshll.u32 s6, $0x1;
	s6 =	sadd.s32 s22, s4  }
0x9e: {  	[timem:s8], [sflag:s23] =	dma.local [hbm:s6], s21  }
0x9f: {  	_ =	swait.ge [sflag:s23], s21  }
0xa0: {  	s5 =	ssub.s32 $0x0, s21;
	[sflag:s23] =	ssyncset.done $0x0  }
0xa1: {  	[sflag:s23] =	ssyncadd.s32 s5;
	_ =	sdelay $0x1  }
0xa2: {  	s24 =	simm.s32 $0x1B8B  }
0xa3: {  	_ =	swait.ge [sflag:s24], $0x1  }
0xa4: {  	[sflag:s24] =	ssyncset.done $0x0  }
0xa5: {  	s25 =	simm.s32 $0x1B8E;
	[sflag:s24] =	ssyncadd.s32 $0xFFFFFFFF  }
0xa6: {  	s26 =	simm.s32 $execute0_lowered;
	[smem:$0x3FD2] =	sst s25  }
0xa7: {  	s5 =	sshll.u32 s26, $0x1;
	_ =	strace $0x80000046;
	[dreg:$0x1] =	wrdreg $0xFFFFFFFF  }
0xa8: {  	s28 =	simm.s32 $_size_execute0_lowered;
	s4 =	sadd.s32 s4, s5;
	[dreg:$0x0] =	wrdreg $0x0  }
0xa9: {  	s5 =	sshll.u32 s28, $0x1;
	[dreg:$0x2] =	wrdreg s4  }
0xaa: {  	[dreg:$0x3] =	wrdreg s5  }
0xab: {  	[dreg:$0x4] =	wrdreg $0xC0  }
0xac: {  	_ =	task [dreg:s8], $0x5FFFF  }
0xad: {  	[dreg:$0x1] =	wrdreg $0xFFFFFFFF  }
0xae: {  	[dreg:$0x0] =	wrdreg $0x60  }
0xaf: {  	[dreg:$0x2] =	wrdreg s2  }
0xb0: {  	[dreg:$0x3] =	wrdreg s19  }
0xb1: {  	[dreg:$0x4] =	wrdreg $0x9  }
0xb2: {  	_ =	task.clear_ibuf [dreg:s8], $0x5FFFF;
	_ =	strace $0x90000046  }
0xb3: {  	s29 =	simm.s32 $0x9;
	_ =	strace $0x80000048  }
0xb4: {  	_ =	swait.ge [sflag:s29], $0x1  }
0xb5: {  	[sflag:s29] =	ssyncadd.s32 $0xFFFFFFFF  }
0xb6: {  	_ =	strace $0x90000048  }
0xb7: {  	_ =	sfence  }
0xb8: {  	s30 =	sld [smem:$0x0];
	_ =	sdelay $0x2  }
0xb9: {  	s31 =	sshll.u32 s1, $0xD;
	s1 =	sshrl.u32 s1, $0x2  }
0xba: {  	s3 =	sand.u32 $0x4000, s31;
	s1 =	sadd.s32 s1, s30  }
0xbb: {  	s0 =	sor.u32 s3, s0;
	s1 =	sshll.u32 s1, $0x11  }
0xbc: {  	s0 =	sor.u32 s1, s0  }
0xbd: {  	s0 =	sadd.s32 $0x8F2B, s0  }
0xbe: {  	[sflag:s0] =	ssyncadd.remote.s32 $0x1  }
0xbf: {  	_ =	sfence.sel $0xFFFF  }
0xc0: {  	[dreg:$0x0] =	wrdreg $0xFFFFFFFF;
	(pc) =	sbr.abs _section_cstart, $3  }
0xc1: {  	[dreg:$0x1] =	wrdreg $0xFFFFFFFF  }
0xc2: {  	_ =	task.clear_ibuf [dreg:s8], $0x2FFFF;
	_ =	strace $0x9FFFFFFF  }
0xc3: {  	(tm) =	ssettm $0x7FFFFFFF  }
tec
execute0_lowered:
.L_overlay_start_1:
0x0: {  	(tag) =	ssettag $0x1  }
0x1: {  	s1 =	rddreg [dreg:$0x0]  }
0x2: {  	s3 =	rddreg [dreg:$0x1]  }
0x3: {  	s0 =	srdreg.scid;
	s4 =	simm.s32 $0x0;
	s5 =	stileid.u32  }
0x4: {  	s13 =	simm.s32 $0x200;
	s14 =	simm.s32 $0x400;
	s15 =	simm.s32 $0x4000  }
0x5: {  	s16 =	simm.s32 $0x8000;
	s17 =	simm.s32 $0x1;
	s18 =	simm.s32 $0xC000  }
0x6: {  	s19 =	simm.s32 $0x2;
	s20 =	simm.s32 $0x5;
	s21 =	simm.s32 $0x3  }
0x7: {  	s22 =	simm.s32 $0x6;
	s23 =	simm.s32 $0x4;
	s24 =	simm.s32 $0x7  }
0x8: {  	s25 =	simm.s32 $0x8;
	s26 =	simm.s32 $0x0;
	s0 =	sand.u32 $0x1, s0  }
0x9: {  	s5 =	sshll.u32 s5, $0x8;
	s2 =	ssub.s32 $0x2, s0;
	s0 =	sshll.u32 s0, $0x7  }
0xa: {  	[smem:$0x7FF] =	sst s4;
	s8 =	sadd.s32 $0x40, s1;
	s5 =	sor.u32 s0, s5  }
0xb: {  	s11 =	sadd.s32 $0x40, s3;
	s6 =	sshrl.u32 s2, $0x1;
	s30 =	sshll.u32 s5, $0x9  }
0xc: {  	s29 =	ssub.s32 s2, s6;
	s7 =	sadd.s32 s1, s30;
	s2 =	sadd.s32 s30, s8  }
0xd: {  	_ =	strace $0x80000047;
	[dreg:$0x3] =	wrdreg s2;
	s31 =	sadd.s32 $0x1000, s7  }
0xe: {  	v0 =	vimm.s32 $0xF;
	s6 =	sor.u32 $0x7C, s5;
	s12 =	smax.u32 s29, $0x1;
	[dreg:$0x4] =	wrdreg s31  }
.LBB2_1:
0xf: {  	[tilespmem:s4], [sflag:$0x1] =	stream.strided.gather [hbm4b:s7+s13], $0x4000, s14, s13, $0x38;
	[tilespmem:$0x10000] =	vst v63  }
0x10: {  	s0 =	rddreg [dreg:$0x3]  }
0x11: {  	[tilespmem:s15], [sflag:$0x2] =	stream.strided.gather [hbm4b:s0+s13], $0x4000, s14, s13, $0x38;
	[tilespmem:$0x10000] =	vst v63  }
0x12: {  	s31 =	rddreg [dreg:$0x4];
	s28 =	simm.s32 $0x0  }
0x13: {  	[tilespmem:s16], [sflag:$0x3] =	stream.strided.gather [hbm4b:s31+s13], $0x4000, s14, s13, $0x38;
	[tilespmem:$0x10000] =	vst v63  }
.LBB2_2:
0x14: {  	_ =	swait.ge [sflag:s17], $0x4000  }
0x15: {  	[sflag:s17] =	ssyncset.done $0x0  }
0x16: {  	s29 =	simm.s32 $0x0;
	s30 =	simm.s32 $0x200;
	[sflag:s17] =	ssyncadd.s32 $0xFFFFC000  }
.LBB2_3:
0x17: {  	v1 =	vld [tilespmem:s30+$0xFFFFFE10]  }
0x18: {  	v2 =	vld [tilespmem:s30+$0xFFFFFE00];
	_ =	sdelay $0x3  }
0x19: {  	(xrf2) =	vadd.scan.msk.f32 $0xffff, v1  }
0x1a: {  	(xrf2) =	vadd.scan.msk.f32 $0xffff, v2;
	_ =	sdelay $0x3  }
0x1b: {  	v1 =	vld [tilespmem:s30+$0xFFFFFE20]  }
0x1c: {  	v2 =	vld [tilespmem:s30+$0xFFFFFE40]  }
0x1d: {  	v3 =	vld [tilespmem:s30+$0xFFFFFE50]  }
0x1e: {  	v4 =	vld [tilespmem:s30+$0xFFFFFE30];
	_ =	sdelay $0x1  }
0x1f: {  	v5, _, _ =	vpop (xrf2);
	(xrf2) =	vadd.scan.msk.f32 $0xffff, v1  }
0x20: {  	(xrf2) =	vadd.scan.msk.f32 $0xffff, v2;
	v1, _, _ =	vpop (xrf2)  }
0x21: {  	(xrf2) =	vadd.scan.msk.f32 $0xffff, v3;
	v2 =	vperm.xlane v1, v0  }
0x22: {  	v6 =	vld [tilespmem:s30+$0x0];
	v3 =	vimm.f32 $0.0e+00;
	(xrf2) =	vadd.scan.msk.f32 $0xffff, v4  }
0x23: {  	v4 =	vld [tilespmem:s30+$0xFFFFFE60];
	v2 =	vadd.f32 v2, v3  }
0x24: {  	v1 =	vadd.f32 v1, v3  }
0x25: {  	v3 =	vld [tilespmem:s30+$0xFFFFFE70];
	v7 =	vadd.f32 v5, v2  }
0x26: {  	[tilespmem:s30+$0xFFFFFE00] =	vst v1  }
0x27: {  	s0 =	sadd.s32 $0x400, s30;
	(xrf2) =	vadd.scan.msk.f32 $0xffff, v6;
	v5 =	vperm.xlane v5, v0;
	[tilespmem:s30+$0xFFFFFE10] =	vst v7  }
0x28: {  	(xrf2) =	vadd.scan.msk.f32 $0xffff, v4;
	v1 =	vld [tilespmem:s0+$0xFFFFFE10]  }
0x29: {  	v6 =	vld [tilespmem:s30+$0x10];
	v4, _, _ =	vpop (xrf2)  }
0x2a: {  	(xrf2) =	vadd.scan.msk.f32 $0xffff, v3;
	v7, _, _ =	vpop (xrf2)  }
0x2b: {  	v2 =	vadd.f32 v5, v2;
	v3 =	vperm.xlane v4, v0;
	v5, _, _ =	vpop (xrf2)  }
0x2c: {  	v9, _, _ =	vpop (xrf2)  }
0x2d: {  	v8 =	vld [tilespmem:s30+$0x20];
	v3 =	vadd.f32 v3, v2;
	(xrf2) =	vadd.scan.msk.f32 $0xffff, v1;
	v1 =	vperm.xlane v9, v0  }
0x2e: {  	(xrf2) =	vadd.scan.msk.f32 $0xffff, v6  }
0x2f: {  	v6 =	vperm.xlane v7, v0;
	v1 =	vadd.f32 v1, v3;
	_ =	sdelay $0x1  }
0x30: {  	v11 =	vperm.xlane v5, v0;
	v2 =	vadd.f32 v4, v2;
	v4 =	vld [tilespmem:s30+$0x30];
	v10, _, _ =	vpop (xrf2);
	v6 =	vadd.f32 v6, v1  }
0x31: {  	(xrf2) =	vadd.scan.msk.f32 $0xffff, v8;
	v8, _, _ =	vpop (xrf2)  }
0x32: {  	v1 =	vadd.f32 v7, v1;
	v12 =	vperm.xlane v8, v0;
	v11 =	vadd.f32 v11, v6  }
0x33: {  	[tilespmem:s30+$0xFFFFFE20] =	vst v2;
	v2 =	vld [tilespmem:s30+$0x40];
	v3 =	vadd.f32 v9, v3;
	v62, _, _ =	vpop (xrf2)  }
0x34: {  	v7 =	vperm.xlane v62, v0;
	v12 =	vadd.f32 v12, v11  }
0x35: {  	[tilespmem:s30+$0xFFFFFE30] =	vst v3;
	(xrf2) =	vadd.scan.msk.f32 $0xffff, v4  }
0x36: {  	v13 =	vld [tilespmem:s30+$0x50];
	v3 =	vadd.f32 v5, v6;
	[tilespmem:s30+$0xFFFFFE40] =	vst v1;
	v6 =	vperm.xlane v10, v0;
	v1, _, _ =	vpop (xrf2);
	v7 =	vadd.f32 v7, v12  }
0x37: {  	v5 =	vadd.f32 v8, v11;
	v63, _, _ =	vpop (xrf2)  }
0x38: {  	(xrf2) =	vadd.scan.msk.f32 $0xffff, v2;
	v10 =	vadd.f32 v10, v7;
	v6 =	vadd.f32 v6, v7;
	v7 =	vperm.xlane v63, v0  }
0x39: {  	[tilespmem:s30+$0xFFFFFE50] =	vst v3;
	v3 =	vld [tilespmem:s30+$0x60];
	v8 =	vadd.f32 v62, v12  }
0x3a: {  	[tilespmem:s30+$0xFFFFFE60] =	vst v5  }
0x3b: {  	v4 =	vld [tilespmem:s30+$0x70];
	(xrf2) =	vadd.scan.msk.f32 $0xffff, v13;
	[tilespmem:s30+$0xFFFFFE70] =	vst v8  }
0x3c: {  	s9 =	simm.s32 $0x10;
	s2 =	smov.u32 s30;
	v5 =	vld [tilespmem:s0+$0xFFFFFE00];
	[tilespmem:s30+$0x0] =	vst v10;
	v2 =	vadd.f32 v63, v6;
	v6 =	vadd.f32 v7, v6;
	v7, _, _ =	vpop (xrf2)  }
.LBB2_4:
0x3d: {  	s9 =	sadd.s32 $0x10, s9  }
0x3e: {  	p0 =	slt.u32 s9, $0xF0;
	v8 =	vadd.f32 v7, v6;
	(xrf2) =	vadd.scan.msk.f32 $0xffff, v3  }
0x3f: {  	v3 =	vld [tilespmem:s0+$0xFFFFFE20];
	v9, _, _ =	vpop (xrf2)  }
0x40: {  	[tilespmem:s2+$0x20] =	vst v8;
	v8 =	vperm.xlane v9, v0  }
0x41: {  	v10 =	vld [tilespmem:s0+$0xFFFFFE30];
	(xrf2) =	vadd.scan.msk.f32 $0xffff, v4  }
0x42: {  	v4 =	vperm.xlane v7, v0;
	v7, _, _ =	vpop (xrf2)  }
0x43: {  	v11 =	vld [tilespmem:s0+$0xFFFFFE40];
	v12 =	vperm.xlane v7, v0  }
0x44: {  	v4 =	vadd.f32 v4, v6;
	(xrf2) =	vadd.scan.msk.f32 $0xffff, v5  }
0x45: {  	v5 =	vld [tilespmem:s0+$0xFFFFFE50];
	v6, _, _ =	vpop (xrf2)  }
0x46: {  	v13 =	vadd.f32 v9, v4;
	v4 =	vadd.f32 v8, v4  }
0x47: {  	v8 =	vld [tilespmem:s0+$0xFFFFFE60];
	(xrf2) =	vadd.scan.msk.f32 $0xffff, v3  }
0x48: {  	v3 =	vadd.f32 v7, v4;
	v4 =	vadd.f32 v12, v4;
	v7 =	vperm.xlane v6, v0;
	[tilespmem:s2+$0x30] =	vst v13;
	v9, _, _ =	vpop (xrf2)  }
0x49: {  	v12 =	vld [tilespmem:s0+$0xFFFFFE70];
	v13 =	vperm.xlane v9, v0  }
0x4a: {  	(xrf2) =	vadd.scan.msk.f32 $0xffff, v11;
	[tilespmem:s2+$0x40] =	vst v3;
	v3 =	vadd.f32 v6, v4;
	v4 =	vadd.f32 v7, v4  }
0x4b: {  	v6, _, _ =	vpop (xrf2)  }
0x4c: {  	[tilespmem:s2+$0x50] =	vst v3;
	v3 =	vadd.f32 v9, v4;
	v4 =	vadd.f32 v13, v4;
	v7 =	vperm.xlane v6, v0  }
0x4d: {  	v9 =	vperm.xlane v1, v0;
	v11 =	vld [tilespmem:s0+$0x0];
	(xrf2) =	vadd.scan.msk.f32 $0xffff, v5;
	[tilespmem:s2+$0x10] =	vst v2  }
0x4e: {  	v2, _, _ =	vpop (xrf2);
	[tilespmem:s2+$0x60] =	vst v3;
	v3 =	vadd.f32 v6, v4;
	v7 =	vadd.f32 v7, v4  }
0x4f: {  	v5 =	vperm.xlane v2, v0;
	v6 =	vld [tilespmem:s0+$0x10]  }
0x50: {  	(xrf2) =	vadd.scan.msk.f32 $0xffff, v10;
	[tilespmem:s2+$0x70] =	vst v3;
	s2 =	smov.u32 s0  }
0x51: {  	v2 =	vadd.f32 v2, v7;
	s0 =	sadd.s32 $0x400, s0;
	v3 =	vadd.f32 v5, v7;
	v4, _, _ =	vpop (xrf2);
	_ =	sdelay $0x1  }
0x52: {  	[tilespmem:s2+$0xFFFFFE00] =	vst v2;
	v1 =	vadd.f32 v1, v3;
	v2 =	vadd.f32 v9, v3;
	v5 =	vld [tilespmem:s2+$0x20];
	(xrf2) =	vadd.scan.msk.f32 $0xffff, v11  }
0x53: {  	v7, _, _ =	vpop (xrf2)  }
0x54: {  	v3 =	vperm.xlane v4, v0;
	[tilespmem:s2+$0xFFFFFE10] =	vst v1;
	v1 =	vadd.f32 v4, v2;
	v9 =	vld [tilespmem:s2+$0x30]  }
0x55: {  	v4 =	vld [tilespmem:s0+$0xFFFFFE10];
	(xrf2) =	vadd.scan.msk.f32 $0xffff, v8  }
0x56: {  	[tilespmem:s2+$0xFFFFFE20] =	vst v1;
	v1 =	vadd.f32 v3, v2;
	v8 =	vld [tilespmem:s2+$0x50];
	v2, _, _ =	vpop (xrf2);
	_ =	sdelay $0x1  }
0x57: {  	v10 =	vperm.xlane v7, v0;
	v3 =	vld [tilespmem:s2+$0x60];
	(xrf2) =	vadd.scan.msk.f32 $0xffff, v12  }
0x58: {  	v11 =	vld [tilespmem:s2+$0x40];
	v12, _, _ =	vpop (xrf2)  }
0x59: {  	v13 =	vadd.f32 v12, v1  }
0x5a: {  	(xrf2) =	vadd.scan.msk.f32 $0xffff, v4  }
0x5b: {  	v4 =	vperm.xlane v12, v0;
	[tilespmem:s2+$0xFFFFFE30] =	vst v13;
	v12, _, _ =	vpop (xrf2);
	_ =	sdelay $0x1  }
0x5c: {  	v1 =	vadd.f32 v4, v1;
	(xrf2) =	vadd.scan.msk.f32 $0xffff, v6  }
0x5d: {  	v4 =	vperm.xlane v2, v0;
	v6, _, _ =	vpop (xrf2)  }
0x5e: {  	v7 =	vadd.f32 v7, v1;
	v1 =	vadd.f32 v10, v1  }
0x5f: {  	v10 =	vperm.xlane v6, v0;
	(xrf2) =	vadd.scan.msk.f32 $0xffff, v5  }
0x60: {  	v2 =	vadd.f32 v2, v1;
	v13 =	vadd.f32 v4, v1;
	[tilespmem:s2+$0xFFFFFE40] =	vst v7;
	v5, _, _ =	vpop (xrf2)  }
0x61: {  	v7 =	vperm.xlane v5, v0;
	v4 =	vld [tilespmem:s2+$0x70]  }
0x62: {  	[tilespmem:s2+$0xFFFFFE50] =	vst v2;
	v2 =	vadd.f32 v6, v13;
	v6 =	vadd.f32 v10, v13;
	(xrf2) =	vadd.scan.msk.f32 $0xffff, v9  }
0x63: {  	v9 =	vperm.xlane v12, v0;
	v1, _, _ =	vpop (xrf2)  }
0x64: {  	[tilespmem:s2+$0xFFFFFE60] =	vst v2;
	v2 =	vadd.f32 v5, v6;
	v5 =	vadd.f32 v7, v6  }
.Ltmp0:
0x65: {  	(xrf2) =	vadd.scan.msk.f32 $0xffff, v11;
	(pc) =	sbr.rel @p0 .LBB2_4-.Ltmp0, $4  }
0x66: {  	[tilespmem:s2+$0xFFFFFE70] =	vst v2;
	v2 =	vadd.f32 v12, v5;
	v6 =	vadd.f32 v9, v5;
	v7, _, _ =	vpop (xrf2)  }
0x67: {  	v9 =	vperm.xlane v7, v0  }
0x68: {  	v5 =	vld [tilespmem:s0+$0xFFFFFE00];
	[tilespmem:s2+$0x0] =	vst v2;
	v2 =	vadd.f32 v7, v6;
	(xrf2) =	vadd.scan.msk.f32 $0xffff, v8  }
0x69: {  	v6 =	vadd.f32 v9, v6;
	v7, _, _ =	vpop (xrf2)  }
0x6a: {  	(xrf2) =	vadd.scan.msk.f32 $0xffff, v3;
	_ =	sdelay $0x1  }
0x6b: {  	v3 =	vld [tilespmem:s0+$0xFFFFFE20];
	(xrf2) =	vadd.scan.msk.f32 $0xffff, v4  }
0x6c: {  	v22 =	vperm.xlane v7, v0;
	v8 =	vld [tilespmem:s0+$0xFFFFFE40]  }
0x6d: {  	v23 =	vld [tilespmem:s0+$0xFFFFFE50];
	v9, _, _ =	vpop (xrf2);
	(xrf2) =	vadd.scan.msk.f32 $0xffff, v5  }
0x6e: {  	v11 =	vld [tilespmem:s0+$0xFFFFFE30];
	v4 =	vadd.f32 v22, v6;
	v10 =	vperm.xlane v9, v0  }
0x6f: {  	v24 =	vadd.f32 v7, v6;
	v25, _, _ =	vpop (xrf2)  }
0x70: {  	v9 =	vadd.f32 v9, v4;
	v4 =	vadd.f32 v10, v4;
	(xrf2) =	vadd.scan.msk.f32 $0xffff, v3;
	v12 =	vperm.xlane v25, v0  }
0x71: {  	[tilespmem:s2+$0x20] =	vst v24;
	v3, _, _ =	vpop (xrf2);
	(xrf2) =	vadd.scan.msk.f32 $0xffff, v8  }
0x72: {  	[tilespmem:s2+$0x30] =	vst v9;
	v26 =	vadd.f32 v12, v4;
	v27 =	vperm.xlane v3, v0;
	(xrf2) =	vadd.scan.msk.f32 $0xffff, v23  }
0x73: {  	v9 =	vld [tilespmem:s0+$0x0];
	v28, _, _ =	vpop (xrf2);
	(xrf2) =	vadd.scan.msk.f32 $0xffff, v11  }
0x74: {  	v29 =	vld [tilespmem:s0+$0xFFFFFE60];
	v30 =	vperm.xlane v28, v0;
	v8 =	vadd.f32 v27, v26  }
0x75: {  	v31, _, _ =	vpop (xrf2)  }
0x76: {  	v32 =	vld [tilespmem:s0+$0xFFFFFE70];
	v4 =	vadd.f32 v25, v4;
	v13 =	vperm.xlane v31, v0;
	v11 =	vadd.f32 v30, v8  }
0x77: {  	[tilespmem:s2+$0x10] =	vst v2;
	v14, _, _ =	vpop (xrf2)  }
0x78: {  	[tilespmem:s2+$0x40] =	vst v4;
	(xrf2) =	vadd.scan.msk.f32 $0xffff, v9;
	v34 =	vperm.xlane v14, v0;
	v33 =	vadd.f32 v13, v11  }
0x79: {  	v3 =	vadd.f32 v3, v26;
	v36 =	vld [tilespmem:s0+$0x10];
	(xrf2) =	vadd.scan.msk.f32 $0xffff, v29  }
0x7a: {  	v35 =	vperm.xlane v1, v0;
	v2, _, _ =	vpop (xrf2);
	v37 =	vadd.f32 v34, v33  }
0x7b: {  	[tilespmem:s2+$0x50] =	vst v3;
	v3 =	vadd.f32 v28, v8;
	(xrf2) =	vadd.scan.msk.f32 $0xffff, v32;
	v38, _, _ =	vpop (xrf2)  }
0x7c: {  	v39 =	vld [tilespmem:s0+$0x20];
	v40 =	vperm.xlane v2, v0;
	v6 =	vadd.f32 v35, v37;
	v41, _, _ =	vpop (xrf2)  }
0x7d: {  	[tilespmem:s2+$0x60] =	vst v3;
	v3 =	vadd.f32 v31, v11;
	v42, _, _ =	vpop (xrf2)  }
0x7e: {  	v43 =	vld [tilespmem:s0+$0x30];
	(xrf2) =	vadd.scan.msk.f32 $0xffff, v36;
	v8 =	vadd.f32 v40, v6;
	v15 =	vperm.xlane v42, v0  }
0x7f: {  	[tilespmem:s2+$0x70] =	vst v3  }
0x80: {  	v44 =	vld [tilespmem:s0+$0x40];
	v3 =	vperm.xlane v38, v0;
	v15 =	vadd.f32 v15, v8  }
0x81: {  	(xrf2) =	vadd.scan.msk.f32 $0xffff, v39  }
0x82: {  	v45 =	vld [tilespmem:s0+$0x50];
	v17 =	vperm.xlane v41, v0;
	v16, _, _ =	vpop (xrf2);
	v3 =	vadd.f32 v3, v15  }
0x83: {  	v46 =	vld [tilespmem:s0+$0x60];
	(xrf2) =	vadd.scan.msk.f32 $0xffff, v43;
	v18, _, _ =	vpop (xrf2)  }
0x84: {  	v19 =	vperm.xlane v18, v0;
	v17 =	vadd.f32 v17, v3  }
0x85: {  	v20, _, _ =	vpop (xrf2);
	(xrf2) =	vadd.scan.msk.f32 $0xffff, v44  }
0x86: {  	v47 =	vperm.xlane v20, v0;
	v19 =	vadd.f32 v19, v17  }
0x87: {  	(xrf2) =	vadd.scan.msk.f32 $0xffff, v45  }
0x88: {  	v48 =	vld [tilespmem:s0+$0x70];
	v21 =	vperm.xlane v16, v0;
	v49, _, _ =	vpop (xrf2);
	(xrf2) =	vadd.scan.msk.f32 $0xffff, v46;
	v9 =	vadd.f32 v47, v19  }
0x89: {  	v1 =	vadd.f32 v1, v37  }
0x8a: {  	v2 =	vadd.f32 v2, v6;
	v51 =	vperm.xlane v49, v0;
	v50 =	vadd.f32 v21, v9  }
0x8b: {  	[tilespmem:s0+$0xFFFFFE10] =	vst v1;
	v1 =	vadd.f32 v42, v8;
	v52, _, _ =	vpop (xrf2)  }
0x8c: {  	[tilespmem:s0+$0xFFFFFE20] =	vst v2;
	v2 =	vadd.f32 v38, v15;
	v54 =	vperm.xlane v52, v0;
	v53 =	vadd.f32 v51, v50  }
0x8d: {  	[tilespmem:s0+$0xFFFFFE30] =	vst v1;
	v1 =	vadd.f32 v41, v3;
	v55, _, _ =	vpop (xrf2);
	(xrf2) =	vadd.scan.msk.f32 $0xffff, v48  }
0x8e: {  	[tilespmem:s0+$0xFFFFFE40] =	vst v2;
	v2 =	vadd.f32 v18, v17;
	v3 =	vperm.xlane v55, v0;
	v6 =	vadd.f32 v54, v53  }
0x8f: {  	[tilespmem:s0+$0xFFFFFE50] =	vst v1;
	v1 =	vadd.f32 v20, v19;
	v56, _, _ =	vpop (xrf2)  }
0x90: {  	[tilespmem:s0+$0xFFFFFE60] =	vst v2;
	v2 =	vadd.f32 v16, v9;
	v57 =	vperm.xlane v56, v0;
	v3 =	vadd.f32 v3, v6  }
0x91: {  	[tilespmem:s0+$0xFFFFFE70] =	vst v1;
	v58, _, _ =	vpop (xrf2);
	v1 =	vadd.f32 v52, v53  }
0x92: {  	v4 =	vadd.f32 v14, v33;
	[tilespmem:s0+$0x0] =	vst v2;
	v60 =	vperm.xlane v58, v0;
	v61, _, _ =	vpop (xrf2);
	v59 =	vadd.f32 v57, v3  }
0x93: {  	v2 =	vadd.f32 v55, v6;
	[tilespmem:s0+$0x20] =	vst v1;
	v1 =	vadd.f32 v56, v3;
	v3 =	vperm.xlane v61, v0  }
0x94: {  	s29 =	sadd.s32 $0x1, s29;
	[tilespmem:s0+$0xFFFFFE00] =	vst v4;
	v62 =	vadd.f32 v60, v59  }
0x95: {  	p0 =	sne.s32 s29, $0x4;
	[tilespmem:s0+$0x30] =	vst v2;
	v2 =	vadd.f32 v58, v59  }
.Ltmp1:
0x96: {  	v63 =	vadd.f32 v49, v50;
	[tilespmem:s0+$0x40] =	vst v1;
	v1 =	vadd.f32 v3, v62;
	(pc) =	sbr.rel @p0 .LBB2_3-.Ltmp1, $4  }
0x97: {  	v3, _, _ =	vpop (xrf2);
	[tilespmem:s0+$0x50] =	vst v2;
	v2 =	vadd.f32 v61, v62  }
0x98: {  	[tilespmem:s0+$0x10] =	vst v63;
	v1 =	vadd.f32 v3, v1  }
0x99: {  	[tilespmem:s0+$0x60] =	vst v2  }
0x9a: {  	s30 =	sadd.s32 $0x80, s30;
	[tilespmem:s0+$0x70] =	vst v1  }
0x9b: {  	s0 =	sshll.u32 s28, $0x4  }
0x9c: {  	s29 =	sor.u32 s5, s0  }
0x9d: {  	p0 =	seq.s32 s28, $0x0;
	s30 =	sshll.u32 s29, $0x9;
	s10 =	sor.u32 $0xC, s29  }
0x9e: {  	s2 =	simm.s32 @!p0 $0x8;
	s9 =	sadd.s32 s3, s30;
	s0 =	smin.u32 s10, s6  }
0x9f: {  	[hbm4b:s9+s13] =	stream.strided.scatter [tilespmem:s4], [sflag:$0x5], $0x4000, s14, s13, $0x38;
	[tilespmem:$0x10000] =	vst v63  }
0xa0: {  	s0 =	sshll.u32 s0, $0x9;
	_ =	swait.ge @!p0 [sflag:s2], $0x4000  }
0xa1: {  	s0 =	sand.u32 $0x1FF000, s0;
	[sflag:s2] =	ssyncset.done @!p0 $0x0  }
0xa2: {  	s0 =	sadd.s32 s0, s8;
	[sflag:s2] =	ssyncadd.s32 @!p0 $0xFFFFC000  }
0xa3: {  	[tilespmem:s18], [sflag:$0x4] =	stream.strided.gather [hbm4b:s0+s13], $0x4000, s14, s13, $0x38;
	[tilespmem:$0x10000] =	vst v63  }
0xa4: {  	_ =	swait.ge [sflag:s19], $0x4000  }
0xa5: {  	[sflag:s19] =	ssyncset.done $0x0  }
0xa6: {  	s31 =	simm.s32 $0x0;
	s9 =	simm.s32 $0x4200;
	[sflag:s19] =	ssyncadd.s32 $0xFFFFC000  }
.LBB2_7:
0xa7: {  	v1 =	vld [tilespmem:s9+$0xFFFFFE10]  }
0xa8: {  	v2 =	vld [tilespmem:s9+$0xFFFFFE00];
	_ =	sdelay $0x3  }
0xa9: {  	(xrf2) =	vadd.scan.msk.f32 $0xffff, v1  }
0xaa: {  	(xrf2) =	vadd.scan.msk.f32 $0xffff, v2;
	_ =	sdelay $0x3  }
0xab: {  	v1 =	vld [tilespmem:s9+$0xFFFFFE20]  }
0xac: {  	v2 =	vld [tilespmem:s9+$0xFFFFFE40]  }
0xad: {  	v3 =	vld [tilespmem:s9+$0xFFFFFE50]  }
0xae: {  	v4 =	vld [tilespmem:s9+$0xFFFFFE30];
	_ =	sdelay $0x1  }
0xaf: {  	v5, _, _ =	vpop (xrf2);
	(xrf2) =	vadd.scan.msk.f32 $0xffff, v1  }
0xb0: {  	(xrf2) =	vadd.scan.msk.f32 $0xffff, v2;
	v1, _, _ =	vpop (xrf2)  }
0xb1: {  	(xrf2) =	vadd.scan.msk.f32 $0xffff, v3;
	v2 =	vperm.xlane v1, v0  }
0xb2: {  	v6 =	vld [tilespmem:s9+$0x0];
	v3 =	vimm.f32 $0.0e+00;
	(xrf2) =	vadd.scan.msk.f32 $0xffff, v4  }
0xb3: {  	v4 =	vld [tilespmem:s9+$0xFFFFFE60];
	v2 =	vadd.f32 v2, v3  }
0xb4: {  	v1 =	vadd.f32 v1, v3  }
0xb5: {  	v3 =	vld [tilespmem:s9+$0xFFFFFE70];
	v7 =	vadd.f32 v5, v2  }
0xb6: {  	[tilespmem:s9+$0xFFFFFE00] =	vst v1  }
0xb7: {  	s2 =	sadd.s32 $0x400, s9;
	(xrf2) =	vadd.scan.msk.f32 $0xffff, v6;
	v5 =	vperm.xlane v5, v0;
	[tilespmem:s9+$0xFFFFFE10] =	vst v7  }
0xb8: {  	(xrf2) =	vadd.scan.msk.f32 $0xffff, v4;
	v1 =	vld [tilespmem:s2+$0xFFFFFE10]  }
0xb9: {  	v6 =	vld [tilespmem:s9+$0x10];
	v4, _, _ =	vpop (xrf2)  }
0xba: {  	(xrf2) =	vadd.scan.msk.f32 $0xffff, v3;
	v7, _, _ =	vpop (xrf2)  }
0xbb: {  	v2 =	vadd.f32 v5, v2;
	v3 =	vperm.xlane v4, v0;
	v5, _, _ =	vpop (xrf2)  }
0xbc: {  	v9, _, _ =	vpop (xrf2)  }
0xbd: {  	v8 =	vld [tilespmem:s9+$0x20];
	v3 =	vadd.f32 v3, v2;
	(xrf2) =	vadd.scan.msk.f32 $0xffff, v1;
	v1 =	vperm.xlane v9, v0  }
0xbe: {  	(xrf2) =	vadd.scan.msk.f32 $0xffff, v6  }
0xbf: {  	v6 =	vperm.xlane v7, v0;
	v1 =	vadd.f32 v1, v3;
	_ =	sdelay $0x1  }
0xc0: {  	v11 =	vperm.xlane v5, v0;
	v2 =	vadd.f32 v4, v2;
	v4 =	vld [tilespmem:s9+$0x30];
	v10, _, _ =	vpop (xrf2);
	v6 =	vadd.f32 v6, v1  }
0xc1: {  	(xrf2) =	vadd.scan.msk.f32 $0xffff, v8;
	v8, _, _ =	vpop (xrf2)  }
0xc2: {  	v1 =	vadd.f32 v7, v1;
	v12 =	vperm.xlane v8, v0;
	v11 =	vadd.f32 v11, v6  }
0xc3: {  	[tilespmem:s9+$0xFFFFFE20] =	vst v2;
	v2 =	vld [tilespmem:s9+$0x40];
	v3 =	vadd.f32 v9, v3;
	v62, _, _ =	vpop (xrf2)  }
0xc4: {  	v7 =	vperm.xlane v62, v0;
	v12 =	vadd.f32 v12, v11  }
0xc5: {  	[tilespmem:s9+$0xFFFFFE30] =	vst v3;
	(xrf2) =	vadd.scan.msk.f32 $0xffff, v4  }
0xc6: {  	v13 =	vld [tilespmem:s9+$0x50];
	v3 =	vadd.f32 v5, v6;
	[tilespmem:s9+$0xFFFFFE40] =	vst v1;
	v6 =	vperm.xlane v10, v0;
	v1, _, _ =	vpop (xrf2);
	v7 =	vadd.f32 v7, v12  }
0xc7: {  	v5 =	vadd.f32 v8, v11;
	v63, _, _ =	vpop (xrf2)  }
0xc8: {  	(xrf2) =	vadd.scan.msk.f32 $0xffff, v2;
	v10 =	vadd.f32 v10, v7;
	v6 =	vadd.f32 v6, v7;
	v7 =	vperm.xlane v63, v0  }
0xc9: {  	[tilespmem:s9+$0xFFFFFE50] =	vst v3;
	v3 =	vld [tilespmem:s9+$0x60];
	v8 =	vadd.f32 v62, v12  }
0xca: {  	[tilespmem:s9+$0xFFFFFE60] =	vst v5  }
0xcb: {  	v4 =	vld [tilespmem:s9+$0x70];
	(xrf2) =	vadd.scan.msk.f32 $0xffff, v13;
	[tilespmem:s9+$0xFFFFFE70] =	vst v8  }
0xcc: {  	s10 =	simm.s32 $0x10;
	s0 =	smov.u32 s9;
	v5 =	vld [tilespmem:s2+$0xFFFFFE00];
	[tilespmem:s9+$0x0] =	vst v10;
	v2 =	vadd.f32 v63, v6;
	v6 =	vadd.f32 v7, v6;
	v7, _, _ =	vpop (xrf2)  }
.LBB2_8:
0xcd: {  	s10 =	sadd.s32 $0x10, s10  }
0xce: {  	p0 =	slt.u32 s10, $0xF0;
	v8 =	vadd.f32 v7, v6;
	(xrf2) =	vadd.scan.msk.f32 $0xffff, v3  }
0xcf: {  	v3 =	vld [tilespmem:s2+$0xFFFFFE20];
	v9, _, _ =	vpop (xrf2)  }
0xd0: {  	[tilespmem:s0+$0x20] =	vst v8;
	v8 =	vperm.xlane v9, v0  }
0xd1: {  	v10 =	vld [tilespmem:s2+$0xFFFFFE30];
	(xrf2) =	vadd.scan.msk.f32 $0xffff, v4  }
0xd2: {  	v4 =	vperm.xlane v7, v0;
	v7, _, _ =	vpop (xrf2)  }
0xd3: {  	v11 =	vld [tilespmem:s2+$0xFFFFFE40];
	v12 =	vperm.xlane v7, v0  }
0xd4: {  	v4 =	vadd.f32 v4, v6;
	(xrf2) =	vadd.scan.msk.f32 $0xffff, v5  }
0xd5: {  	v5 =	vld [tilespmem:s2+$0xFFFFFE50];
	v6, _, _ =	vpop (xrf2)  }
0xd6: {  	v13 =	vadd.f32 v9, v4;
	v4 =	vadd.f32 v8, v4  }
0xd7: {  	v8 =	vld [tilespmem:s2+$0xFFFFFE60];
	(xrf2) =	vadd.scan.msk.f32 $0xffff, v3  }
0xd8: {  	v3 =	vadd.f32 v7, v4;
	v4 =	vadd.f32 v12, v4;
	v7 =	vperm.xlane v6, v0;
	[tilespmem:s0+$0x30] =	vst v13;
	v9, _, _ =	vpop (xrf2)  }
0xd9: {  	v12 =	vld [tilespmem:s2+$0xFFFFFE70];
	v13 =	vperm.xlane v9, v0  }
0xda: {  	(xrf2) =	vadd.scan.msk.f32 $0xffff, v11;
	[tilespmem:s0+$0x40] =	vst v3;
	v3 =	vadd.f32 v6, v4;
	v4 =	vadd.f32 v7, v4  }
0xdb: {  	v6, _, _ =	vpop (xrf2)  }
0xdc: {  	[tilespmem:s0+$0x50] =	vst v3;
	v3 =	vadd.f32 v9, v4;
	v4 =	vadd.f32 v13, v4;
	v7 =	vperm.xlane v6, v0  }
0xdd: {  	v9 =	vperm.xlane v1, v0;
	v11 =	vld [tilespmem:s2+$0x0];
	(xrf2) =	vadd.scan.msk.f32 $0xffff, v5;
	[tilespmem:s0+$0x10] =	vst v2  }
0xde: {  	v2, _, _ =	vpop (xrf2);
	[tilespmem:s0+$0x60] =	vst v3;
	v3 =	vadd.f32 v6, v4;
	v7 =	vadd.f32 v7, v4  }
0xdf: {  	v5 =	vperm.xlane v2, v0;
	v6 =	vld [tilespmem:s2+$0x10]  }
0xe0: {  	(xrf2) =	vadd.scan.msk.f32 $0xffff, v10;
	[tilespmem:s0+$0x70] =	vst v3;
	s0 =	smov.u32 s2  }
0xe1: {  	v2 =	vadd.f32 v2, v7;
	s2 =	sadd.s32 $0x400, s2;
	v3 =	vadd.f32 v5, v7;
	v4, _, _ =	vpop (xrf2);
	_ =	sdelay $0x1  }
0xe2: {  	[tilespmem:s0+$0xFFFFFE00] =	vst v2;
	v1 =	vadd.f32 v1, v3;
	v2 =	vadd.f32 v9, v3;
	v5 =	vld [tilespmem:s0+$0x20];
	(xrf2) =	vadd.scan.msk.f32 $0xffff, v11  }
0xe3: {  	v7, _, _ =	vpop (xrf2)  }
0xe4: {  	v3 =	vperm.xlane v4, v0;
	[tilespmem:s0+$0xFFFFFE10] =	vst v1;
	v1 =	vadd.f32 v4, v2;
	v9 =	vld [tilespmem:s0+$0x30]  }
0xe5: {  	v4 =	vld [tilespmem:s2+$0xFFFFFE10];
	(xrf2) =	vadd.scan.msk.f32 $0xffff, v8  }
0xe6: {  	[tilespmem:s0+$0xFFFFFE20] =	vst v1;
	v1 =	vadd.f32 v3, v2;
	v8 =	vld [tilespmem:s0+$0x50];
	v2, _, _ =	vpop (xrf2);
	_ =	sdelay $0x1  }
0xe7: {  	v10 =	vperm.xlane v7, v0;
	v3 =	vld [tilespmem:s0+$0x60];
	(xrf2) =	vadd.scan.msk.f32 $0xffff, v12  }
0xe8: {  	v11 =	vld [tilespmem:s0+$0x40];
	v12, _, _ =	vpop (xrf2)  }
0xe9: {  	v13 =	vadd.f32 v12, v1  }
0xea: {  	(xrf2) =	vadd.scan.msk.f32 $0xffff, v4  }
0xeb: {  	v4 =	vperm.xlane v12, v0;
	[tilespmem:s0+$0xFFFFFE30] =	vst v13;
	v12, _, _ =	vpop (xrf2);
	_ =	sdelay $0x1  }
0xec: {  	v1 =	vadd.f32 v4, v1;
	(xrf2) =	vadd.scan.msk.f32 $0xffff, v6  }
0xed: {  	v4 =	vperm.xlane v2, v0;
	v6, _, _ =	vpop (xrf2)  }
0xee: {  	v7 =	vadd.f32 v7, v1;
	v1 =	vadd.f32 v10, v1  }
0xef: {  	v10 =	vperm.xlane v6, v0;
	(xrf2) =	vadd.scan.msk.f32 $0xffff, v5  }
0xf0: {  	v2 =	vadd.f32 v2, v1;
	v13 =	vadd.f32 v4, v1;
	[tilespmem:s0+$0xFFFFFE40] =	vst v7;
	v5, _, _ =	vpop (xrf2)  }
0xf1: {  	v7 =	vperm.xlane v5, v0;
	v4 =	vld [tilespmem:s0+$0x70]  }
0xf2: {  	[tilespmem:s0+$0xFFFFFE50] =	vst v2;
	v2 =	vadd.f32 v6, v13;
	v6 =	vadd.f32 v10, v13;
	(xrf2) =	vadd.scan.msk.f32 $0xffff, v9  }
0xf3: {  	v9 =	vperm.xlane v12, v0;
	v1, _, _ =	vpop (xrf2)  }
0xf4: {  	[tilespmem:s0+$0xFFFFFE60] =	vst v2;
	v2 =	vadd.f32 v5, v6;
	v5 =	vadd.f32 v7, v6  }
.Ltmp2:
0xf5: {  	(xrf2) =	vadd.scan.msk.f32 $0xffff, v11;
	(pc) =	sbr.rel @p0 .LBB2_8-.Ltmp2, $4  }
0xf6: {  	[tilespmem:s0+$0xFFFFFE70] =	vst v2;
	v2 =	vadd.f32 v12, v5;
	v6 =	vadd.f32 v9, v5;
	v7, _, _ =	vpop (xrf2)  }
0xf7: {  	v9 =	vperm.xlane v7, v0  }
0xf8: {  	v5 =	vld [tilespmem:s2+$0xFFFFFE00];
	[tilespmem:s0+$0x0] =	vst v2;
	v2 =	vadd.f32 v7, v6;
	(xrf2) =	vadd.scan.msk.f32 $0xffff, v8  }
0xf9: {  	v6 =	vadd.f32 v9, v6;
	v7, _, _ =	vpop (xrf2)  }
0xfa: {  	(xrf2) =	vadd.scan.msk.f32 $0xffff, v3;
	_ =	sdelay $0x1  }
0xfb: {  	v3 =	vld [tilespmem:s2+$0xFFFFFE20];
	(xrf2) =	vadd.scan.msk.f32 $0xffff, v4  }
0xfc: {  	v22 =	vperm.xlane v7, v0;
	v8 =	vld [tilespmem:s2+$0xFFFFFE40]  }
0xfd: {  	v23 =	vld [tilespmem:s2+$0xFFFFFE50];
	v9, _, _ =	vpop (xrf2);
	(xrf2) =	vadd.scan.msk.f32 $0xffff, v5  }
0xfe: {  	v11 =	vld [tilespmem:s2+$0xFFFFFE30];
	v4 =	vadd.f32 v22, v6;
	v10 =	vperm.xlane v9, v0  }
0xff: {  	v24 =	vadd.f32 v7, v6;
	v25, _, _ =	vpop (xrf2)  }
0x100: {  	v9 =	vadd.f32 v9, v4;
	v4 =	vadd.f32 v10, v4;
	(xrf2) =	vadd.scan.msk.f32 $0xffff, v3;
	v12 =	vperm.xlane v25, v0  }
0x101: {  	[tilespmem:s0+$0x20] =	vst v24;
	v3, _, _ =	vpop (xrf2);
	(xrf2) =	vadd.scan.msk.f32 $0xffff, v8  }
0x102: {  	[tilespmem:s0+$0x30] =	vst v9;
	v26 =	vadd.f32 v12, v4;
	v27 =	vperm.xlane v3, v0;
	(xrf2) =	vadd.scan.msk.f32 $0xffff, v23  }
0x103: {  	v9 =	vld [tilespmem:s2+$0x0];
	v28, _, _ =	vpop (xrf2);
	(xrf2) =	vadd.scan.msk.f32 $0xffff, v11  }
0x104: {  	v29 =	vld [tilespmem:s2+$0xFFFFFE60];
	v30 =	vperm.xlane v28, v0;
	v8 =	vadd.f32 v27, v26  }
0x105: {  	v31, _, _ =	vpop (xrf2)  }
0x106: {  	v32 =	vld [tilespmem:s2+$0xFFFFFE70];
	v4 =	vadd.f32 v25, v4;
	v13 =	vperm.xlane v31, v0;
	v11 =	vadd.f32 v30, v8  }
0x107: {  	[tilespmem:s0+$0x10] =	vst v2;
	v14, _, _ =	vpop (xrf2)  }
0x108: {  	[tilespmem:s0+$0x40] =	vst v4;
	(xrf2) =	vadd.scan.msk.f32 $0xffff, v9;
	v34 =	vperm.xlane v14, v0;
	v33 =	vadd.f32 v13, v11  }
0x109: {  	v3 =	vadd.f32 v3, v26;
	v36 =	vld [tilespmem:s2+$0x10];
	(xrf2) =	vadd.scan.msk.f32 $0xffff, v29  }
0x10a: {  	v35 =	vperm.xlane v1, v0;
	v2, _, _ =	vpop (xrf2);
	v37 =	vadd.f32 v34, v33  }
0x10b: {  	[tilespmem:s0+$0x50] =	vst v3;
	v3 =	vadd.f32 v28, v8;
	(xrf2) =	vadd.scan.msk.f32 $0xffff, v32;
	v38, _, _ =	vpop (xrf2)  }
0x10c: {  	v39 =	vld [tilespmem:s2+$0x20];
	v40 =	vperm.xlane v2, v0;
	v6 =	vadd.f32 v35, v37;
	v41, _, _ =	vpop (xrf2)  }
0x10d: {  	[tilespmem:s0+$0x60] =	vst v3;
	v3 =	vadd.f32 v31, v11;
	v42, _, _ =	vpop (xrf2)  }
0x10e: {  	v43 =	vld [tilespmem:s2+$0x30];
	(xrf2) =	vadd.scan.msk.f32 $0xffff, v36;
	v8 =	vadd.f32 v40, v6;
	v15 =	vperm.xlane v42, v0  }
0x10f: {  	[tilespmem:s0+$0x70] =	vst v3  }
0x110: {  	v44 =	vld [tilespmem:s2+$0x40];
	v3 =	vperm.xlane v38, v0;
	v15 =	vadd.f32 v15, v8  }
0x111: {  	(xrf2) =	vadd.scan.msk.f32 $0xffff, v39  }
0x112: {  	v45 =	vld [tilespmem:s2+$0x50];
	v17 =	vperm.xlane v41, v0;
	v16, _, _ =	vpop (xrf2);
	v3 =	vadd.f32 v3, v15  }
0x113: {  	v46 =	vld [tilespmem:s2+$0x60];
	(xrf2) =	vadd.scan.msk.f32 $0xffff, v43;
	v18, _, _ =	vpop (xrf2)  }
0x114: {  	v19 =	vperm.xlane v18, v0;
	v17 =	vadd.f32 v17, v3  }
0x115: {  	v20, _, _ =	vpop (xrf2);
	(xrf2) =	vadd.scan.msk.f32 $0xffff, v44  }
0x116: {  	v47 =	vperm.xlane v20, v0;
	v19 =	vadd.f32 v19, v17  }
0x117: {  	(xrf2) =	vadd.scan.msk.f32 $0xffff, v45  }
0x118: {  	v48 =	vld [tilespmem:s2+$0x70];
	v21 =	vperm.xlane v16, v0;
	v49, _, _ =	vpop (xrf2);
	(xrf2) =	vadd.scan.msk.f32 $0xffff, v46;
	v9 =	vadd.f32 v47, v19  }
0x119: {  	v1 =	vadd.f32 v1, v37  }
0x11a: {  	v2 =	vadd.f32 v2, v6;
	v51 =	vperm.xlane v49, v0;
	v50 =	vadd.f32 v21, v9  }
0x11b: {  	[tilespmem:s2+$0xFFFFFE10] =	vst v1;
	v1 =	vadd.f32 v42, v8;
	v52, _, _ =	vpop (xrf2)  }
0x11c: {  	[tilespmem:s2+$0xFFFFFE20] =	vst v2;
	v2 =	vadd.f32 v38, v15;
	v54 =	vperm.xlane v52, v0;
	v53 =	vadd.f32 v51, v50  }
0x11d: {  	[tilespmem:s2+$0xFFFFFE30] =	vst v1;
	v1 =	vadd.f32 v41, v3;
	v55, _, _ =	vpop (xrf2);
	(xrf2) =	vadd.scan.msk.f32 $0xffff, v48  }
0x11e: {  	[tilespmem:s2+$0xFFFFFE40] =	vst v2;
	v2 =	vadd.f32 v18, v17;
	v3 =	vperm.xlane v55, v0;
	v6 =	vadd.f32 v54, v53  }
0x11f: {  	[tilespmem:s2+$0xFFFFFE50] =	vst v1;
	v1 =	vadd.f32 v20, v19;
	v56, _, _ =	vpop (xrf2)  }
0x120: {  	[tilespmem:s2+$0xFFFFFE60] =	vst v2;
	v2 =	vadd.f32 v16, v9;
	v57 =	vperm.xlane v56, v0;
	v3 =	vadd.f32 v3, v6  }
0x121: {  	[tilespmem:s2+$0xFFFFFE70] =	vst v1;
	v58, _, _ =	vpop (xrf2);
	v1 =	vadd.f32 v52, v53  }
0x122: {  	v4 =	vadd.f32 v14, v33;
	[tilespmem:s2+$0x0] =	vst v2;
	v60 =	vperm.xlane v58, v0;
	v61, _, _ =	vpop (xrf2);
	v59 =	vadd.f32 v57, v3  }
0x123: {  	v2 =	vadd.f32 v55, v6;
	[tilespmem:s2+$0x20] =	vst v1;
	v1 =	vadd.f32 v56, v3;
	v3 =	vperm.xlane v61, v0  }
0x124: {  	s31 =	sadd.s32 $0x1, s31;
	[tilespmem:s2+$0xFFFFFE00] =	vst v4;
	v62 =	vadd.f32 v60, v59  }
0x125: {  	p0 =	sne.s32 s31, $0x4;
	[tilespmem:s2+$0x30] =	vst v2;
	v2 =	vadd.f32 v58, v59  }
.Ltmp3:
0x126: {  	v63 =	vadd.f32 v49, v50;
	[tilespmem:s2+$0x40] =	vst v1;
	v1 =	vadd.f32 v3, v62;
	(pc) =	sbr.rel @p0 .LBB2_7-.Ltmp3, $4  }
0x127: {  	v3, _, _ =	vpop (xrf2);
	[tilespmem:s2+$0x50] =	vst v2;
	v2 =	vadd.f32 v61, v62  }
0x128: {  	[tilespmem:s2+$0x10] =	vst v63;
	v1 =	vadd.f32 v3, v1  }
0x129: {  	[tilespmem:s2+$0x60] =	vst v2  }
0x12a: {  	s9 =	sadd.s32 $0x80, s9;
	[tilespmem:s2+$0x70] =	vst v1  }
0x12b: {  	s0 =	sadd.s32 s30, s11;
	s10 =	sadd.s32 $0x10, s29  }
0x12c: {  	[hbm4b:s0+s13] =	stream.strided.scatter [tilespmem:s15], [sflag:$0x6], $0x4000, s14, s13, $0x38;
	[tilespmem:$0x10000] =	vst v63  }
0x12d: {  	s0 =	smin.u32 s10, s6  }
0x12e: {  	s2 =	sshll.u32 s0, $0x4  }
0x12f: {  	_ =	swait.ge [sflag:s20], $0x4000;
	s0 =	sshll.u32 s0, $0x9;
	s2 =	sand.u32 $0x40, s2  }
0x130: {  	[sflag:s20] =	ssyncset.done $0x0;
	s0 =	sand.u32 $0x1FF000, s0;
	s2 =	sadd.s32 s1, s2  }
0x131: {  	s31 =	simm.s32 $0x0;
	[sflag:s20] =	ssyncadd.s32 $0xFFFFC000;
	s0 =	sadd.s32 s0, s2  }
0x132: {  	[tilespmem:s31], [sflag:$0x1] =	stream.strided.gather [hbm4b:s0+s13], $0x4000, s14, s13, $0x38;
	[tilespmem:$0x10000] =	vst v63  }
0x133: {  	_ =	swait.ge [sflag:s21], $0x4000  }
0x134: {  	[sflag:s21] =	ssyncset.done $0x0  }
0x135: {  	s0 =	simm.s32 $0x8200;
	[sflag:s21] =	ssyncadd.s32 $0xFFFFC000  }
.LBB2_11:
0x136: {  	v1 =	vld [tilespmem:s0+$0xFFFFFE10]  }
0x137: {  	v2 =	vld [tilespmem:s0+$0xFFFFFE00];
	_ =	sdelay $0x3  }
0x138: {  	(xrf2) =	vadd.scan.msk.f32 $0xffff, v1  }
0x139: {  	(xrf2) =	vadd.scan.msk.f32 $0xffff, v2;
	_ =	sdelay $0x3  }
0x13a: {  	v1 =	vld [tilespmem:s0+$0xFFFFFE20]  }
0x13b: {  	v2 =	vld [tilespmem:s0+$0xFFFFFE40]  }
0x13c: {  	v3 =	vld [tilespmem:s0+$0xFFFFFE50]  }
0x13d: {  	v4 =	vld [tilespmem:s0+$0xFFFFFE30];
	_ =	sdelay $0x1  }
0x13e: {  	v5, _, _ =	vpop (xrf2);
	(xrf2) =	vadd.scan.msk.f32 $0xffff, v1  }
0x13f: {  	(xrf2) =	vadd.scan.msk.f32 $0xffff, v2;
	v1, _, _ =	vpop (xrf2)  }
0x140: {  	(xrf2) =	vadd.scan.msk.f32 $0xffff, v3;
	v2 =	vperm.xlane v1, v0  }
0x141: {  	v6 =	vld [tilespmem:s0+$0x0];
	v3 =	vimm.f32 $0.0e+00;
	(xrf2) =	vadd.scan.msk.f32 $0xffff, v4  }
0x142: {  	v4 =	vld [tilespmem:s0+$0xFFFFFE60];
	v2 =	vadd.f32 v2, v3  }
0x143: {  	v1 =	vadd.f32 v1, v3  }
0x144: {  	v3 =	vld [tilespmem:s0+$0xFFFFFE70];
	v7 =	vadd.f32 v5, v2  }
0x145: {  	[tilespmem:s0+$0xFFFFFE00] =	vst v1  }
0x146: {  	s2 =	sadd.s32 $0x400, s0;
	(xrf2) =	vadd.scan.msk.f32 $0xffff, v6;
	v5 =	vperm.xlane v5, v0;
	[tilespmem:s0+$0xFFFFFE10] =	vst v7  }
0x147: {  	(xrf2) =	vadd.scan.msk.f32 $0xffff, v4;
	v1 =	vld [tilespmem:s2+$0xFFFFFE10]  }
0x148: {  	v6 =	vld [tilespmem:s0+$0x10];
	v4, _, _ =	vpop (xrf2)  }
0x149: {  	(xrf2) =	vadd.scan.msk.f32 $0xffff, v3;
	v7, _, _ =	vpop (xrf2)  }
0x14a: {  	v2 =	vadd.f32 v5, v2;
	v3 =	vperm.xlane v4, v0;
	v5, _, _ =	vpop (xrf2)  }
0x14b: {  	v9, _, _ =	vpop (xrf2)  }
0x14c: {  	v8 =	vld [tilespmem:s0+$0x20];
	v3 =	vadd.f32 v3, v2;
	(xrf2) =	vadd.scan.msk.f32 $0xffff, v1;
	v1 =	vperm.xlane v9, v0  }
0x14d: {  	(xrf2) =	vadd.scan.msk.f32 $0xffff, v6  }
0x14e: {  	v6 =	vperm.xlane v7, v0;
	v1 =	vadd.f32 v1, v3;
	_ =	sdelay $0x1  }
0x14f: {  	v11 =	vperm.xlane v5, v0;
	v2 =	vadd.f32 v4, v2;
	v4 =	vld [tilespmem:s0+$0x30];
	v10, _, _ =	vpop (xrf2);
	v6 =	vadd.f32 v6, v1  }
0x150: {  	(xrf2) =	vadd.scan.msk.f32 $0xffff, v8;
	v8, _, _ =	vpop (xrf2)  }
0x151: {  	v1 =	vadd.f32 v7, v1;
	v12 =	vperm.xlane v8, v0;
	v11 =	vadd.f32 v11, v6  }
0x152: {  	[tilespmem:s0+$0xFFFFFE20] =	vst v2;
	v2 =	vld [tilespmem:s0+$0x40];
	v3 =	vadd.f32 v9, v3;
	v62, _, _ =	vpop (xrf2)  }
0x153: {  	v7 =	vperm.xlane v62, v0;
	v12 =	vadd.f32 v12, v11  }
0x154: {  	[tilespmem:s0+$0xFFFFFE30] =	vst v3;
	(xrf2) =	vadd.scan.msk.f32 $0xffff, v4  }
0x155: {  	v13 =	vld [tilespmem:s0+$0x50];
	v3 =	vadd.f32 v5, v6;
	[tilespmem:s0+$0xFFFFFE40] =	vst v1;
	v6 =	vperm.xlane v10, v0;
	v1, _, _ =	vpop (xrf2);
	v7 =	vadd.f32 v7, v12  }
0x156: {  	v5 =	vadd.f32 v8, v11;
	v63, _, _ =	vpop (xrf2)  }
0x157: {  	(xrf2) =	vadd.scan.msk.f32 $0xffff, v2;
	v10 =	vadd.f32 v10, v7;
	v6 =	vadd.f32 v6, v7;
	v7 =	vperm.xlane v63, v0  }
0x158: {  	[tilespmem:s0+$0xFFFFFE50] =	vst v3;
	v3 =	vld [tilespmem:s0+$0x60];
	v8 =	vadd.f32 v62, v12  }
0x159: {  	[tilespmem:s0+$0xFFFFFE60] =	vst v5  }
0x15a: {  	v4 =	vld [tilespmem:s0+$0x70];
	(xrf2) =	vadd.scan.msk.f32 $0xffff, v13;
	[tilespmem:s0+$0xFFFFFE70] =	vst v8  }
0x15b: {  	s10 =	simm.s32 $0x10;
	s9 =	smov.u32 s0;
	v5 =	vld [tilespmem:s2+$0xFFFFFE00];
	[tilespmem:s0+$0x0] =	vst v10;
	v2 =	vadd.f32 v63, v6;
	v6 =	vadd.f32 v7, v6;
	v7, _, _ =	vpop (xrf2)  }
.LBB2_12:
0x15c: {  	s10 =	sadd.s32 $0x10, s10  }
0x15d: {  	p0 =	slt.u32 s10, $0xF0;
	v8 =	vadd.f32 v7, v6;
	(xrf2) =	vadd.scan.msk.f32 $0xffff, v3  }
0x15e: {  	v3 =	vld [tilespmem:s2+$0xFFFFFE20];
	v9, _, _ =	vpop (xrf2)  }
0x15f: {  	[tilespmem:s9+$0x20] =	vst v8;
	v8 =	vperm.xlane v9, v0  }
0x160: {  	v10 =	vld [tilespmem:s2+$0xFFFFFE30];
	(xrf2) =	vadd.scan.msk.f32 $0xffff, v4  }
0x161: {  	v4 =	vperm.xlane v7, v0;
	v7, _, _ =	vpop (xrf2)  }
0x162: {  	v11 =	vld [tilespmem:s2+$0xFFFFFE40];
	v12 =	vperm.xlane v7, v0  }
0x163: {  	v4 =	vadd.f32 v4, v6;
	(xrf2) =	vadd.scan.msk.f32 $0xffff, v5  }
0x164: {  	v5 =	vld [tilespmem:s2+$0xFFFFFE50];
	v6, _, _ =	vpop (xrf2)  }
0x165: {  	v13 =	vadd.f32 v9, v4;
	v4 =	vadd.f32 v8, v4  }
0x166: {  	v8 =	vld [tilespmem:s2+$0xFFFFFE60];
	(xrf2) =	vadd.scan.msk.f32 $0xffff, v3  }
0x167: {  	v3 =	vadd.f32 v7, v4;
	v4 =	vadd.f32 v12, v4;
	v7 =	vperm.xlane v6, v0;
	[tilespmem:s9+$0x30] =	vst v13;
	v9, _, _ =	vpop (xrf2)  }
0x168: {  	v12 =	vld [tilespmem:s2+$0xFFFFFE70];
	v13 =	vperm.xlane v9, v0  }
0x169: {  	(xrf2) =	vadd.scan.msk.f32 $0xffff, v11;
	[tilespmem:s9+$0x40] =	vst v3;
	v3 =	vadd.f32 v6, v4;
	v4 =	vadd.f32 v7, v4  }
0x16a: {  	v6, _, _ =	vpop (xrf2)  }
0x16b: {  	[tilespmem:s9+$0x50] =	vst v3;
	v3 =	vadd.f32 v9, v4;
	v4 =	vadd.f32 v13, v4;
	v7 =	vperm.xlane v6, v0  }
0x16c: {  	v9 =	vperm.xlane v1, v0;
	v11 =	vld [tilespmem:s2+$0x0];
	(xrf2) =	vadd.scan.msk.f32 $0xffff, v5;
	[tilespmem:s9+$0x10] =	vst v2  }
0x16d: {  	v2, _, _ =	vpop (xrf2);
	[tilespmem:s9+$0x60] =	vst v3;
	v3 =	vadd.f32 v6, v4;
	v7 =	vadd.f32 v7, v4  }
0x16e: {  	v5 =	vperm.xlane v2, v0;
	v6 =	vld [tilespmem:s2+$0x10]  }
0x16f: {  	(xrf2) =	vadd.scan.msk.f32 $0xffff, v10;
	[tilespmem:s9+$0x70] =	vst v3;
	s9 =	smov.u32 s2  }
0x170: {  	v2 =	vadd.f32 v2, v7;
	s2 =	sadd.s32 $0x400, s2;
	v3 =	vadd.f32 v5, v7;
	v4, _, _ =	vpop (xrf2);
	_ =	sdelay $0x1  }
0x171: {  	[tilespmem:s9+$0xFFFFFE00] =	vst v2;
	v1 =	vadd.f32 v1, v3;
	v2 =	vadd.f32 v9, v3;
	v5 =	vld [tilespmem:s9+$0x20];
	(xrf2) =	vadd.scan.msk.f32 $0xffff, v11  }
0x172: {  	v7, _, _ =	vpop (xrf2)  }
0x173: {  	v3 =	vperm.xlane v4, v0;
	[tilespmem:s9+$0xFFFFFE10] =	vst v1;
	v1 =	vadd.f32 v4, v2;
	v9 =	vld [tilespmem:s9+$0x30]  }
0x174: {  	v4 =	vld [tilespmem:s2+$0xFFFFFE10];
	(xrf2) =	vadd.scan.msk.f32 $0xffff, v8  }
0x175: {  	[tilespmem:s9+$0xFFFFFE20] =	vst v1;
	v1 =	vadd.f32 v3, v2;
	v8 =	vld [tilespmem:s9+$0x50];
	v2, _, _ =	vpop (xrf2);
	_ =	sdelay $0x1  }
0x176: {  	v10 =	vperm.xlane v7, v0;
	v3 =	vld [tilespmem:s9+$0x60];
	(xrf2) =	vadd.scan.msk.f32 $0xffff, v12  }
0x177: {  	v11 =	vld [tilespmem:s9+$0x40];
	v12, _, _ =	vpop (xrf2)  }
0x178: {  	v13 =	vadd.f32 v12, v1  }
0x179: {  	(xrf2) =	vadd.scan.msk.f32 $0xffff, v4  }
0x17a: {  	v4 =	vperm.xlane v12, v0;
	[tilespmem:s9+$0xFFFFFE30] =	vst v13;
	v12, _, _ =	vpop (xrf2);
	_ =	sdelay $0x1  }
0x17b: {  	v1 =	vadd.f32 v4, v1;
	(xrf2) =	vadd.scan.msk.f32 $0xffff, v6  }
0x17c: {  	v4 =	vperm.xlane v2, v0;
	v6, _, _ =	vpop (xrf2)  }
0x17d: {  	v7 =	vadd.f32 v7, v1;
	v1 =	vadd.f32 v10, v1  }
0x17e: {  	v10 =	vperm.xlane v6, v0;
	(xrf2) =	vadd.scan.msk.f32 $0xffff, v5  }
0x17f: {  	v2 =	vadd.f32 v2, v1;
	v13 =	vadd.f32 v4, v1;
	[tilespmem:s9+$0xFFFFFE40] =	vst v7;
	v5, _, _ =	vpop (xrf2)  }
0x180: {  	v7 =	vperm.xlane v5, v0;
	v4 =	vld [tilespmem:s9+$0x70]  }
0x181: {  	[tilespmem:s9+$0xFFFFFE50] =	vst v2;
	v2 =	vadd.f32 v6, v13;
	v6 =	vadd.f32 v10, v13;
	(xrf2) =	vadd.scan.msk.f32 $0xffff, v9  }
0x182: {  	v9 =	vperm.xlane v12, v0;
	v1, _, _ =	vpop (xrf2)  }
0x183: {  	[tilespmem:s9+$0xFFFFFE60] =	vst v2;
	v2 =	vadd.f32 v5, v6;
	v5 =	vadd.f32 v7, v6  }
.Ltmp4:
0x184: {  	(xrf2) =	vadd.scan.msk.f32 $0xffff, v11;
	(pc) =	sbr.rel @p0 .LBB2_12-.Ltmp4, $4  }
0x185: {  	[tilespmem:s9+$0xFFFFFE70] =	vst v2;
	v2 =	vadd.f32 v12, v5;
	v6 =	vadd.f32 v9, v5;
	v7, _, _ =	vpop (xrf2)  }
0x186: {  	v9 =	vperm.xlane v7, v0  }
0x187: {  	v5 =	vld [tilespmem:s2+$0xFFFFFE00];
	[tilespmem:s9+$0x0] =	vst v2;
	v2 =	vadd.f32 v7, v6;
	(xrf2) =	vadd.scan.msk.f32 $0xffff, v8  }
0x188: {  	v6 =	vadd.f32 v9, v6;
	v7, _, _ =	vpop (xrf2)  }
0x189: {  	(xrf2) =	vadd.scan.msk.f32 $0xffff, v3;
	_ =	sdelay $0x1  }
0x18a: {  	v3 =	vld [tilespmem:s2+$0xFFFFFE20];
	(xrf2) =	vadd.scan.msk.f32 $0xffff, v4  }
0x18b: {  	v22 =	vperm.xlane v7, v0;
	v8 =	vld [tilespmem:s2+$0xFFFFFE40]  }
0x18c: {  	v23 =	vld [tilespmem:s2+$0xFFFFFE50];
	v9, _, _ =	vpop (xrf2);
	(xrf2) =	vadd.scan.msk.f32 $0xffff, v5  }
0x18d: {  	v11 =	vld [tilespmem:s2+$0xFFFFFE30];
	v4 =	vadd.f32 v22, v6;
	v10 =	vperm.xlane v9, v0  }
0x18e: {  	v24 =	vadd.f32 v7, v6;
	v25, _, _ =	vpop (xrf2)  }
0x18f: {  	v9 =	vadd.f32 v9, v4;
	v4 =	vadd.f32 v10, v4;
	(xrf2) =	vadd.scan.msk.f32 $0xffff, v3;
	v12 =	vperm.xlane v25, v0  }
0x190: {  	[tilespmem:s9+$0x20] =	vst v24;
	v3, _, _ =	vpop (xrf2);
	(xrf2) =	vadd.scan.msk.f32 $0xffff, v8  }
0x191: {  	[tilespmem:s9+$0x30] =	vst v9;
	v26 =	vadd.f32 v12, v4;
	v27 =	vperm.xlane v3, v0;
	(xrf2) =	vadd.scan.msk.f32 $0xffff, v23  }
0x192: {  	v9 =	vld [tilespmem:s2+$0x0];
	v28, _, _ =	vpop (xrf2);
	(xrf2) =	vadd.scan.msk.f32 $0xffff, v11  }
0x193: {  	v29 =	vld [tilespmem:s2+$0xFFFFFE60];
	v30 =	vperm.xlane v28, v0;
	v8 =	vadd.f32 v27, v26  }
0x194: {  	v31, _, _ =	vpop (xrf2)  }
0x195: {  	v32 =	vld [tilespmem:s2+$0xFFFFFE70];
	v4 =	vadd.f32 v25, v4;
	v13 =	vperm.xlane v31, v0;
	v11 =	vadd.f32 v30, v8  }
0x196: {  	[tilespmem:s9+$0x10] =	vst v2;
	v14, _, _ =	vpop (xrf2)  }
0x197: {  	[tilespmem:s9+$0x40] =	vst v4;
	(xrf2) =	vadd.scan.msk.f32 $0xffff, v9;
	v34 =	vperm.xlane v14, v0;
	v33 =	vadd.f32 v13, v11  }
0x198: {  	v3 =	vadd.f32 v3, v26;
	v36 =	vld [tilespmem:s2+$0x10];
	(xrf2) =	vadd.scan.msk.f32 $0xffff, v29  }
0x199: {  	v35 =	vperm.xlane v1, v0;
	v2, _, _ =	vpop (xrf2);
	v37 =	vadd.f32 v34, v33  }
0x19a: {  	[tilespmem:s9+$0x50] =	vst v3;
	v3 =	vadd.f32 v28, v8;
	(xrf2) =	vadd.scan.msk.f32 $0xffff, v32;
	v38, _, _ =	vpop (xrf2)  }
0x19b: {  	v39 =	vld [tilespmem:s2+$0x20];
	v40 =	vperm.xlane v2, v0;
	v6 =	vadd.f32 v35, v37;
	v41, _, _ =	vpop (xrf2)  }
0x19c: {  	[tilespmem:s9+$0x60] =	vst v3;
	v3 =	vadd.f32 v31, v11;
	v42, _, _ =	vpop (xrf2)  }
0x19d: {  	v43 =	vld [tilespmem:s2+$0x30];
	(xrf2) =	vadd.scan.msk.f32 $0xffff, v36;
	v8 =	vadd.f32 v40, v6;
	v15 =	vperm.xlane v42, v0  }
0x19e: {  	[tilespmem:s9+$0x70] =	vst v3  }
0x19f: {  	v44 =	vld [tilespmem:s2+$0x40];
	v3 =	vperm.xlane v38, v0;
	v15 =	vadd.f32 v15, v8  }
0x1a0: {  	(xrf2) =	vadd.scan.msk.f32 $0xffff, v39  }
0x1a1: {  	v45 =	vld [tilespmem:s2+$0x50];
	v17 =	vperm.xlane v41, v0;
	v16, _, _ =	vpop (xrf2);
	v3 =	vadd.f32 v3, v15  }
0x1a2: {  	v46 =	vld [tilespmem:s2+$0x60];
	(xrf2) =	vadd.scan.msk.f32 $0xffff, v43;
	v18, _, _ =	vpop (xrf2)  }
0x1a3: {  	v19 =	vperm.xlane v18, v0;
	v17 =	vadd.f32 v17, v3  }
0x1a4: {  	v20, _, _ =	vpop (xrf2);
	(xrf2) =	vadd.scan.msk.f32 $0xffff, v44  }
0x1a5: {  	v47 =	vperm.xlane v20, v0;
	v19 =	vadd.f32 v19, v17  }
0x1a6: {  	(xrf2) =	vadd.scan.msk.f32 $0xffff, v45  }
0x1a7: {  	v48 =	vld [tilespmem:s2+$0x70];
	v21 =	vperm.xlane v16, v0;
	v49, _, _ =	vpop (xrf2);
	(xrf2) =	vadd.scan.msk.f32 $0xffff, v46;
	v9 =	vadd.f32 v47, v19  }
0x1a8: {  	v1 =	vadd.f32 v1, v37  }
0x1a9: {  	v2 =	vadd.f32 v2, v6;
	v51 =	vperm.xlane v49, v0;
	v50 =	vadd.f32 v21, v9  }
0x1aa: {  	[tilespmem:s2+$0xFFFFFE10] =	vst v1;
	v1 =	vadd.f32 v42, v8;
	v52, _, _ =	vpop (xrf2)  }
0x1ab: {  	[tilespmem:s2+$0xFFFFFE20] =	vst v2;
	v2 =	vadd.f32 v38, v15;
	v54 =	vperm.xlane v52, v0;
	v53 =	vadd.f32 v51, v50  }
0x1ac: {  	[tilespmem:s2+$0xFFFFFE30] =	vst v1;
	v1 =	vadd.f32 v41, v3;
	v55, _, _ =	vpop (xrf2);
	(xrf2) =	vadd.scan.msk.f32 $0xffff, v48  }
0x1ad: {  	[tilespmem:s2+$0xFFFFFE40] =	vst v2;
	v2 =	vadd.f32 v18, v17;
	v3 =	vperm.xlane v55, v0;
	v6 =	vadd.f32 v54, v53  }
0x1ae: {  	[tilespmem:s2+$0xFFFFFE50] =	vst v1;
	v1 =	vadd.f32 v20, v19;
	v56, _, _ =	vpop (xrf2)  }
0x1af: {  	[tilespmem:s2+$0xFFFFFE60] =	vst v2;
	v2 =	vadd.f32 v16, v9;
	v57 =	vperm.xlane v56, v0;
	v3 =	vadd.f32 v3, v6  }
0x1b0: {  	[tilespmem:s2+$0xFFFFFE70] =	vst v1;
	v58, _, _ =	vpop (xrf2);
	v1 =	vadd.f32 v52, v53  }
0x1b1: {  	v4 =	vadd.f32 v14, v33;
	[tilespmem:s2+$0x0] =	vst v2;
	v60 =	vperm.xlane v58, v0;
	v61, _, _ =	vpop (xrf2);
	v59 =	vadd.f32 v57, v3  }
0x1b2: {  	v2 =	vadd.f32 v55, v6;
	[tilespmem:s2+$0x20] =	vst v1;
	v1 =	vadd.f32 v56, v3;
	v3 =	vperm.xlane v61, v0  }
0x1b3: {  	s31 =	sadd.s32 $0x1, s31;
	[tilespmem:s2+$0xFFFFFE00] =	vst v4;
	v62 =	vadd.f32 v60, v59  }
0x1b4: {  	p0 =	sne.s32 s31, $0x4;
	[tilespmem:s2+$0x30] =	vst v2;
	v2 =	vadd.f32 v58, v59  }
.Ltmp5:
0x1b5: {  	v63 =	vadd.f32 v49, v50;
	[tilespmem:s2+$0x40] =	vst v1;
	v1 =	vadd.f32 v3, v62;
	(pc) =	sbr.rel @p0 .LBB2_11-.Ltmp5, $4  }
0x1b6: {  	v3, _, _ =	vpop (xrf2);
	[tilespmem:s2+$0x50] =	vst v2;
	v2 =	vadd.f32 v61, v62  }
0x1b7: {  	[tilespmem:s2+$0x10] =	vst v63;
	v1 =	vadd.f32 v3, v1  }
0x1b8: {  	[tilespmem:s2+$0x60] =	vst v2  }
0x1b9: {  	s0 =	sadd.s32 $0x80, s0;
	[tilespmem:s2+$0x70] =	vst v1  }
0x1ba: {  	s30 =	sor.u32 $0x1000, s30  }
0x1bb: {  	s10 =	sadd.s32 $0x14, s29;
	s0 =	sadd.s32 s3, s30  }
0x1bc: {  	[hbm4b:s0+s13] =	stream.strided.scatter [tilespmem:s16], [sflag:$0x7], $0x4000, s14, s13, $0x38;
	[tilespmem:$0x10000] =	vst v63  }
0x1bd: {  	s0 =	smin.u32 s10, s6  }
0x1be: {  	_ =	swait.ge [sflag:s22], $0x4000;
	s0 =	sshll.u32 s0, $0x9  }
0x1bf: {  	[sflag:s22] =	ssyncset.done $0x0;
	s0 =	sand.u32 $0x1FF000, s0  }
0x1c0: {  	[sflag:s22] =	ssyncadd.s32 $0xFFFFC000;
	s0 =	sadd.s32 s0, s8  }
0x1c1: {  	[tilespmem:s15], [sflag:$0x2] =	stream.strided.gather [hbm4b:s0+s13], $0x4000, s14, s13, $0x38;
	[tilespmem:$0x10000] =	vst v63  }
0x1c2: {  	_ =	swait.ge [sflag:s23], $0x4000  }
0x1c3: {  	[sflag:s23] =	ssyncset.done $0x0  }
0x1c4: {  	s31 =	simm.s32 $0x0;
	s0 =	simm.s32 $0xC200;
	[sflag:s23] =	ssyncadd.s32 $0xFFFFC000  }
.LBB2_15:
0x1c5: {  	v1 =	vld [tilespmem:s0+$0xFFFFFE10]  }
0x1c6: {  	v2 =	vld [tilespmem:s0+$0xFFFFFE00];
	_ =	sdelay $0x3  }
0x1c7: {  	(xrf2) =	vadd.scan.msk.f32 $0xffff, v1  }
0x1c8: {  	(xrf2) =	vadd.scan.msk.f32 $0xffff, v2;
	_ =	sdelay $0x3  }
0x1c9: {  	v1 =	vld [tilespmem:s0+$0xFFFFFE20]  }
0x1ca: {  	v2 =	vld [tilespmem:s0+$0xFFFFFE40]  }
0x1cb: {  	v3 =	vld [tilespmem:s0+$0xFFFFFE50]  }
0x1cc: {  	v4 =	vld [tilespmem:s0+$0xFFFFFE30];
	_ =	sdelay $0x1  }
0x1cd: {  	v5, _, _ =	vpop (xrf2);
	(xrf2) =	vadd.scan.msk.f32 $0xffff, v1  }
0x1ce: {  	(xrf2) =	vadd.scan.msk.f32 $0xffff, v2;
	v1, _, _ =	vpop (xrf2)  }
0x1cf: {  	(xrf2) =	vadd.scan.msk.f32 $0xffff, v3;
	v2 =	vperm.xlane v1, v0  }
0x1d0: {  	v6 =	vld [tilespmem:s0+$0x0];
	v3 =	vimm.f32 $0.0e+00;
	(xrf2) =	vadd.scan.msk.f32 $0xffff, v4  }
0x1d1: {  	v4 =	vld [tilespmem:s0+$0xFFFFFE60];
	v2 =	vadd.f32 v2, v3  }
0x1d2: {  	v1 =	vadd.f32 v1, v3  }
0x1d3: {  	v3 =	vld [tilespmem:s0+$0xFFFFFE70];
	v7 =	vadd.f32 v5, v2  }
0x1d4: {  	[tilespmem:s0+$0xFFFFFE00] =	vst v1  }
0x1d5: {  	s2 =	sadd.s32 $0x400, s0;
	(xrf2) =	vadd.scan.msk.f32 $0xffff, v6;
	v5 =	vperm.xlane v5, v0;
	[tilespmem:s0+$0xFFFFFE10] =	vst v7  }
0x1d6: {  	(xrf2) =	vadd.scan.msk.f32 $0xffff, v4;
	v1 =	vld [tilespmem:s2+$0xFFFFFE10]  }
0x1d7: {  	v6 =	vld [tilespmem:s0+$0x10];
	v4, _, _ =	vpop (xrf2)  }
0x1d8: {  	(xrf2) =	vadd.scan.msk.f32 $0xffff, v3;
	v7, _, _ =	vpop (xrf2)  }
0x1d9: {  	v2 =	vadd.f32 v5, v2;
	v3 =	vperm.xlane v4, v0;
	v5, _, _ =	vpop (xrf2)  }
0x1da: {  	v9, _, _ =	vpop (xrf2)  }
0x1db: {  	v8 =	vld [tilespmem:s0+$0x20];
	v3 =	vadd.f32 v3, v2;
	(xrf2) =	vadd.scan.msk.f32 $0xffff, v1;
	v1 =	vperm.xlane v9, v0  }
0x1dc: {  	(xrf2) =	vadd.scan.msk.f32 $0xffff, v6  }
0x1dd: {  	v6 =	vperm.xlane v7, v0;
	v1 =	vadd.f32 v1, v3;
	_ =	sdelay $0x1  }
0x1de: {  	v11 =	vperm.xlane v5, v0;
	v2 =	vadd.f32 v4, v2;
	v4 =	vld [tilespmem:s0+$0x30];
	v10, _, _ =	vpop (xrf2);
	v6 =	vadd.f32 v6, v1  }
0x1df: {  	(xrf2) =	vadd.scan.msk.f32 $0xffff, v8;
	v8, _, _ =	vpop (xrf2)  }
0x1e0: {  	v1 =	vadd.f32 v7, v1;
	v12 =	vperm.xlane v8, v0;
	v11 =	vadd.f32 v11, v6  }
0x1e1: {  	[tilespmem:s0+$0xFFFFFE20] =	vst v2;
	v2 =	vld [tilespmem:s0+$0x40];
	v3 =	vadd.f32 v9, v3;
	v62, _, _ =	vpop (xrf2)  }
0x1e2: {  	v7 =	vperm.xlane v62, v0;
	v12 =	vadd.f32 v12, v11  }
0x1e3: {  	[tilespmem:s0+$0xFFFFFE30] =	vst v3;
	(xrf2) =	vadd.scan.msk.f32 $0xffff, v4  }
0x1e4: {  	v13 =	vld [tilespmem:s0+$0x50];
	v3 =	vadd.f32 v5, v6;
	[tilespmem:s0+$0xFFFFFE40] =	vst v1;
	v6 =	vperm.xlane v10, v0;
	v1, _, _ =	vpop (xrf2);
	v7 =	vadd.f32 v7, v12  }
0x1e5: {  	v5 =	vadd.f32 v8, v11;
	v63, _, _ =	vpop (xrf2)  }
0x1e6: {  	(xrf2) =	vadd.scan.msk.f32 $0xffff, v2;
	v10 =	vadd.f32 v10, v7;
	v6 =	vadd.f32 v6, v7;
	v7 =	vperm.xlane v63, v0  }
0x1e7: {  	[tilespmem:s0+$0xFFFFFE50] =	vst v3;
	v3 =	vld [tilespmem:s0+$0x60];
	v8 =	vadd.f32 v62, v12  }
0x1e8: {  	[tilespmem:s0+$0xFFFFFE60] =	vst v5  }
0x1e9: {  	v4 =	vld [tilespmem:s0+$0x70];
	(xrf2) =	vadd.scan.msk.f32 $0xffff, v13;
	[tilespmem:s0+$0xFFFFFE70] =	vst v8  }
0x1ea: {  	s10 =	simm.s32 $0x10;
	s9 =	smov.u32 s0;
	v5 =	vld [tilespmem:s2+$0xFFFFFE00];
	[tilespmem:s0+$0x0] =	vst v10;
	v2 =	vadd.f32 v63, v6;
	v6 =	vadd.f32 v7, v6;
	v7, _, _ =	vpop (xrf2)  }
.LBB2_16:
0x1eb: {  	s10 =	sadd.s32 $0x10, s10  }
0x1ec: {  	p0 =	slt.u32 s10, $0xF0;
	v8 =	vadd.f32 v7, v6;
	(xrf2) =	vadd.scan.msk.f32 $0xffff, v3  }
0x1ed: {  	v3 =	vld [tilespmem:s2+$0xFFFFFE20];
	v9, _, _ =	vpop (xrf2)  }
0x1ee: {  	[tilespmem:s9+$0x20] =	vst v8;
	v8 =	vperm.xlane v9, v0  }
0x1ef: {  	v10 =	vld [tilespmem:s2+$0xFFFFFE30];
	(xrf2) =	vadd.scan.msk.f32 $0xffff, v4  }
0x1f0: {  	v4 =	vperm.xlane v7, v0;
	v7, _, _ =	vpop (xrf2)  }
0x1f1: {  	v11 =	vld [tilespmem:s2+$0xFFFFFE40];
	v12 =	vperm.xlane v7, v0  }
0x1f2: {  	v4 =	vadd.f32 v4, v6;
	(xrf2) =	vadd.scan.msk.f32 $0xffff, v5  }
0x1f3: {  	v5 =	vld [tilespmem:s2+$0xFFFFFE50];
	v6, _, _ =	vpop (xrf2)  }
0x1f4: {  	v13 =	vadd.f32 v9, v4;
	v4 =	vadd.f32 v8, v4  }
0x1f5: {  	v8 =	vld [tilespmem:s2+$0xFFFFFE60];
	(xrf2) =	vadd.scan.msk.f32 $0xffff, v3  }
0x1f6: {  	v3 =	vadd.f32 v7, v4;
	v4 =	vadd.f32 v12, v4;
	v7 =	vperm.xlane v6, v0;
	[tilespmem:s9+$0x30] =	vst v13;
	v9, _, _ =	vpop (xrf2)  }
0x1f7: {  	v12 =	vld [tilespmem:s2+$0xFFFFFE70];
	v13 =	vperm.xlane v9, v0  }
0x1f8: {  	(xrf2) =	vadd.scan.msk.f32 $0xffff, v11;
	[tilespmem:s9+$0x40] =	vst v3;
	v3 =	vadd.f32 v6, v4;
	v4 =	vadd.f32 v7, v4  }
0x1f9: {  	v6, _, _ =	vpop (xrf2)  }
0x1fa: {  	[tilespmem:s9+$0x50] =	vst v3;
	v3 =	vadd.f32 v9, v4;
	v4 =	vadd.f32 v13, v4;
	v7 =	vperm.xlane v6, v0  }
0x1fb: {  	v9 =	vperm.xlane v1, v0;
	v11 =	vld [tilespmem:s2+$0x0];
	(xrf2) =	vadd.scan.msk.f32 $0xffff, v5;
	[tilespmem:s9+$0x10] =	vst v2  }
0x1fc: {  	v2, _, _ =	vpop (xrf2);
	[tilespmem:s9+$0x60] =	vst v3;
	v3 =	vadd.f32 v6, v4;
	v7 =	vadd.f32 v7, v4  }
0x1fd: {  	v5 =	vperm.xlane v2, v0;
	v6 =	vld [tilespmem:s2+$0x10]  }
0x1fe: {  	(xrf2) =	vadd.scan.msk.f32 $0xffff, v10;
	[tilespmem:s9+$0x70] =	vst v3;
	s9 =	smov.u32 s2  }
0x1ff: {  	v2 =	vadd.f32 v2, v7;
	s2 =	sadd.s32 $0x400, s2;
	v3 =	vadd.f32 v5, v7;
	v4, _, _ =	vpop (xrf2);
	_ =	sdelay $0x1  }
0x200: {  	[tilespmem:s9+$0xFFFFFE00] =	vst v2;
	v1 =	vadd.f32 v1, v3;
	v2 =	vadd.f32 v9, v3;
	v5 =	vld [tilespmem:s9+$0x20];
	(xrf2) =	vadd.scan.msk.f32 $0xffff, v11  }
0x201: {  	v7, _, _ =	vpop (xrf2)  }
0x202: {  	v3 =	vperm.xlane v4, v0;
	[tilespmem:s9+$0xFFFFFE10] =	vst v1;
	v1 =	vadd.f32 v4, v2;
	v9 =	vld [tilespmem:s9+$0x30]  }
0x203: {  	v4 =	vld [tilespmem:s2+$0xFFFFFE10];
	(xrf2) =	vadd.scan.msk.f32 $0xffff, v8  }
0x204: {  	[tilespmem:s9+$0xFFFFFE20] =	vst v1;
	v1 =	vadd.f32 v3, v2;
	v8 =	vld [tilespmem:s9+$0x50];
	v2, _, _ =	vpop (xrf2);
	_ =	sdelay $0x1  }
0x205: {  	v10 =	vperm.xlane v7, v0;
	v3 =	vld [tilespmem:s9+$0x60];
	(xrf2) =	vadd.scan.msk.f32 $0xffff, v12  }
0x206: {  	v11 =	vld [tilespmem:s9+$0x40];
	v12, _, _ =	vpop (xrf2)  }
0x207: {  	v13 =	vadd.f32 v12, v1  }
0x208: {  	(xrf2) =	vadd.scan.msk.f32 $0xffff, v4  }
0x209: {  	v4 =	vperm.xlane v12, v0;
	[tilespmem:s9+$0xFFFFFE30] =	vst v13;
	v12, _, _ =	vpop (xrf2);
	_ =	sdelay $0x1  }
0x20a: {  	v1 =	vadd.f32 v4, v1;
	(xrf2) =	vadd.scan.msk.f32 $0xffff, v6  }
0x20b: {  	v4 =	vperm.xlane v2, v0;
	v6, _, _ =	vpop (xrf2)  }
0x20c: {  	v7 =	vadd.f32 v7, v1;
	v1 =	vadd.f32 v10, v1  }
0x20d: {  	v10 =	vperm.xlane v6, v0;
	(xrf2) =	vadd.scan.msk.f32 $0xffff, v5  }
0x20e: {  	v2 =	vadd.f32 v2, v1;
	v13 =	vadd.f32 v4, v1;
	[tilespmem:s9+$0xFFFFFE40] =	vst v7;
	v5, _, _ =	vpop (xrf2)  }
0x20f: {  	v7 =	vperm.xlane v5, v0;
	v4 =	vld [tilespmem:s9+$0x70]  }
0x210: {  	[tilespmem:s9+$0xFFFFFE50] =	vst v2;
	v2 =	vadd.f32 v6, v13;
	v6 =	vadd.f32 v10, v13;
	(xrf2) =	vadd.scan.msk.f32 $0xffff, v9  }
0x211: {  	v9 =	vperm.xlane v12, v0;
	v1, _, _ =	vpop (xrf2)  }
0x212: {  	[tilespmem:s9+$0xFFFFFE60] =	vst v2;
	v2 =	vadd.f32 v5, v6;
	v5 =	vadd.f32 v7, v6  }
.Ltmp6:
0x213: {  	(xrf2) =	vadd.scan.msk.f32 $0xffff, v11;
	(pc) =	sbr.rel @p0 .LBB2_16-.Ltmp6, $4  }
0x214: {  	[tilespmem:s9+$0xFFFFFE70] =	vst v2;
	v2 =	vadd.f32 v12, v5;
	v6 =	vadd.f32 v9, v5;
	v7, _, _ =	vpop (xrf2)  }
0x215: {  	v9 =	vperm.xlane v7, v0  }
0x216: {  	v5 =	vld [tilespmem:s2+$0xFFFFFE00];
	[tilespmem:s9+$0x0] =	vst v2;
	v2 =	vadd.f32 v7, v6;
	(xrf2) =	vadd.scan.msk.f32 $0xffff, v8  }
0x217: {  	v6 =	vadd.f32 v9, v6;
	v7, _, _ =	vpop (xrf2)  }
0x218: {  	(xrf2) =	vadd.scan.msk.f32 $0xffff, v3;
	_ =	sdelay $0x1  }
0x219: {  	v3 =	vld [tilespmem:s2+$0xFFFFFE20];
	(xrf2) =	vadd.scan.msk.f32 $0xffff, v4  }
0x21a: {  	v22 =	vperm.xlane v7, v0;
	v8 =	vld [tilespmem:s2+$0xFFFFFE40]  }
0x21b: {  	v23 =	vld [tilespmem:s2+$0xFFFFFE50];
	v9, _, _ =	vpop (xrf2);
	(xrf2) =	vadd.scan.msk.f32 $0xffff, v5  }
0x21c: {  	v11 =	vld [tilespmem:s2+$0xFFFFFE30];
	v4 =	vadd.f32 v22, v6;
	v10 =	vperm.xlane v9, v0  }
0x21d: {  	v24 =	vadd.f32 v7, v6;
	v25, _, _ =	vpop (xrf2)  }
0x21e: {  	v9 =	vadd.f32 v9, v4;
	v4 =	vadd.f32 v10, v4;
	(xrf2) =	vadd.scan.msk.f32 $0xffff, v3;
	v12 =	vperm.xlane v25, v0  }
0x21f: {  	[tilespmem:s9+$0x20] =	vst v24;
	v3, _, _ =	vpop (xrf2);
	(xrf2) =	vadd.scan.msk.f32 $0xffff, v8  }
0x220: {  	[tilespmem:s9+$0x30] =	vst v9;
	v26 =	vadd.f32 v12, v4;
	v27 =	vperm.xlane v3, v0;
	(xrf2) =	vadd.scan.msk.f32 $0xffff, v23  }
0x221: {  	v9 =	vld [tilespmem:s2+$0x0];
	v28, _, _ =	vpop (xrf2);
	(xrf2) =	vadd.scan.msk.f32 $0xffff, v11  }
0x222: {  	v29 =	vld [tilespmem:s2+$0xFFFFFE60];
	v30 =	vperm.xlane v28, v0;
	v8 =	vadd.f32 v27, v26  }
0x223: {  	v31, _, _ =	vpop (xrf2)  }
0x224: {  	v32 =	vld [tilespmem:s2+$0xFFFFFE70];
	v4 =	vadd.f32 v25, v4;
	v13 =	vperm.xlane v31, v0;
	v11 =	vadd.f32 v30, v8  }
0x225: {  	[tilespmem:s9+$0x10] =	vst v2;
	v14, _, _ =	vpop (xrf2)  }
0x226: {  	[tilespmem:s9+$0x40] =	vst v4;
	(xrf2) =	vadd.scan.msk.f32 $0xffff, v9;
	v34 =	vperm.xlane v14, v0;
	v33 =	vadd.f32 v13, v11  }
0x227: {  	v3 =	vadd.f32 v3, v26;
	v36 =	vld [tilespmem:s2+$0x10];
	(xrf2) =	vadd.scan.msk.f32 $0xffff, v29  }
0x228: {  	v35 =	vperm.xlane v1, v0;
	v2, _, _ =	vpop (xrf2);
	v37 =	vadd.f32 v34, v33  }
0x229: {  	[tilespmem:s9+$0x50] =	vst v3;
	v3 =	vadd.f32 v28, v8;
	(xrf2) =	vadd.scan.msk.f32 $0xffff, v32;
	v38, _, _ =	vpop (xrf2)  }
0x22a: {  	v39 =	vld [tilespmem:s2+$0x20];
	v40 =	vperm.xlane v2, v0;
	v6 =	vadd.f32 v35, v37;
	v41, _, _ =	vpop (xrf2)  }
0x22b: {  	[tilespmem:s9+$0x60] =	vst v3;
	v3 =	vadd.f32 v31, v11;
	v42, _, _ =	vpop (xrf2)  }
0x22c: {  	v43 =	vld [tilespmem:s2+$0x30];
	(xrf2) =	vadd.scan.msk.f32 $0xffff, v36;
	v8 =	vadd.f32 v40, v6;
	v15 =	vperm.xlane v42, v0  }
0x22d: {  	[tilespmem:s9+$0x70] =	vst v3  }
0x22e: {  	v44 =	vld [tilespmem:s2+$0x40];
	v3 =	vperm.xlane v38, v0;
	v15 =	vadd.f32 v15, v8  }
0x22f: {  	(xrf2) =	vadd.scan.msk.f32 $0xffff, v39  }
0x230: {  	v45 =	vld [tilespmem:s2+$0x50];
	v17 =	vperm.xlane v41, v0;
	v16, _, _ =	vpop (xrf2);
	v3 =	vadd.f32 v3, v15  }
0x231: {  	v46 =	vld [tilespmem:s2+$0x60];
	(xrf2) =	vadd.scan.msk.f32 $0xffff, v43;
	v18, _, _ =	vpop (xrf2)  }
0x232: {  	v19 =	vperm.xlane v18, v0;
	v17 =	vadd.f32 v17, v3  }
0x233: {  	v20, _, _ =	vpop (xrf2);
	(xrf2) =	vadd.scan.msk.f32 $0xffff, v44  }
0x234: {  	v47 =	vperm.xlane v20, v0;
	v19 =	vadd.f32 v19, v17  }
0x235: {  	(xrf2) =	vadd.scan.msk.f32 $0xffff, v45  }
0x236: {  	v48 =	vld [tilespmem:s2+$0x70];
	v21 =	vperm.xlane v16, v0;
	v49, _, _ =	vpop (xrf2);
	(xrf2) =	vadd.scan.msk.f32 $0xffff, v46;
	v9 =	vadd.f32 v47, v19  }
0x237: {  	v1 =	vadd.f32 v1, v37  }
0x238: {  	v2 =	vadd.f32 v2, v6;
	v51 =	vperm.xlane v49, v0;
	v50 =	vadd.f32 v21, v9  }
0x239: {  	[tilespmem:s2+$0xFFFFFE10] =	vst v1;
	v1 =	vadd.f32 v42, v8;
	v52, _, _ =	vpop (xrf2)  }
0x23a: {  	[tilespmem:s2+$0xFFFFFE20] =	vst v2;
	v2 =	vadd.f32 v38, v15;
	v54 =	vperm.xlane v52, v0;
	v53 =	vadd.f32 v51, v50  }
0x23b: {  	[tilespmem:s2+$0xFFFFFE30] =	vst v1;
	v1 =	vadd.f32 v41, v3;
	v55, _, _ =	vpop (xrf2);
	(xrf2) =	vadd.scan.msk.f32 $0xffff, v48  }
0x23c: {  	[tilespmem:s2+$0xFFFFFE40] =	vst v2;
	v2 =	vadd.f32 v18, v17;
	v3 =	vperm.xlane v55, v0;
	v6 =	vadd.f32 v54, v53  }
0x23d: {  	[tilespmem:s2+$0xFFFFFE50] =	vst v1;
	v1 =	vadd.f32 v20, v19;
	v56, _, _ =	vpop (xrf2)  }
0x23e: {  	[tilespmem:s2+$0xFFFFFE60] =	vst v2;
	v2 =	vadd.f32 v16, v9;
	v57 =	vperm.xlane v56, v0;
	v3 =	vadd.f32 v3, v6  }
0x23f: {  	[tilespmem:s2+$0xFFFFFE70] =	vst v1;
	v58, _, _ =	vpop (xrf2);
	v1 =	vadd.f32 v52, v53  }
0x240: {  	v4 =	vadd.f32 v14, v33;
	[tilespmem:s2+$0x0] =	vst v2;
	v60 =	vperm.xlane v58, v0;
	v61, _, _ =	vpop (xrf2);
	v59 =	vadd.f32 v57, v3  }
0x241: {  	v2 =	vadd.f32 v55, v6;
	[tilespmem:s2+$0x20] =	vst v1;
	v1 =	vadd.f32 v56, v3;
	v3 =	vperm.xlane v61, v0  }
0x242: {  	s31 =	sadd.s32 $0x1, s31;
	[tilespmem:s2+$0xFFFFFE00] =	vst v4;
	v62 =	vadd.f32 v60, v59  }
0x243: {  	p0 =	sne.s32 s31, $0x4;
	[tilespmem:s2+$0x30] =	vst v2;
	v2 =	vadd.f32 v58, v59  }
.Ltmp7:
0x244: {  	v63 =	vadd.f32 v49, v50;
	[tilespmem:s2+$0x40] =	vst v1;
	v1 =	vadd.f32 v3, v62;
	(pc) =	sbr.rel @p0 .LBB2_15-.Ltmp7, $4  }
0x245: {  	v3, _, _ =	vpop (xrf2);
	[tilespmem:s2+$0x50] =	vst v2;
	v2 =	vadd.f32 v61, v62  }
0x246: {  	[tilespmem:s2+$0x10] =	vst v63;
	v1 =	vadd.f32 v3, v1  }
0x247: {  	[tilespmem:s2+$0x60] =	vst v2  }
0x248: {  	s0 =	sadd.s32 $0x80, s0;
	[tilespmem:s2+$0x70] =	vst v1  }
0x249: {  	s0 =	sadd.s32 s30, s11;
	s31 =	sadd.s32 $0x18, s29;
	s28 =	sadd.s32 $0x1, s28  }
0x24a: {  	[hbm4b:s0+s13] =	stream.strided.scatter [tilespmem:s18], [sflag:$0x8], $0x4000, s14, s13, $0x38;
	[tilespmem:$0x10000] =	vst v63  }
0x24b: {  	s0 =	smin.u32 s31, s6;
	p0 =	sne.s32 s28, $0x8  }
.Ltmp8:
0x24c: {  	s2 =	sshll.u32 s0, $0x4;
	(pc) =	sbr.rel @p0 .LBB2_2-.Ltmp8, $4  }
0x24d: {  	_ =	swait.ge [sflag:s24], $0x4000;
	s0 =	sshll.u32 s0, $0x9;
	s2 =	sand.u32 $0x40, s2  }
0x24e: {  	[sflag:s24] =	ssyncset.done $0x0;
	s0 =	sand.u32 $0x1FF000, s0;
	s2 =	sadd.s32 s1, s2  }
0x24f: {  	[sflag:s24] =	ssyncadd.s32 $0xFFFFC000;
	s0 =	sadd.s32 s0, s2  }
0x250: {  	[tilespmem:s16], [sflag:$0x3] =	stream.strided.gather [hbm4b:s0+s13], $0x4000, s14, s13, $0x38;
	[tilespmem:$0x10000] =	vst v63  }
0x251: {  	_ =	swait.ge [sflag:s17], $0x4000  }
0x252: {  	[sflag:s17] =	ssyncset.done $0x0  }
0x253: {  	[sflag:s17] =	ssyncadd.s32 $0xFFFFC000  }
0x254: {  	_ =	swait.ge [sflag:s19], $0x4000  }
0x255: {  	[sflag:s19] =	ssyncset.done $0x0  }
0x256: {  	s26 =	sadd.s32 $0x1, s26;
	[sflag:s19] =	ssyncadd.s32 $0xFFFFC000  }
0x257: {  	p0 =	sne.s32 s26, s12;
	_ =	swait.ge [sflag:s21], $0x4000  }
.Ltmp9:
0x258: {  	[sflag:s21] =	ssyncset.done $0x0;
	(pc) =	sbr.rel @p0 .LBB2_1-.Ltmp9, $4  }
0x259: {  	[sflag:s21] =	ssyncadd.s32 $0xFFFFC000  }
0x25a: {  	_ =	swait.ge [sflag:s25], $0x4000  }
0x25b: {  	[sflag:s25] =	ssyncset.done $0x0  }
0x25c: {  	[sflag:s25] =	ssyncadd.s32 $0xFFFFC000  }
0x25d: {  	_ =	sfence.sel $0x180000  }
0x25e: {  	[bflag:$0x0] =	sbarrier.arrive $0xFFFF  }
0x25f: {  	_ =	strace $0x90000047  }
0x260: {  	s0 =	stileid.u32;
	[bflag:$0x2] =	sbarrier.arrive $0xFFFF  }
0x261: {  	p0 =	sne.s32 s0, $0x0;
	s0 =	rddreg [dreg:$0x2]  }
0x262: {  	s0 =	sadd.s32 @!p0 $0x100000, s0  }
0x263: {  	[sflag:s0] =	ssyncadd.tile.s32 @!p0 $0x1;
	_ =	shalt  }
.Lfunc_end2:
_tile_overlayer_lowered:
.L_overlay_start_2:
0x264: {  	(tag) =	ssettag $0x2  }
0x265: {  	s0 =	rddreg [dreg:$0x0];
	s2 =	stileid.u32  }
0x266: {  	s1 =	rddreg [dreg:$0x1];
	p0 =	sne.s32 s2, $0x0  }
0x267: {  	s3 =	rddreg [dreg:$0x2];
	[bflag:$0x3] =	sbarrier.arrive $0xFFFF;
	s2 =	simm.s32 @!p0 $0x1C09  }
0x268: {  	[timem:s3], [sflag:s2] =	dma.local @!p0 [hbm:s0], s1  }
0x269: {  	s0 =	simm.s32 @!p0 $0x9  }
0x26a: {  	_ =	swait.ge @!p0 [sflag:s0], s1  }
0x26b: {  	s1 =	ssub.s32 @!p0 $0x0, s1;
	[sflag:s0] =	ssyncset.done @!p0 $0x0  }
0x26c: {  	[sflag:s0] =	ssyncadd.s32 @!p0 s1  }
0x26d: {  	[bflag:$0x3] =	sbarrier.arrive $0xFFFF  }
0x26e: {  	_ =	shalt  }

</sc_bundles>
